<compile_context>
chip_gen: v7x
topology: tpu7x:2x2x1
jax: 0.10.2.dev20260603
libtpu: 0.0.44.dev20260713+nightly
codegen_flags: <defaults>
</compile_context>

<pallas_src>
import jax
import jax.numpy as jnp
from jax import lax
from jax.experimental import pallas as pl
from jax.experimental.pallas import tpu as pltpu
from jax.experimental.pallas import tpu_sc as plsc

NROI = 64
NPTS = 20000
NFEAT = 16
OX = OY = OZ = 12
NVOX = OX * OY * OZ
MV = 128
NWORK = 32
RPW = NROI // NWORK
PVEC = NPTS // 16


def _broadcast_params(prm):
  return [jnp.broadcast_to(prm[k], (16,)) for k in range(13)]


BLKV = 10
NBLK = PVEC // BLKV


def _body(xs, ys, zs, roip, feat, outf, outsel,
          xs_v, ys_v, zs_v, roip_v, pool0_v, pool1_v, occ0_v, occ1_v,
          sel_v, row_v, outf_v, outsel_v):
  cid = lax.axis_index("c")
  sid = lax.axis_index("s")
  wid = sid * 2 + cid

  pltpu.sync_copy(xs, xs_v)
  pltpu.sync_copy(ys, ys_v)
  pltpu.sync_copy(zs, zs_v)
  pltpu.sync_copy(roip, roip_v)

  n0 = wid * RPW
  n1 = n0 + 1
  (cx0, cy0, cz0, cc0, ss0, dx0, dy0, dz0, gx0, gy0, gz0, hx0, hy0
   ) = _broadcast_params(roip_v[pl.ds(n0 * 16, 16)])
  (cx1, cy1, cz1, cc1, ss1, dx1, dy1, dz1, gx1, gy1, gz1, hx1, hy1
   ) = _broadcast_params(roip_v[pl.ds(n1 * 16, 16)])

  zero16 = jnp.zeros((16,), jnp.int32)
  neg_inf = jnp.full((16,), -jnp.inf, jnp.float32)
  ones16 = jnp.ones((16,), jnp.int32)
  zero16f = jnp.zeros((16,), jnp.float32)

  def zocc(i, _):
    for u in range(2):
      occ0_v[pl.ds((i * 2 + u) * 16, 16)] = zero16
      occ1_v[pl.ds((i * 2 + u) * 16, 16)] = zero16
    return 0
  lax.fori_loop(0, NVOX // 32, zocc, 0)

  def zpool(i, _):
    for u in range(2):
      pool0_v[pl.ds((i * 2 + u) * 16, 16)] = neg_inf
      pool1_v[pl.ds((i * 2 + u) * 16, 16)] = neg_inf
    return 0
  lax.fori_loop(0, NVOX * NFEAT // 32, zpool, 0)

  def masks_for(i):
    x = xs_v[pl.ds(i * 16, 16)]
    y = ys_v[pl.ds(i * 16, 16)]
    z = zs_v[pl.ds(i * 16, 16)]
    sx0 = x - cx0
    sy0 = y - cy0
    xl0 = sx0 * cc0 - sy0 * ss0 + hx0
    yl0 = sx0 * ss0 + sy0 * cc0 + hy0
    zl0 = z - cz0
    inb0 = (((xl0 >= zero16f) & (xl0 < dx0))
            & ((yl0 >= zero16f) & (yl0 < dy0))
            & ((zl0 >= zero16f) & (zl0 < dz0)))
    sx1 = x - cx1
    sy1 = y - cy1
    xl1 = sx1 * cc1 - sy1 * ss1 + hx1
    yl1 = sx1 * ss1 + sy1 * cc1 + hy1
    zl1 = z - cz1
    inb1 = (((xl1 >= zero16f) & (xl1 < dx1))
            & ((yl1 >= zero16f) & (yl1 < dy1))
            & ((zl1 >= zero16f) & (zl1 < dz1)))
    return inb0, xl0, yl0, zl0, inb1, xl1, yl1, zl1

  def vec_body(i):
    inb0, xl0, yl0, zl0, inb1, xl1, yl1, zl1 = masks_for(i)
    hit = plsc.all_reduce_population_count(inb0 | inb1)[0]

    @pl.when(hit > 0)
    def _():
      for inb, xl, yl, zl, gx, gy, gz, occ_v, pool_v in (
          (inb0, xl0, yl0, zl0, gx0, gy0, gz0, occ0_v, pool0_v),
          (inb1, xl1, yl1, zl1, gx1, gy1, gz1, occ1_v, pool1_v)):
        cnt = plsc.all_reduce_population_count(inb)[0]

        @pl.when(cnt > 0)
        def _():
          mi = inb.astype(jnp.int32)
          vx = jnp.clip((xl / gx).astype(jnp.int32), 0, OX - 1)
          vy = jnp.clip((yl / gy).astype(jnp.int32), 0, OY - 1)
          vz = jnp.clip((zl / gz).astype(jnp.int32), 0, OZ - 1)
          vox = (vx * OY + vy) * OZ + vz
          plsc.store_scatter(occ_v, [vox], ones16, mask=inb)
          for l in range(16):
            @pl.when(mi[l] != 0)
            def _():
              base = vox[l] * NFEAT
              pltpu.sync_copy(feat.at[pl.ds((i * 16 + l) * NFEAT, 16)],
                              row_v)
              fr = row_v[...]
              pool_v[pl.ds(base, 16)] = jnp.maximum(
                  pool_v[pl.ds(base, 16)], fr)

  def sweep(i, _):
    vec_body(i)
    return 0
  lax.fori_loop(0, PVEC, sweep, 0)

  jv16 = lax.iota(jnp.int32, 16)

  for n, pool_v, occ_v in ((n0, pool0_v, occ0_v), (n1, pool1_v, occ1_v)):
    def compact(i, pos):
      ov = occ_v[pl.ds(i * 16, 16)]
      m = ov != 0
      mi2 = m.astype(jnp.int32)
      ids = lax.iota(jnp.int32, 16) + i * 16
      tgt = pos + (plsc.cumsum(mi2) - mi2)
      plsc.store_scatter(sel_v, [tgt], ids, mask=m)
      return pos + plsc.all_reduce_population_count(m)[0]
    n_ne = lax.fori_loop(0, NVOX // 16, compact, 0)

    def emit(jv, _):
      selvec = sel_v[pl.ds(jv * 16, 16)]
      validv = (jv16 + jv * 16) < n_ne
      validi = validv.astype(jnp.int32)
      safe = jnp.where(validv, selvec, 0)
      outsel_v[pl.ds(jv * 16, 16)] = jnp.where(validv, selvec, -1)
      for l in range(16):
        rowd = pool_v[pl.ds(safe[l] * NFEAT, 16)]
        outf_v[pl.ds((jv * 16 + l) * 16, 16)] = jnp.where(
            validi[l] != 0, rowd, 0.0)
      return 0
    lax.fori_loop(0, MV // 16, emit, 0)

    pltpu.sync_copy(outf_v, outf.at[n])
    pltpu.sync_copy(outsel_v, outsel.at[n])


@jax.jit
def _run(xs, ys, zs, roip, feat):
  f = pl.kernel(
      _body,
      out_type=(jax.ShapeDtypeStruct((NROI, MV * NFEAT), jnp.float32),
                jax.ShapeDtypeStruct((NROI, MV), jnp.int32)),
      mesh=plsc.VectorSubcoreMesh(core_axis_name="c", subcore_axis_name="s"),
      compiler_params=pltpu.CompilerParams(needs_layout_passes=False),
      scratch_types=[
          pltpu.VMEM((NPTS,), jnp.float32),
          pltpu.VMEM((NPTS,), jnp.float32),
          pltpu.VMEM((NPTS,), jnp.float32),
          pltpu.VMEM((NROI * 16,), jnp.float32),
          pltpu.VMEM((NVOX * NFEAT,), jnp.float32),
          pltpu.VMEM((NVOX * NFEAT,), jnp.float32),
          pltpu.VMEM((NVOX,), jnp.int32),
          pltpu.VMEM((NVOX,), jnp.int32),
          pltpu.VMEM((NVOX + 16,), jnp.int32),
          pltpu.VMEM((16,), jnp.float32),
          pltpu.VMEM((MV * NFEAT,), jnp.float32),
          pltpu.VMEM((MV,), jnp.int32),
      ],
  )
  return f(xs, ys, zs, roip, feat)


def kernel(rois, pts, pts_feature):
  centers = rois[:, 0:3]
  dims = rois[:, 3:6]
  rz = rois[:, 6]
  cc = jnp.cos(-rz)
  ss = jnp.sin(-rz)
  pad = jnp.zeros((NROI,), jnp.float32)
  roip = jnp.stack([
      centers[:, 0], centers[:, 1], centers[:, 2],
      cc, ss,
      dims[:, 0], dims[:, 1], dims[:, 2],
      dims[:, 0] / OX, dims[:, 1] / OY, dims[:, 2] / OZ,
      dims[:, 0] * 0.5, dims[:, 1] * 0.5,
      pad, pad, pad,
  ], axis=1).astype(jnp.float32).reshape(NROI * 16)
  xs = pts[:, 0].astype(jnp.float32)
  ys = pts[:, 1].astype(jnp.float32)
  zs = pts[:, 2].astype(jnp.float32)
  featout, selout = _run(
      xs, ys, zs, roip,
      pts_feature.astype(jnp.float32).reshape(NPTS * NFEAT))
  pooled_features = featout.reshape(NROI, MV, NFEAT)
  valid = selout >= 0
  svx = selout // (OY * OZ)
  rem = selout % (OY * OZ)
  svy = rem // OZ
  svz = rem % OZ
  coors = jnp.stack([svx, svy, svz], axis=-1).astype(jnp.int32)
  pooled_coors = jnp.where(valid[..., None], coors, -1)
  return pooled_features, pooled_coors

# --- scband reference (transcript-rebuilt; emitter-appended) ---
"""Pipeline reference for scband-sparse-roivoxelization-27470610826028 (READ-ONLY COPY).

The authoritative reference and input builder live on the scoring server;
editing this copy changes nothing except your own understanding.
"""

import jax, jax.numpy as jnp
import numpy as np

OUT_SIZE = (12, 12, 12)
MAX_PTS_PER_VOXEL = 128
MAX_VOXELS = 128
MODE = 0  # 0 = max pool, 1 = avg pool


def setup_inputs(seed: int = 0) -> dict:
    key = jax.random.key(seed)
    k1, k2, k3, k4, k5, k6, k7 = jax.random.split(key, 7)
    N, P, C = 64, 20000, 16
    centers_xy = jax.random.uniform(k1, (N, 2), minval=-20.0, maxval=20.0)
    centers_z = jax.random.uniform(k2, (N, 1), minval=-2.0, maxval=0.0)
    dims = jax.random.uniform(k3, (N, 3), minval=2.0, maxval=6.0)
    rz = jax.random.uniform(k4, (N, 1), minval=-np.pi, maxval=np.pi)
    rois = jnp.concatenate([centers_xy, centers_z, dims, rz], axis=1)
    pts_xy = jax.random.uniform(k5, (P, 2), minval=-25.0, maxval=25.0)
    pts_z = jax.random.uniform(k6, (P, 1), minval=-3.0, maxval=4.0)
    pts = jnp.concatenate([pts_xy, pts_z], axis=1)
    pts_feature = jax.random.normal(k7, (P, C), dtype=jnp.float32)
    return {"rois": rois, "pts": pts, "pts_feature": pts_feature}


def _forward(rois, pts, pts_feature):
    N = rois.shape[0]
    P = pts.shape[0]
    C = pts_feature.shape[1]
    ox, oy, oz = OUT_SIZE
    V = ox * oy * oz
    centers = rois[:, 0:3]
    dims = rois[:, 3:6]
    rz = rois[:, 6]
    # transform points into each roi's canonical frame (rotate by -rz about bottom center)
    shifted = pts[None, :, :] - centers[:, None, :]  # [N, P, 3]
    c = jnp.cos(-rz)[:, None]
    s = jnp.sin(-rz)[:, None]
    xl = shifted[..., 0] * c - shifted[..., 1] * s + dims[:, 0:1] * 0.5
    yl = shifted[..., 0] * s + shifted[..., 1] * c + dims[:, 1:2] * 0.5
    zl = shifted[..., 2]  # z is bottom center, so local z in [0, dz]
    in_box = (
        (xl >= 0) & (xl < dims[:, 0:1])
        & (yl >= 0) & (yl < dims[:, 1:2])
        & (zl >= 0) & (zl < dims[:, 2:3])
    )
    vx = jnp.clip(jnp.floor(xl / (dims[:, 0:1] / ox)).astype(jnp.int32), 0, ox - 1)
    vy = jnp.clip(jnp.floor(yl / (dims[:, 1:2] / oy)).astype(jnp.int32), 0, oy - 1)
    vz = jnp.clip(jnp.floor(zl / (dims[:, 2:3] / oz)).astype(jnp.int32), 0, oz - 1)
    voxel_id = (vx * oy + vy) * oz + vz  # [N, P]
    roi_ids = jnp.arange(N, dtype=jnp.int32)[:, None]
    seg = jnp.where(in_box, roi_ids * V + voxel_id, N * V).reshape(-1)  # [N*P]
    feat = jnp.broadcast_to(pts_feature[None], (N, P, C)).reshape(N * P, C)
    counts = jax.ops.segment_sum(
        jnp.ones((N * P,), jnp.float32), seg, num_segments=N * V + 1
    )[: N * V].reshape(N, V)
    if MODE == 0:
        pooled = jax.ops.segment_max(feat, seg, num_segments=N * V + 1)[: N * V].reshape(N, V, C)
    else:
        ssum = jax.ops.segment_sum(feat, seg, num_segments=N * V + 1)[: N * V].reshape(N, V, C)
        pooled = ssum / jnp.maximum(counts, 1.0)[..., None]
    nonempty = counts > 0
    pooled = jnp.where(nonempty[..., None], pooled, 0.0)
    # sparse compression: gather first MAX_VOXELS non-empty voxels per roi (stable order)
    order = jnp.argsort(jnp.where(nonempty, 0, 1), axis=1)  # stable sort -> non-empty first
    sel = order[:, :MAX_VOXELS]  # [N, MAX_VOXELS]
    sel_feat = jnp.take_along_axis(pooled, sel[..., None], axis=1)
    n_ne = jnp.sum(nonempty.astype(jnp.int32), axis=1)
    valid = jnp.arange(MAX_VOXELS, dtype=jnp.int32)[None, :] < n_ne[:, None]
    pooled_features = jnp.where(valid[..., None], sel_feat, 0.0)
    svx = sel // (oy * oz)
    rem = sel % (oy * oz)
    svy = rem // oz
    svz = rem % oz
    coors = jnp.stack([svx, svy, svz], axis=-1).astype(jnp.int32)
    pooled_coors = jnp.where(valid[..., None], coors, -1)
    return pooled_features, pooled_coors


def reference(rois, pts, pts_feature):
    return _forward(rois, pts, pts_feature)

if __name__ == "__main__":
    import jax
    _d = setup_inputs()
    print(jax.jit(kernel)(*tuple(_d.values())))

</pallas_src>

<mosaic_0001>
#map = affine_map<(d0, d1) -> (0)>
#map1 = affine_map<(d0, d1) -> (0, 0)>
module attributes {stable_mosaic.version = 14 : i64} {
  func.func @_body(%arg0: i32, %arg1: i32, %arg2: memref<20000xf32, #tpu.memory_space<hbm>>, %arg3: memref<20000xf32, #tpu.memory_space<hbm>>, %arg4: memref<20000xf32, #tpu.memory_space<hbm>>, %arg5: memref<1024xf32, #tpu.memory_space<hbm>>, %arg6: memref<320000xf32, #tpu.memory_space<hbm>>, %arg7: memref<64x2048xf32, #tpu.memory_space<hbm>>, %arg8: memref<64x128xi32, #tpu.memory_space<hbm>>, %arg9: memref<20000xf32, #tpu.memory_space<vmem>>, %arg10: memref<20000xf32, #tpu.memory_space<vmem>>, %arg11: memref<20000xf32, #tpu.memory_space<vmem>>, %arg12: memref<1024xf32, #tpu.memory_space<vmem>>, %arg13: memref<27648xf32, #tpu.memory_space<vmem>>, %arg14: memref<27648xf32, #tpu.memory_space<vmem>>, %arg15: memref<1728xi32, #tpu.memory_space<vmem>>, %arg16: memref<1728xi32, #tpu.memory_space<vmem>>, %arg17: memref<1744xi32, #tpu.memory_space<vmem>>, %arg18: memref<16xf32, #tpu.memory_space<vmem>>, %arg19: memref<2048xf32, #tpu.memory_space<vmem>>, %arg20: memref<128xi32, #tpu.memory_space<vmem>>) attributes {dimension_semantics = [#tpu.dimension_semantics<core_parallel>, #tpu.dimension_semantics<subcore_parallel>], iteration_bounds = array<i64: 2, 16>, scalar_prefetch = 0 : i64, scratch_operands = 12 : i64, tpu.core_type = #tpu.core_type<sc_vector_subcore>, window_params = [{transform_indices = #map}, {transform_indices = #map}, {transform_indices = #map}, {transform_indices = #map}, {transform_indices = #map}, {transform_indices = #map1}, {transform_indices = #map1}]} {
    %mul3A = arith.constant 2 : i32
    %mul3A_0 = arith.muli %arg1, %mul3A : i32
    %add3A = arith.addi %mul3A_0, %arg0 : i32
    "tpu.region"() ({
      %run_scoped3A = tpu.sem_alloc : memref<!tpu.dma_semaphore, #tpu.memory_space<semaphore_mem>>
      tpu.enqueue_dma source(%arg2 : memref<20000xf32, #tpu.memory_space<hbm>>) target(%arg9 : memref<20000xf32, #tpu.memory_space<vmem>>) target_semaphore(%run_scoped3A : memref<!tpu.dma_semaphore, #tpu.memory_space<semaphore_mem>>)
      tpu.wait_dma2 semaphore(%run_scoped3A : memref<!tpu.dma_semaphore, #tpu.memory_space<semaphore_mem>>) src(%arg2 : memref<20000xf32, #tpu.memory_space<hbm>>) dst(%arg9 : memref<20000xf32, #tpu.memory_space<vmem>>)
      tpu.yield
    }) : () -> ()
    "tpu.region"() ({
      %run_scoped3A = tpu.sem_alloc : memref<!tpu.dma_semaphore, #tpu.memory_space<semaphore_mem>>
      tpu.enqueue_dma source(%arg3 : memref<20000xf32, #tpu.memory_space<hbm>>) target(%arg10 : memref<20000xf32, #tpu.memory_space<vmem>>) target_semaphore(%run_scoped3A : memref<!tpu.dma_semaphore, #tpu.memory_space<semaphore_mem>>)
      tpu.wait_dma2 semaphore(%run_scoped3A : memref<!tpu.dma_semaphore, #tpu.memory_space<semaphore_mem>>) src(%arg3 : memref<20000xf32, #tpu.memory_space<hbm>>) dst(%arg10 : memref<20000xf32, #tpu.memory_space<vmem>>)
      tpu.yield
    }) : () -> ()
    "tpu.region"() ({
      %run_scoped3A = tpu.sem_alloc : memref<!tpu.dma_semaphore, #tpu.memory_space<semaphore_mem>>
      tpu.enqueue_dma source(%arg4 : memref<20000xf32, #tpu.memory_space<hbm>>) target(%arg11 : memref<20000xf32, #tpu.memory_space<vmem>>) target_semaphore(%run_scoped3A : memref<!tpu.dma_semaphore, #tpu.memory_space<semaphore_mem>>)
      tpu.wait_dma2 semaphore(%run_scoped3A : memref<!tpu.dma_semaphore, #tpu.memory_space<semaphore_mem>>) src(%arg4 : memref<20000xf32, #tpu.memory_space<hbm>>) dst(%arg11 : memref<20000xf32, #tpu.memory_space<vmem>>)
      tpu.yield
    }) : () -> ()
    "tpu.region"() ({
      %run_scoped3A = tpu.sem_alloc : memref<!tpu.dma_semaphore, #tpu.memory_space<semaphore_mem>>
      tpu.enqueue_dma source(%arg5 : memref<1024xf32, #tpu.memory_space<hbm>>) target(%arg12 : memref<1024xf32, #tpu.memory_space<vmem>>) target_semaphore(%run_scoped3A : memref<!tpu.dma_semaphore, #tpu.memory_space<semaphore_mem>>)
      tpu.wait_dma2 semaphore(%run_scoped3A : memref<!tpu.dma_semaphore, #tpu.memory_space<semaphore_mem>>) src(%arg5 : memref<1024xf32, #tpu.memory_space<hbm>>) dst(%arg12 : memref<1024xf32, #tpu.memory_space<vmem>>)
      tpu.yield
    }) : () -> ()
    %mul3A_1 = arith.constant 2 : i32
    %mul3A_2 = arith.muli %add3A, %mul3A_1 : i32
    %add3A_3 = arith.constant 1 : i32
    %add3A_4 = arith.addi %mul3A_2, %add3A_3 : i32
    %mul3A_5 = arith.constant 16 : i32
    %mul3A_6 = arith.muli %mul3A_2, %mul3A_5 : i32
    %get3A = arith.index_cast %mul3A_6 : i32 to index
    %get3A_7 = tpu.vector_load %arg12[%get3A] {strides = array<i32>} : memref<1024xf32, #tpu.memory_space<vmem>>, vector<16xf32>,
    %slice3A = vector.extract_strided_slice %get3A_7 {offsets = [0], sizes = [1], strides = [1]} : vector<16xf32> to vector<1xf32>
    %squeeze3A = vector.extract %slice3A[0] : f32 from vector<1xf32>
    %broadcast_in_dim3A = vector.broadcast %squeeze3A : f32 to vector<16xf32>
    %slice3A_8 = vector.extract_strided_slice %get3A_7 {offsets = [1], sizes = [1], strides = [1]} : vector<16xf32> to vector<1xf32>
    %squeeze3A_9 = vector.extract %slice3A_8[0] : f32 from vector<1xf32>
    %broadcast_in_dim3A_10 = vector.broadcast %squeeze3A_9 : f32 to vector<16xf32>
    %slice3A_11 = vector.extract_strided_slice %get3A_7 {offsets = [2], sizes = [1], strides = [1]} : vector<16xf32> to vector<1xf32>
    %squeeze3A_12 = vector.extract %slice3A_11[0] : f32 from vector<1xf32>
    %broadcast_in_dim3A_13 = vector.broadcast %squeeze3A_12 : f32 to vector<16xf32>
    %slice3A_14 = vector.extract_strided_slice %get3A_7 {offsets = [3], sizes = [1], strides = [1]} : vector<16xf32> to vector<1xf32>
    %squeeze3A_15 = vector.extract %slice3A_14[0] : f32 from vector<1xf32>
    %broadcast_in_dim3A_16 = vector.broadcast %squeeze3A_15 : f32 to vector<16xf32>
    %slice3A_17 = vector.extract_strided_slice %get3A_7 {offsets = [4], sizes = [1], strides = [1]} : vector<16xf32> to vector<1xf32>
    %squeeze3A_18 = vector.extract %slice3A_17[0] : f32 from vector<1xf32>
    %broadcast_in_dim3A_19 = vector.broadcast %squeeze3A_18 : f32 to vector<16xf32>
    %slice3A_20 = vector.extract_strided_slice %get3A_7 {offsets = [5], sizes = [1], strides = [1]} : vector<16xf32> to vector<1xf32>
    %squeeze3A_21 = vector.extract %slice3A_20[0] : f32 from vector<1xf32>
    %broadcast_in_dim3A_22 = vector.broadcast %squeeze3A_21 : f32 to vector<16xf32>
    %slice3A_23 = vector.extract_strided_slice %get3A_7 {offsets = [6], sizes = [1], strides = [1]} : vector<16xf32> to vector<1xf32>
    %squeeze3A_24 = vector.extract %slice3A_23[0] : f32 from vector<1xf32>
    %broadcast_in_dim3A_25 = vector.broadcast %squeeze3A_24 : f32 to vector<16xf32>
    %slice3A_26 = vector.extract_strided_slice %get3A_7 {offsets = [7], sizes = [1], strides = [1]} : vector<16xf32> to vector<1xf32>
    %squeeze3A_27 = vector.extract %slice3A_26[0] : f32 from vector<1xf32>
    %broadcast_in_dim3A_28 = vector.broadcast %squeeze3A_27 : f32 to vector<16xf32>
    %slice3A_29 = vector.extract_strided_slice %get3A_7 {offsets = [8], sizes = [1], strides = [1]} : vector<16xf32> to vector<1xf32>
    %squeeze3A_30 = vector.extract %slice3A_29[0] : f32 from vector<1xf32>
    %broadcast_in_dim3A_31 = vector.broadcast %squeeze3A_30 : f32 to vector<16xf32>
    %slice3A_32 = vector.extract_strided_slice %get3A_7 {offsets = [9], sizes = [1], strides = [1]} : vector<16xf32> to vector<1xf32>
    %squeeze3A_33 = vector.extract %slice3A_32[0] : f32 from vector<1xf32>
    %broadcast_in_dim3A_34 = vector.broadcast %squeeze3A_33 : f32 to vector<16xf32>
    %slice3A_35 = vector.extract_strided_slice %get3A_7 {offsets = [10], sizes = [1], strides = [1]} : vector<16xf32> to vector<1xf32>
    %squeeze3A_36 = vector.extract %slice3A_35[0] : f32 from vector<1xf32>
    %broadcast_in_dim3A_37 = vector.broadcast %squeeze3A_36 : f32 to vector<16xf32>
    %slice3A_38 = vector.extract_strided_slice %get3A_7 {offsets = [11], sizes = [1], strides = [1]} : vector<16xf32> to vector<1xf32>
    %squeeze3A_39 = vector.extract %slice3A_38[0] : f32 from vector<1xf32>
    %broadcast_in_dim3A_40 = vector.broadcast %squeeze3A_39 : f32 to vector<16xf32>
    %slice3A_41 = vector.extract_strided_slice %get3A_7 {offsets = [12], sizes = [1], strides = [1]} : vector<16xf32> to vector<1xf32>
    %squeeze3A_42 = vector.extract %slice3A_41[0] : f32 from vector<1xf32>
    %broadcast_in_dim3A_43 = vector.broadcast %squeeze3A_42 : f32 to vector<16xf32>
    %mul3A_44 = arith.constant 16 : i32
    %mul3A_45 = arith.muli %add3A_4, %mul3A_44 : i32
    %get3A_46 = arith.index_cast %mul3A_45 : i32 to index
    %get3A_47 = tpu.vector_load %arg12[%get3A_46] {strides = array<i32>} : memref<1024xf32, #tpu.memory_space<vmem>>, vector<16xf32>,
    %slice3A_48 = vector.extract_strided_slice %get3A_47 {offsets = [0], sizes = [1], strides = [1]} : vector<16xf32> to vector<1xf32>
    %squeeze3A_49 = vector.extract %slice3A_48[0] : f32 from vector<1xf32>
    %broadcast_in_dim3A_50 = vector.broadcast %squeeze3A_49 : f32 to vector<16xf32>
    %slice3A_51 = vector.extract_strided_slice %get3A_47 {offsets = [1], sizes = [1], strides = [1]} : vector<16xf32> to vector<1xf32>
    %squeeze3A_52 = vector.extract %slice3A_51[0] : f32 from vector<1xf32>
    %broadcast_in_dim3A_53 = vector.broadcast %squeeze3A_52 : f32 to vector<16xf32>
    %slice3A_54 = vector.extract_strided_slice %get3A_47 {offsets = [2], sizes = [1], strides = [1]} : vector<16xf32> to vector<1xf32>
    %squeeze3A_55 = vector.extract %slice3A_54[0] : f32 from vector<1xf32>
    %broadcast_in_dim3A_56 = vector.broadcast %squeeze3A_55 : f32 to vector<16xf32>
    %slice3A_57 = vector.extract_strided_slice %get3A_47 {offsets = [3], sizes = [1], strides = [1]} : vector<16xf32> to vector<1xf32>
    %squeeze3A_58 = vector.extract %slice3A_57[0] : f32 from vector<1xf32>
    %broadcast_in_dim3A_59 = vector.broadcast %squeeze3A_58 : f32 to vector<16xf32>
    %slice3A_60 = vector.extract_strided_slice %get3A_47 {offsets = [4], sizes = [1], strides = [1]} : vector<16xf32> to vector<1xf32>
    %squeeze3A_61 = vector.extract %slice3A_60[0] : f32 from vector<1xf32>
    %broadcast_in_dim3A_62 = vector.broadcast %squeeze3A_61 : f32 to vector<16xf32>
    %slice3A_63 = vector.extract_strided_slice %get3A_47 {offsets = [5], sizes = [1], strides = [1]} : vector<16xf32> to vector<1xf32>
    %squeeze3A_64 = vector.extract %slice3A_63[0] : f32 from vector<1xf32>
    %broadcast_in_dim3A_65 = vector.broadcast %squeeze3A_64 : f32 to vector<16xf32>
    %slice3A_66 = vector.extract_strided_slice %get3A_47 {offsets = [6], sizes = [1], strides = [1]} : vector<16xf32> to vector<1xf32>
    %squeeze3A_67 = vector.extract %slice3A_66[0] : f32 from vector<1xf32>
    %broadcast_in_dim3A_68 = vector.broadcast %squeeze3A_67 : f32 to vector<16xf32>
    %slice3A_69 = vector.extract_strided_slice %get3A_47 {offsets = [7], sizes = [1], strides = [1]} : vector<16xf32> to vector<1xf32>
    %squeeze3A_70 = vector.extract %slice3A_69[0] : f32 from vector<1xf32>
    %broadcast_in_dim3A_71 = vector.broadcast %squeeze3A_70 : f32 to vector<16xf32>
    %slice3A_72 = vector.extract_strided_slice %get3A_47 {offsets = [8], sizes = [1], strides = [1]} : vector<16xf32> to vector<1xf32>
    %squeeze3A_73 = vector.extract %slice3A_72[0] : f32 from vector<1xf32>
    %broadcast_in_dim3A_74 = vector.broadcast %squeeze3A_73 : f32 to vector<16xf32>
    %slice3A_75 = vector.extract_strided_slice %get3A_47 {offsets = [9], sizes = [1], strides = [1]} : vector<16xf32> to vector<1xf32>
    %squeeze3A_76 = vector.extract %slice3A_75[0] : f32 from vector<1xf32>
    %broadcast_in_dim3A_77 = vector.broadcast %squeeze3A_76 : f32 to vector<16xf32>
    %slice3A_78 = vector.extract_strided_slice %get3A_47 {offsets = [10], sizes = [1], strides = [1]} : vector<16xf32> to vector<1xf32>
    %squeeze3A_79 = vector.extract %slice3A_78[0] : f32 from vector<1xf32>
    %broadcast_in_dim3A_80 = vector.broadcast %squeeze3A_79 : f32 to vector<16xf32>
    %slice3A_81 = vector.extract_strided_slice %get3A_47 {offsets = [11], sizes = [1], strides = [1]} : vector<16xf32> to vector<1xf32>
    %squeeze3A_82 = vector.extract %slice3A_81[0] : f32 from vector<1xf32>
    %broadcast_in_dim3A_83 = vector.broadcast %squeeze3A_82 : f32 to vector<16xf32>
    %slice3A_84 = vector.extract_strided_slice %get3A_47 {offsets = [12], sizes = [1], strides = [1]} : vector<16xf32> to vector<1xf32>
    %squeeze3A_85 = vector.extract %slice3A_84[0] : f32 from vector<1xf32>
    %broadcast_in_dim3A_86 = vector.broadcast %squeeze3A_85 : f32 to vector<16xf32>
    %broadcast_in_dim3A_87 = arith.constant 0 : i32
    %broadcast_in_dim3A_88 = vector.broadcast %broadcast_in_dim3A_87 : i32 to vector<16xi32>
    %broadcast_in_dim3A_89 = arith.constant 0xFF800000 : f32
    %broadcast_in_dim3A_90 = vector.broadcast %broadcast_in_dim3A_89 : f32 to vector<16xf32>
    %broadcast_in_dim3A_91 = arith.constant 1 : i32
    %broadcast_in_dim3A_92 = vector.broadcast %broadcast_in_dim3A_91 : i32 to vector<16xi32>
    %broadcast_in_dim3A_93 = arith.constant 0.000000e+00 : f32
    %broadcast_in_dim3A_94 = vector.broadcast %broadcast_in_dim3A_93 : f32 to vector<16xf32>
    %scan3A = arith.constant 0 : i32
    %scan3A_95 = arith.constant 0 : i32
    %scan3A_96 = arith.constant 54 : i32
    %scan3A_97 = arith.addi %scan3A_95, %scan3A_96 : i32
    %scan3A_98 = arith.constant 1 : i32
    %scan3A_99 = scf.for %scan3A_143 = %scan3A_95 to %scan3A_97 step %scan3A_98 iter_args(%scan3A_144 = %scan3A) -> (i32)  : i32 {
      %mul3A_145 = arith.constant 2 : i32
      %mul3A_146 = arith.muli %scan3A_143, %mul3A_145 : i32
      %add3A_147 = arith.constant 0 : i32
      %add3A_148 = arith.addi %mul3A_146, %add3A_147 : i32
      %mul3A_149 = arith.constant 16 : i32
      %mul3A_150 = arith.muli %add3A_148, %mul3A_149 : i32
      %swap3A = arith.index_cast %mul3A_150 : i32 to index
      %swap3A_151 = tpu.vector_load %arg15[%swap3A] {strides = array<i32>} : memref<1728xi32, #tpu.memory_space<vmem>>, vector<16xi32>,
      tpu.vector_store %arg15[%swap3A], %broadcast_in_dim3A_88 {strides = array<i32>} : memref<1728xi32, #tpu.memory_space<vmem>>, vector<16xi32>,
      %mul3A_152 = arith.constant 2 : i32
      %mul3A_153 = arith.muli %scan3A_143, %mul3A_152 : i32
      %add3A_154 = arith.constant 0 : i32
      %add3A_155 = arith.addi %mul3A_153, %add3A_154 : i32
      %mul3A_156 = arith.constant 16 : i32
      %mul3A_157 = arith.muli %add3A_155, %mul3A_156 : i32
      %swap3A_158 = arith.index_cast %mul3A_157 : i32 to index
      %swap3A_159 = tpu.vector_load %arg16[%swap3A_158] {strides = array<i32>} : memref<1728xi32, #tpu.memory_space<vmem>>, vector<16xi32>,
      tpu.vector_store %arg16[%swap3A_158], %broadcast_in_dim3A_88 {strides = array<i32>} : memref<1728xi32, #tpu.memory_space<vmem>>, vector<16xi32>,
      %mul3A_160 = arith.constant 2 : i32
      %mul3A_161 = arith.muli %scan3A_143, %mul3A_160 : i32
      %add3A_162 = arith.constant 1 : i32
      %add3A_163 = arith.addi %mul3A_161, %add3A_162 : i32
      %mul3A_164 = arith.constant 16 : i32
      %mul3A_165 = arith.muli %add3A_163, %mul3A_164 : i32
      %swap3A_166 = arith.index_cast %mul3A_165 : i32 to index
      %swap3A_167 = tpu.vector_load %arg15[%swap3A_166] {strides = array<i32>} : memref<1728xi32, #tpu.memory_space<vmem>>, vector<16xi32>,
      tpu.vector_store %arg15[%swap3A_166], %broadcast_in_dim3A_88 {strides = array<i32>} : memref<1728xi32, #tpu.memory_space<vmem>>, vector<16xi32>,
      %mul3A_168 = arith.constant 2 : i32
      %mul3A_169 = arith.muli %scan3A_143, %mul3A_168 : i32
      %add3A_170 = arith.constant 1 : i32
      %add3A_171 = arith.addi %mul3A_169, %add3A_170 : i32
      %mul3A_172 = arith.constant 16 : i32
      %mul3A_173 = arith.muli %add3A_171, %mul3A_172 : i32
      %swap3A_174 = arith.index_cast %mul3A_173 : i32 to index
      %swap3A_175 = tpu.vector_load %arg16[%swap3A_174] {strides = array<i32>} : memref<1728xi32, #tpu.memory_space<vmem>>, vector<16xi32>,
      tpu.vector_store %arg16[%swap3A_174], %broadcast_in_dim3A_88 {strides = array<i32>} : memref<1728xi32, #tpu.memory_space<vmem>>, vector<16xi32>,
      %scan3A_176 = arith.constant 0 : i32
      scf.yield %scan3A_176 : i32
    }
    %scan3A_100 = arith.constant 54 : i32
    %scan3A_101 = arith.constant 0 : i32
    %scan3A_102 = arith.constant 0 : i32
    %scan3A_103 = arith.constant 864 : i32
    %scan3A_104 = arith.addi %scan3A_102, %scan3A_103 : i32
    %scan3A_105 = arith.constant 1 : i32
    %scan3A_106 = scf.for %scan3A_143 = %scan3A_102 to %scan3A_104 step %scan3A_105 iter_args(%scan3A_144 = %scan3A_101) -> (i32)  : i32 {
      %mul3A_145 = arith.constant 2 : i32
      %mul3A_146 = arith.muli %scan3A_143, %mul3A_145 : i32
      %add3A_147 = arith.constant 0 : i32
      %add3A_148 = arith.addi %mul3A_146, %add3A_147 : i32
      %mul3A_149 = arith.constant 16 : i32
      %mul3A_150 = arith.muli %add3A_148, %mul3A_149 : i32
      %swap3A = arith.index_cast %mul3A_150 : i32 to index
      %swap3A_151 = tpu.vector_load %arg13[%swap3A] {strides = array<i32>} : memref<27648xf32, #tpu.memory_space<vmem>>, vector<16xf32>,
      tpu.vector_store %arg13[%swap3A], %broadcast_in_dim3A_90 {strides = array<i32>} : memref<27648xf32, #tpu.memory_space<vmem>>, vector<16xf32>,
      %mul3A_152 = arith.constant 2 : i32
      %mul3A_153 = arith.muli %scan3A_143, %mul3A_152 : i32
      %add3A_154 = arith.constant 0 : i32
      %add3A_155 = arith.addi %mul3A_153, %add3A_154 : i32
      %mul3A_156 = arith.constant 16 : i32
      %mul3A_157 = arith.muli %add3A_155, %mul3A_156 : i32
      %swap3A_158 = arith.index_cast %mul3A_157 : i32 to index
      %swap3A_159 = tpu.vector_load %arg14[%swap3A_158] {strides = array<i32>} : memref<27648xf32, #tpu.memory_space<vmem>>, vector<16xf32>,
      tpu.vector_store %arg14[%swap3A_158], %broadcast_in_dim3A_90 {strides = array<i32>} : memref<27648xf32, #tpu.memory_space<vmem>>, vector<16xf32>,
      %mul3A_160 = arith.constant 2 : i32
      %mul3A_161 = arith.muli %scan3A_143, %mul3A_160 : i32
      %add3A_162 = arith.constant 1 : i32
      %add3A_163 = arith.addi %mul3A_161, %add3A_162 : i32
      %mul3A_164 = arith.constant 16 : i32
      %mul3A_165 = arith.muli %add3A_163, %mul3A_164 : i32
      %swap3A_166 = arith.index_cast %mul3A_165 : i32 to index
      %swap3A_167 = tpu.vector_load %arg13[%swap3A_166] {strides = array<i32>} : memref<27648xf32, #tpu.memory_space<vmem>>, vector<16xf32>,
      tpu.vector_store %arg13[%swap3A_166], %broadcast_in_dim3A_90 {strides = array<i32>} : memref<27648xf32, #tpu.memory_space<vmem>>, vector<16xf32>,
      %mul3A_168 = arith.constant 2 : i32
      %mul3A_169 = arith.muli %scan3A_143, %mul3A_168 : i32
      %add3A_170 = arith.constant 1 : i32
      %add3A_171 = arith.addi %mul3A_169, %add3A_170 : i32
      %mul3A_172 = arith.constant 16 : i32
      %mul3A_173 = arith.muli %add3A_171, %mul3A_172 : i32
      %swap3A_174 = arith.index_cast %mul3A_173 : i32 to index
      %swap3A_175 = tpu.vector_load %arg14[%swap3A_174] {strides = array<i32>} : memref<27648xf32, #tpu.memory_space<vmem>>, vector<16xf32>,
      tpu.vector_store %arg14[%swap3A_174], %broadcast_in_dim3A_90 {strides = array<i32>} : memref<27648xf32, #tpu.memory_space<vmem>>, vector<16xf32>,
      %scan3A_176 = arith.constant 0 : i32
      scf.yield %scan3A_176 : i32
    }
    %scan3A_107 = arith.constant 864 : i32
    %scan3A_108 = arith.constant 0 : i32
    %scan3A_109 = arith.constant 0 : i32
    %scan3A_110 = arith.constant 1250 : i32
    %scan3A_111 = arith.addi %scan3A_109, %scan3A_110 : i32
    %scan3A_112 = arith.constant 1 : i32
    %scan3A_113 = scf.for %scan3A_143 = %scan3A_109 to %scan3A_111 step %scan3A_112 iter_args(%scan3A_144 = %scan3A_108) -> (i32)  : i32 {
      %mul3A_145 = arith.constant 16 : i32
      %mul3A_146 = arith.muli %scan3A_143, %mul3A_145 : i32
      %get3A_147 = arith.index_cast %mul3A_146 : i32 to index
      %get3A_148 = tpu.vector_load %arg9[%get3A_147] {strides = array<i32>} : memref<20000xf32, #tpu.memory_space<vmem>>, vector<16xf32>,
      %mul3A_149 = arith.constant 16 : i32
      %mul3A_150 = arith.muli %scan3A_143, %mul3A_149 : i32
      %get3A_151 = arith.index_cast %mul3A_150 : i32 to index
      %get3A_152 = tpu.vector_load %arg10[%get3A_151] {strides = array<i32>} : memref<20000xf32, #tpu.memory_space<vmem>>, vector<16xf32>,
      %mul3A_153 = arith.constant 16 : i32
      %mul3A_154 = arith.muli %scan3A_143, %mul3A_153 : i32
      %get3A_155 = arith.index_cast %mul3A_154 : i32 to index
      %get3A_156 = tpu.vector_load %arg11[%get3A_155] {strides = array<i32>} : memref<20000xf32, #tpu.memory_space<vmem>>, vector<16xf32>,
      %sub3A = arith.subf %get3A_148, %broadcast_in_dim3A : vector<16xf32>
      %sub3A_157 = arith.subf %get3A_152, %broadcast_in_dim3A_10 : vector<16xf32>
      %mul3A_158 = arith.mulf %sub3A, %broadcast_in_dim3A_16 : vector<16xf32>
      %mul3A_159 = arith.mulf %sub3A_157, %broadcast_in_dim3A_19 : vector<16xf32>
      %sub3A_160 = arith.subf %mul3A_158, %mul3A_159 : vector<16xf32>
      %add3A_161 = arith.addf %sub3A_160, %broadcast_in_dim3A_40 : vector<16xf32>
      %mul3A_162 = arith.mulf %sub3A, %broadcast_in_dim3A_19 : vector<16xf32>
      %mul3A_163 = arith.mulf %sub3A_157, %broadcast_in_dim3A_16 : vector<16xf32>
      %add3A_164 = arith.addf %mul3A_162, %mul3A_163 : vector<16xf32>
      %add3A_165 = arith.addf %add3A_164, %broadcast_in_dim3A_43 : vector<16xf32>
      %sub3A_166 = arith.subf %get3A_156, %broadcast_in_dim3A_13 : vector<16xf32>
      %ge3A = arith.cmpf oge, %add3A_161, %broadcast_in_dim3A_94 : vector<16xf32>
      %lt3A = arith.cmpf olt, %add3A_161, %broadcast_in_dim3A_22 : vector<16xf32>
      %and3A = arith.andi %ge3A, %lt3A : vector<16xi1>
      %ge3A_167 = arith.cmpf oge, %add3A_165, %broadcast_in_dim3A_94 : vector<16xf32>
      %lt3A_168 = arith.cmpf olt, %add3A_165, %broadcast_in_dim3A_25 : vector<16xf32>
      %and3A_169 = arith.andi %ge3A_167, %lt3A_168 : vector<16xi1>
      %and3A_170 = arith.andi %and3A, %and3A_169 : vector<16xi1>
      %ge3A_171 = arith.cmpf oge, %sub3A_166, %broadcast_in_dim3A_94 : vector<16xf32>
      %lt3A_172 = arith.cmpf olt, %sub3A_166, %broadcast_in_dim3A_28 : vector<16xf32>
      %and3A_173 = arith.andi %ge3A_171, %lt3A_172 : vector<16xi1>
      %and3A_174 = arith.andi %and3A_170, %and3A_173 : vector<16xi1>
      %sub3A_175 = arith.subf %get3A_148, %broadcast_in_dim3A_50 : vector<16xf32>
      %sub3A_176 = arith.subf %get3A_152, %broadcast_in_dim3A_53 : vector<16xf32>
      %mul3A_177 = arith.mulf %sub3A_175, %broadcast_in_dim3A_59 : vector<16xf32>
      %mul3A_178 = arith.mulf %sub3A_176, %broadcast_in_dim3A_62 : vector<16xf32>
      %sub3A_179 = arith.subf %mul3A_177, %mul3A_178 : vector<16xf32>
      %add3A_180 = arith.addf %sub3A_179, %broadcast_in_dim3A_83 : vector<16xf32>
      %mul3A_181 = arith.mulf %sub3A_175, %broadcast_in_dim3A_62 : vector<16xf32>
      %mul3A_182 = arith.mulf %sub3A_176, %broadcast_in_dim3A_59 : vector<16xf32>
      %add3A_183 = arith.addf %mul3A_181, %mul3A_182 : vector<16xf32>
      %add3A_184 = arith.addf %add3A_183, %broadcast_in_dim3A_86 : vector<16xf32>
      %sub3A_185 = arith.subf %get3A_156, %broadcast_in_dim3A_56 : vector<16xf32>
      %ge3A_186 = arith.cmpf oge, %add3A_180, %broadcast_in_dim3A_94 : vector<16xf32>
      %lt3A_187 = arith.cmpf olt, %add3A_180, %broadcast_in_dim3A_65 : vector<16xf32>
      %and3A_188 = arith.andi %ge3A_186, %lt3A_187 : vector<16xi1>
      %ge3A_189 = arith.cmpf oge, %add3A_184, %broadcast_in_dim3A_94 : vector<16xf32>
      %lt3A_190 = arith.cmpf olt, %add3A_184, %broadcast_in_dim3A_68 : vector<16xf32>
      %and3A_191 = arith.andi %ge3A_189, %lt3A_190 : vector<16xi1>
      %and3A_192 = arith.andi %and3A_188, %and3A_191 : vector<16xi1>
      %ge3A_193 = arith.cmpf oge, %sub3A_185, %broadcast_in_dim3A_94 : vector<16xf32>
      %lt3A_194 = arith.cmpf olt, %sub3A_185, %broadcast_in_dim3A_71 : vector<16xf32>
      %and3A_195 = arith.andi %ge3A_193, %lt3A_194 : vector<16xi1>
      %and3A_196 = arith.andi %and3A_192, %and3A_195 : vector<16xi1>
      %or3A = arith.ori %and3A_174, %and3A_196 : vector<16xi1>
      %all_reduce_population_count3A = tpu.all_reduce %or3A {dim = 0 : i64, kind = #tpu.reduction_kind<sum>} : vector<16xi1> -> vector<16xi32>
      %slice3A_197 = vector.extract_strided_slice %all_reduce_population_count3A {offsets = [0], sizes = [1], strides = [1]} : vector<16xi32> to vector<1xi32>
      %squeeze3A_198 = vector.extract %slice3A_197[0] : i32 from vector<1xi32>
      %gt3A = arith.constant 0 : i32
      %gt3A_199 = arith.cmpi sgt, %squeeze3A_198, %gt3A : i32
      %convert_element_type3A = arith.extui %gt3A_199 : i1 to i32
      %cond3A = arith.constant 0 : i32
      %cond3A_200 = arith.cmpi ne, %convert_element_type3A, %cond3A : i32
      scf.if %cond3A_200 {
        %all_reduce_population_count3A_202 = tpu.all_reduce %and3A_174 {dim = 0 : i64, kind = #tpu.reduction_kind<sum>} : vector<16xi1> -> vector<16xi32>
        %slice3A_203 = vector.extract_strided_slice %all_reduce_population_count3A_202 {offsets = [0], sizes = [1], strides = [1]} : vector<16xi32> to vector<1xi32>
        %squeeze3A_204 = vector.extract %slice3A_203[0] : i32 from vector<1xi32>
        %gt3A_205 = arith.constant 0 : i32
        %gt3A_206 = arith.cmpi sgt, %squeeze3A_204, %gt3A_205 : i32
        %convert_element_type3A_207 = arith.extui %gt3A_206 : i1 to i32
        %cond3A_208 = arith.constant 0 : i32
        %cond3A_209 = arith.cmpi ne, %convert_element_type3A_207, %cond3A_208 : i32
        scf.if %cond3A_209 {
          %convert_element_type3A_218 = arith.extui %and3A_174 : vector<16xi1> to vector<16xi32>
          %div3A = arith.divf %add3A_161, %broadcast_in_dim3A_31 : vector<16xf32>
          %convert_element_type3A_219 = arith.fptosi %div3A : vector<16xf32> to vector<16xi32>
          %jit3A = arith.constant 0 : i32
          %jit3A_220 = arith.constant 11 : i32
          %max3A = vector.broadcast %jit3A : i32 to vector<16xi32>
          %max3A_221 = arith.maxsi %max3A, %convert_element_type3A_219 : vector<16xi32>
          %min3A = vector.broadcast %jit3A_220 : i32 to vector<16xi32>
          %min3A_222 = arith.minsi %min3A, %max3A_221 : vector<16xi32>
          %div3A_223 = arith.divf %add3A_165, %broadcast_in_dim3A_34 : vector<16xf32>
          %convert_element_type3A_224 = arith.fptosi %div3A_223 : vector<16xf32> to vector<16xi32>
          %jit3A_225 = arith.constant 0 : i32
          %jit3A_226 = arith.constant 11 : i32
          %max3A_227 = vector.broadcast %jit3A_225 : i32 to vector<16xi32>
          %max3A_228 = arith.maxsi %max3A_227, %convert_element_type3A_224 : vector<16xi32>
          %min3A_229 = vector.broadcast %jit3A_226 : i32 to vector<16xi32>
          %min3A_230 = arith.minsi %min3A_229, %max3A_228 : vector<16xi32>
          %div3A_231 = arith.divf %sub3A_166, %broadcast_in_dim3A_37 : vector<16xf32>
          %convert_element_type3A_232 = arith.fptosi %div3A_231 : vector<16xf32> to vector<16xi32>
          %jit3A_233 = arith.constant 0 : i32
          %jit3A_234 = arith.constant 11 : i32
          %max3A_235 = vector.broadcast %jit3A_233 : i32 to vector<16xi32>
          %max3A_236 = arith.maxsi %max3A_235, %convert_element_type3A_232 : vector<16xi32>
          %min3A_237 = vector.broadcast %jit3A_234 : i32 to vector<16xi32>
          %min3A_238 = arith.minsi %min3A_237, %max3A_236 : vector<16xi32>
          %mul3A_239 = arith.constant 12 : i32
          %mul3A_240 = vector.broadcast %mul3A_239 : i32 to vector<16xi32>
          %mul3A_241 = arith.muli %min3A_222, %mul3A_240 : vector<16xi32>
          %add3A_242 = arith.addi %mul3A_241, %min3A_230 : vector<16xi32>
          %mul3A_243 = arith.constant 12 : i32
          %mul3A_244 = vector.broadcast %mul3A_243 : i32 to vector<16xi32>
          %mul3A_245 = arith.muli %add3A_242, %mul3A_244 : vector<16xi32>
          %add3A_246 = arith.addi %mul3A_245, %min3A_238 : vector<16xi32>
          tpu.vector_store_idx %arg15[%add3A_246], %broadcast_in_dim3A_92 masked %and3A_174 : memref<1728xi32, #tpu.memory_space<vmem>>[vector<16xi32>], vector<16xi32>, vector<16xi1>
          %slice3A_247 = vector.extract_strided_slice %convert_element_type3A_218 {offsets = [0], sizes = [1], strides = [1]} : vector<16xi32> to vector<1xi32>
          %squeeze3A_248 = vector.extract %slice3A_247[0] : i32 from vector<1xi32>
          %ne3A = arith.constant 0 : i32
          %ne3A_249 = arith.cmpi ne, %squeeze3A_248, %ne3A : i32
          %convert_element_type3A_250 = arith.extui %ne3A_249 : i1 to i32
          %cond3A_251 = arith.constant 0 : i32
          %cond3A_252 = arith.cmpi ne, %convert_element_type3A_250, %cond3A_251 : i32
          scf.if %cond3A_252 {
            %slice3A_358 = vector.extract_strided_slice %add3A_246 {offsets = [0], sizes = [1], strides = [1]} : vector<16xi32> to vector<1xi32>
            %squeeze3A_359 = vector.extract %slice3A_358[0] : i32 from vector<1xi32>
            %mul3A_360 = arith.constant 16 : i32
            %mul3A_361 = arith.muli %squeeze3A_359, %mul3A_360 : i32
            %mul3A_362 = arith.constant 16 : i32
            %mul3A_363 = arith.muli %scan3A_143, %mul3A_362 : i32
            %add3A_364 = arith.constant 0 : i32
            %add3A_365 = arith.addi %mul3A_363, %add3A_364 : i32
            %mul3A_366 = arith.constant 16 : i32
            %mul3A_367 = arith.muli %add3A_365, %mul3A_366 : i32
            "tpu.region"() ({
              %run_scoped3A = tpu.sem_alloc : memref<!tpu.dma_semaphore, #tpu.memory_space<semaphore_mem>>
              %dma_start3A = tpu.memref_slice %arg6[%mul3A_367] : memref<320000xf32, #tpu.memory_space<hbm>> -> memref<16xf32, #tpu.memory_space<hbm>>
              %dma_start3A_374 = tpu.memref_slice %arg6[%mul3A_367] : memref<320000xf32, #tpu.memory_space<hbm>> -> memref<16xf32, #tpu.memory_space<hbm>>
              tpu.enqueue_dma source(%dma_start3A_374 : memref<16xf32, #tpu.memory_space<hbm>>) target(%arg18 : memref<16xf32, #tpu.memory_space<vmem>>) target_semaphore(%run_scoped3A : memref<!tpu.dma_semaphore, #tpu.memory_space<semaphore_mem>>)
              %dma_wait3A = tpu.memref_slice %arg6[%mul3A_367] : memref<320000xf32, #tpu.memory_space<hbm>> -> memref<16xf32, #tpu.memory_space<hbm>>
              %dma_wait3A_375 = tpu.memref_slice %arg6[%mul3A_367] : memref<320000xf32, #tpu.memory_space<hbm>> -> memref<16xf32, #tpu.memory_space<hbm>>
              tpu.wait_dma2 semaphore(%run_scoped3A : memref<!tpu.dma_semaphore, #tpu.memory_space<semaphore_mem>>) src(%dma_wait3A_375 : memref<16xf32, #tpu.memory_space<hbm>>) dst(%arg18 : memref<16xf32, #tpu.memory_space<vmem>>)
              tpu.yield
            }) : () -> ()
            %get3A_368 = arith.constant 0 : index
            %get3A_369 = tpu.vector_load %arg18[%get3A_368] {strides = array<i32>} : memref<16xf32, #tpu.memory_space<vmem>>, vector<16xf32>,
            %get3A_370 = arith.index_cast %mul3A_361 : i32 to index
            %get3A_371 = tpu.vector_load %arg13[%get3A_370] {strides = array<i32>} : memref<27648xf32, #tpu.memory_space<vmem>>, vector<16xf32>,
            %max3A_372 = arith.maximumf %get3A_371, %get3A_369 : vector<16xf32>
            %swap3A = arith.index_cast %mul3A_361 : i32 to index
            %swap3A_373 = tpu.vector_load %arg13[%swap3A] {strides = array<i32>} : memref<27648xf32, #tpu.memory_space<vmem>>, vector<16xf32>,
            tpu.vector_store %arg13[%swap3A], %max3A_372 {strides = array<i32>} : memref<27648xf32, #tpu.memory_space<vmem>>, vector<16xf32>,
          } else {
          }
          %slice3A_253 = vector.extract_strided_slice %convert_element_type3A_218 {offsets = [1], sizes = [1], strides = [1]} : vector<16xi32> to vector<1xi32>
          %squeeze3A_254 = vector.extract %slice3A_253[0] : i32 from vector<1xi32>
          %ne3A_255 = arith.constant 0 : i32
          %ne3A_256 = arith.cmpi ne, %squeeze3A_254, %ne3A_255 : i32
          %convert_element_type3A_257 = arith.extui %ne3A_256 : i1 to i32
          %cond3A_258 = arith.constant 0 : i32
          %cond3A_259 = arith.cmpi ne, %convert_element_type3A_257, %cond3A_258 : i32
          scf.if %cond3A_259 {
            %slice3A_358 = vector.extract_strided_slice %add3A_246 {offsets = [1], sizes = [1], strides = [1]} : vector<16xi32> to vector<1xi32>
            %squeeze3A_359 = vector.extract %slice3A_358[0] : i32 from vector<1xi32>
            %mul3A_360 = arith.constant 16 : i32
            %mul3A_361 = arith.muli %squeeze3A_359, %mul3A_360 : i32
            %mul3A_362 = arith.constant 16 : i32
            %mul3A_363 = arith.muli %scan3A_143, %mul3A_362 : i32
            %add3A_364 = arith.constant 1 : i32
            %add3A_365 = arith.addi %mul3A_363, %add3A_364 : i32
            %mul3A_366 = arith.constant 16 : i32
            %mul3A_367 = arith.muli %add3A_365, %mul3A_366 : i32
            "tpu.region"() ({
              %run_scoped3A = tpu.sem_alloc : memref<!tpu.dma_semaphore, #tpu.memory_space<semaphore_mem>>
              %dma_start3A = tpu.memref_slice %arg6[%mul3A_367] : memref<320000xf32, #tpu.memory_space<hbm>> -> memref<16xf32, #tpu.memory_space<hbm>>
              %dma_start3A_374 = tpu.memref_slice %arg6[%mul3A_367] : memref<320000xf32, #tpu.memory_space<hbm>> -> memref<16xf32, #tpu.memory_space<hbm>>
              tpu.enqueue_dma source(%dma_start3A_374 : memref<16xf32, #tpu.memory_space<hbm>>) target(%arg18 : memref<16xf32, #tpu.memory_space<vmem>>) target_semaphore(%run_scoped3A : memref<!tpu.dma_semaphore, #tpu.memory_space<semaphore_mem>>)
              %dma_wait3A = tpu.memref_slice %arg6[%mul3A_367] : memref<320000xf32, #tpu.memory_space<hbm>> -> memref<16xf32, #tpu.memory_space<hbm>>
              %dma_wait3A_375 = tpu.memref_slice %arg6[%mul3A_367] : memref<320000xf32, #tpu.memory_space<hbm>> -> memref<16xf32, #tpu.memory_space<hbm>>
              tpu.wait_dma2 semaphore(%run_scoped3A : memref<!tpu.dma_semaphore, #tpu.memory_space<semaphore_mem>>) src(%dma_wait3A_375 : memref<16xf32, #tpu.memory_space<hbm>>) dst(%arg18 : memref<16xf32, #tpu.memory_space<vmem>>)
              tpu.yield
            }) : () -> ()
            %get3A_368 = arith.constant 0 : index
            %get3A_369 = tpu.vector_load %arg18[%get3A_368] {strides = array<i32>} : memref<16xf32, #tpu.memory_space<vmem>>, vector<16xf32>,
            %get3A_370 = arith.index_cast %mul3A_361 : i32 to index
            %get3A_371 = tpu.vector_load %arg13[%get3A_370] {strides = array<i32>} : memref<27648xf32, #tpu.memory_space<vmem>>, vector<16xf32>,
            %max3A_372 = arith.maximumf %get3A_371, %get3A_369 : vector<16xf32>
            %swap3A = arith.index_cast %mul3A_361 : i32 to index
            %swap3A_373 = tpu.vector_load %arg13[%swap3A] {strides = array<i32>} : memref<27648xf32, #tpu.memory_space<vmem>>, vector<16xf32>,
            tpu.vector_store %arg13[%swap3A], %max3A_372 {strides = array<i32>} : memref<27648xf32, #tpu.memory_space<vmem>>, vector<16xf32>,
          } else {
          }
          %slice3A_260 = vector.extract_strided_slice %convert_element_type3A_218 {offsets = [2], sizes = [1], strides = [1]} : vector<16xi32> to vector<1xi32>
          %squeeze3A_261 = vector.extract %slice3A_260[0] : i32 from vector<1xi32>
          %ne3A_262 = arith.constant 0 : i32
          %ne3A_263 = arith.cmpi ne, %squeeze3A_261, %ne3A_262 : i32
          %convert_element_type3A_264 = arith.extui %ne3A_263 : i1 to i32
          %cond3A_265 = arith.constant 0 : i32
          %cond3A_266 = arith.cmpi ne, %convert_element_type3A_264, %cond3A_265 : i32
          scf.if %cond3A_266 {
            %slice3A_358 = vector.extract_strided_slice %add3A_246 {offsets = [2], sizes = [1], strides = [1]} : vector<16xi32> to vector<1xi32>
            %squeeze3A_359 = vector.extract %slice3A_358[0] : i32 from vector<1xi32>
            %mul3A_360 = arith.constant 16 : i32
            %mul3A_361 = arith.muli %squeeze3A_359, %mul3A_360 : i32
            %mul3A_362 = arith.constant 16 : i32
            %mul3A_363 = arith.muli %scan3A_143, %mul3A_362 : i32
            %add3A_364 = arith.constant 2 : i32
            %add3A_365 = arith.addi %mul3A_363, %add3A_364 : i32
            %mul3A_366 = arith.constant 16 : i32
            %mul3A_367 = arith.muli %add3A_365, %mul3A_366 : i32
            "tpu.region"() ({
              %run_scoped3A = tpu.sem_alloc : memref<!tpu.dma_semaphore, #tpu.memory_space<semaphore_mem>>
              %dma_start3A = tpu.memref_slice %arg6[%mul3A_367] : memref<320000xf32, #tpu.memory_space<hbm>> -> memref<16xf32, #tpu.memory_space<hbm>>
              %dma_start3A_374 = tpu.memref_slice %arg6[%mul3A_367] : memref<320000xf32, #tpu.memory_space<hbm>> -> memref<16xf32, #tpu.memory_space<hbm>>
              tpu.enqueue_dma source(%dma_start3A_374 : memref<16xf32, #tpu.memory_space<hbm>>) target(%arg18 : memref<16xf32, #tpu.memory_space<vmem>>) target_semaphore(%run_scoped3A : memref<!tpu.dma_semaphore, #tpu.memory_space<semaphore_mem>>)
              %dma_wait3A = tpu.memref_slice %arg6[%mul3A_367] : memref<320000xf32, #tpu.memory_space<hbm>> -> memref<16xf32, #tpu.memory_space<hbm>>
              %dma_wait3A_375 = tpu.memref_slice %arg6[%mul3A_367] : memref<320000xf32, #tpu.memory_space<hbm>> -> memref<16xf32, #tpu.memory_space<hbm>>
              tpu.wait_dma2 semaphore(%run_scoped3A : memref<!tpu.dma_semaphore, #tpu.memory_space<semaphore_mem>>) src(%dma_wait3A_375 : memref<16xf32, #tpu.memory_space<hbm>>) dst(%arg18 : memref<16xf32, #tpu.memory_space<vmem>>)
              tpu.yield
            }) : () -> ()
            %get3A_368 = arith.constant 0 : index
            %get3A_369 = tpu.vector_load %arg18[%get3A_368] {strides = array<i32>} : memref<16xf32, #tpu.memory_space<vmem>>, vector<16xf32>,
            %get3A_370 = arith.index_cast %mul3A_361 : i32 to index
            %get3A_371 = tpu.vector_load %arg13[%get3A_370] {strides = array<i32>} : memref<27648xf32, #tpu.memory_space<vmem>>, vector<16xf32>,
            %max3A_372 = arith.maximumf %get3A_371, %get3A_369 : vector<16xf32>
            %swap3A = arith.index_cast %mul3A_361 : i32 to index
            %swap3A_373 = tpu.vector_load %arg13[%swap3A] {strides = array<i32>} : memref<27648xf32, #tpu.memory_space<vmem>>, vector<16xf32>,
            tpu.vector_store %arg13[%swap3A], %max3A_372 {strides = array<i32>} : memref<27648xf32, #tpu.memory_space<vmem>>, vector<16xf32>,
          } else {
          }
          %slice3A_267 = vector.extract_strided_slice %convert_element_type3A_218 {offsets = [3], sizes = [1], strides = [1]} : vector<16xi32> to vector<1xi32>
          %squeeze3A_268 = vector.extract %slice3A_267[0] : i32 from vector<1xi32>
          %ne3A_269 = arith.constant 0 : i32
          %ne3A_270 = arith.cmpi ne, %squeeze3A_268, %ne3A_269 : i32
          %convert_element_type3A_271 = arith.extui %ne3A_270 : i1 to i32
          %cond3A_272 = arith.constant 0 : i32
          %cond3A_273 = arith.cmpi ne, %convert_element_type3A_271, %cond3A_272 : i32
          scf.if %cond3A_273 {
            %slice3A_358 = vector.extract_strided_slice %add3A_246 {offsets = [3], sizes = [1], strides = [1]} : vector<16xi32> to vector<1xi32>
            %squeeze3A_359 = vector.extract %slice3A_358[0] : i32 from vector<1xi32>
            %mul3A_360 = arith.constant 16 : i32
            %mul3A_361 = arith.muli %squeeze3A_359, %mul3A_360 : i32
            %mul3A_362 = arith.constant 16 : i32
            %mul3A_363 = arith.muli %scan3A_143, %mul3A_362 : i32
            %add3A_364 = arith.constant 3 : i32
            %add3A_365 = arith.addi %mul3A_363, %add3A_364 : i32
            %mul3A_366 = arith.constant 16 : i32
            %mul3A_367 = arith.muli %add3A_365, %mul3A_366 : i32
            "tpu.region"() ({
              %run_scoped3A = tpu.sem_alloc : memref<!tpu.dma_semaphore, #tpu.memory_space<semaphore_mem>>
              %dma_start3A = tpu.memref_slice %arg6[%mul3A_367] : memref<320000xf32, #tpu.memory_space<hbm>> -> memref<16xf32, #tpu.memory_space<hbm>>
              %dma_start3A_374 = tpu.memref_slice %arg6[%mul3A_367] : memref<320000xf32, #tpu.memory_space<hbm>> -> memref<16xf32, #tpu.memory_space<hbm>>
              tpu.enqueue_dma source(%dma_start3A_374 : memref<16xf32, #tpu.memory_space<hbm>>) target(%arg18 : memref<16xf32, #tpu.memory_space<vmem>>) target_semaphore(%run_scoped3A : memref<!tpu.dma_semaphore, #tpu.memory_space<semaphore_mem>>)
              %dma_wait3A = tpu.memref_slice %arg6[%mul3A_367] : memref<320000xf32, #tpu.memory_space<hbm>> -> memref<16xf32, #tpu.memory_space<hbm>>
              %dma_wait3A_375 = tpu.memref_slice %arg6[%mul3A_367] : memref<320000xf32, #tpu.memory_space<hbm>> -> memref<16xf32, #tpu.memory_space<hbm>>
              tpu.wait_dma2 semaphore(%run_scoped3A : memref<!tpu.dma_semaphore, #tpu.memory_space<semaphore_mem>>) src(%dma_wait3A_375 : memref<16xf32, #tpu.memory_space<hbm>>) dst(%arg18 : memref<16xf32, #tpu.memory_space<vmem>>)
              tpu.yield
            }) : () -> ()
            %get3A_368 = arith.constant 0 : index
            %get3A_369 = tpu.vector_load %arg18[%get3A_368] {strides = array<i32>} : memref<16xf32, #tpu.memory_space<vmem>>, vector<16xf32>,
            %get3A_370 = arith.index_cast %mul3A_361 : i32 to index
            %get3A_371 = tpu.vector_load %arg13[%get3A_370] {strides = array<i32>} : memref<27648xf32, #tpu.memory_space<vmem>>, vector<16xf32>,
            %max3A_372 = arith.maximumf %get3A_371, %get3A_369 : vector<16xf32>
            %swap3A = arith.index_cast %mul3A_361 : i32 to index
            %swap3A_373 = tpu.vector_load %arg13[%swap3A] {strides = array<i32>} : memref<27648xf32, #tpu.memory_space<vmem>>, vector<16xf32>,
            tpu.vector_store %arg13[%swap3A], %max3A_372 {strides = array<i32>} : memref<27648xf32, #tpu.memory_space<vmem>>, vector<16xf32>,
          } else {
          }
          %slice3A_274 = vector.extract_strided_slice %convert_element_type3A_218 {offsets = [4], sizes = [1], strides = [1]} : vector<16xi32> to vector<1xi32>
          %squeeze3A_275 = vector.extract %slice3A_274[0] : i32 from vector<1xi32>
          %ne3A_276 = arith.constant 0 : i32
          %ne3A_277 = arith.cmpi ne, %squeeze3A_275, %ne3A_276 : i32
          %convert_element_type3A_278 = arith.extui %ne3A_277 : i1 to i32
          %cond3A_279 = arith.constant 0 : i32
          %cond3A_280 = arith.cmpi ne, %convert_element_type3A_278, %cond3A_279 : i32
          scf.if %cond3A_280 {
            %slice3A_358 = vector.extract_strided_slice %add3A_246 {offsets = [4], sizes = [1], strides = [1]} : vector<16xi32> to vector<1xi32>
            %squeeze3A_359 = vector.extract %slice3A_358[0] : i32 from vector<1xi32>
            %mul3A_360 = arith.constant 16 : i32
            %mul3A_361 = arith.muli %squeeze3A_359, %mul3A_360 : i32
            %mul3A_362 = arith.constant 16 : i32
            %mul3A_363 = arith.muli %scan3A_143, %mul3A_362 : i32
            %add3A_364 = arith.constant 4 : i32
            %add3A_365 = arith.addi %mul3A_363, %add3A_364 : i32
            %mul3A_366 = arith.constant 16 : i32
            %mul3A_367 = arith.muli %add3A_365, %mul3A_366 : i32
            "tpu.region"() ({
              %run_scoped3A = tpu.sem_alloc : memref<!tpu.dma_semaphore, #tpu.memory_space<semaphore_mem>>
              %dma_start3A = tpu.memref_slice %arg6[%mul3A_367] : memref<320000xf32, #tpu.memory_space<hbm>> -> memref<16xf32, #tpu.memory_space<hbm>>
              %dma_start3A_374 = tpu.memref_slice %arg6[%mul3A_367] : memref<320000xf32, #tpu.memory_space<hbm>> -> memref<16xf32, #tpu.memory_space<hbm>>
              tpu.enqueue_dma source(%dma_start3A_374 : memref<16xf32, #tpu.memory_space<hbm>>) target(%arg18 : memref<16xf32, #tpu.memory_space<vmem>>) target_semaphore(%run_scoped3A : memref<!tpu.dma_semaphore, #tpu.memory_space<semaphore_mem>>)
              %dma_wait3A = tpu.memref_slice %arg6[%mul3A_367] : memref<320000xf32, #tpu.memory_space<hbm>> -> memref<16xf32, #tpu.memory_space<hbm>>
              %dma_wait3A_375 = tpu.memref_slice %arg6[%mul3A_367] : memref<320000xf32, #tpu.memory_space<hbm>> -> memref<16xf32, #tpu.memory_space<hbm>>
              tpu.wait_dma2 semaphore(%run_scoped3A : memref<!tpu.dma_semaphore, #tpu.memory_space<semaphore_mem>>) src(%dma_wait3A_375 : memref<16xf32, #tpu.memory_space<hbm>>) dst(%arg18 : memref<16xf32, #tpu.memory_space<vmem>>)
              tpu.yield
            }) : () -> ()
            %get3A_368 = arith.constant 0 : index
            %get3A_369 = tpu.vector_load %arg18[%get3A_368] {strides = array<i32>} : memref<16xf32, #tpu.memory_space<vmem>>, vector<16xf32>,
            %get3A_370 = arith.index_cast %mul3A_361 : i32 to index
            %get3A_371 = tpu.vector_load %arg13[%get3A_370] {strides = array<i32>} : memref<27648xf32, #tpu.memory_space<vmem>>, vector<16xf32>,
            %max3A_372 = arith.maximumf %get3A_371, %get3A_369 : vector<16xf32>
            %swap3A = arith.index_cast %mul3A_361 : i32 to index
            %swap3A_373 = tpu.vector_load %arg13[%swap3A] {strides = array<i32>} : memref<27648xf32, #tpu.memory_space<vmem>>, vector<16xf32>,
            tpu.vector_store %arg13[%swap3A], %max3A_372 {strides = array<i32>} : memref<27648xf32, #tpu.memory_space<vmem>>, vector<16xf32>,
          } else {
          }
          %slice3A_281 = vector.extract_strided_slice %convert_element_type3A_218 {offsets = [5], sizes = [1], strides = [1]} : vector<16xi32> to vector<1xi32>
          %squeeze3A_282 = vector.extract %slice3A_281[0] : i32 from vector<1xi32>
          %ne3A_283 = arith.constant 0 : i32
          %ne3A_284 = arith.cmpi ne, %squeeze3A_282, %ne3A_283 : i32
          %convert_element_type3A_285 = arith.extui %ne3A_284 : i1 to i32
          %cond3A_286 = arith.constant 0 : i32
          %cond3A_287 = arith.cmpi ne, %convert_element_type3A_285, %cond3A_286 : i32
          scf.if %cond3A_287 {
            %slice3A_358 = vector.extract_strided_slice %add3A_246 {offsets = [5], sizes = [1], strides = [1]} : vector<16xi32> to vector<1xi32>
            %squeeze3A_359 = vector.extract %slice3A_358[0] : i32 from vector<1xi32>
            %mul3A_360 = arith.constant 16 : i32
            %mul3A_361 = arith.muli %squeeze3A_359, %mul3A_360 : i32
            %mul3A_362 = arith.constant 16 : i32
            %mul3A_363 = arith.muli %scan3A_143, %mul3A_362 : i32
            %add3A_364 = arith.constant 5 : i32
            %add3A_365 = arith.addi %mul3A_363, %add3A_364 : i32
            %mul3A_366 = arith.constant 16 : i32
            %mul3A_367 = arith.muli %add3A_365, %mul3A_366 : i32
            "tpu.region"() ({
              %run_scoped3A = tpu.sem_alloc : memref<!tpu.dma_semaphore, #tpu.memory_space<semaphore_mem>>
              %dma_start3A = tpu.memref_slice %arg6[%mul3A_367] : memref<320000xf32, #tpu.memory_space<hbm>> -> memref<16xf32, #tpu.memory_space<hbm>>
              %dma_start3A_374 = tpu.memref_slice %arg6[%mul3A_367] : memref<320000xf32, #tpu.memory_space<hbm>> -> memref<16xf32, #tpu.memory_space<hbm>>
              tpu.enqueue_dma source(%dma_start3A_374 : memref<16xf32, #tpu.memory_space<hbm>>) target(%arg18 : memref<16xf32, #tpu.memory_space<vmem>>) target_semaphore(%run_scoped3A : memref<!tpu.dma_semaphore, #tpu.memory_space<semaphore_mem>>)
              %dma_wait3A = tpu.memref_slice %arg6[%mul3A_367] : memref<320000xf32, #tpu.memory_space<hbm>> -> memref<16xf32, #tpu.memory_space<hbm>>
              %dma_wait3A_375 = tpu.memref_slice %arg6[%mul3A_367] : memref<320000xf32, #tpu.memory_space<hbm>> -> memref<16xf32, #tpu.memory_space<hbm>>
              tpu.wait_dma2 semaphore(%run_scoped3A : memref<!tpu.dma_semaphore, #tpu.memory_space<semaphore_mem>>) src(%dma_wait3A_375 : memref<16xf32, #tpu.memory_space<hbm>>) dst(%arg18 : memref<16xf32, #tpu.memory_space<vmem>>)
              tpu.yield
            }) : () -> ()
            %get3A_368 = arith.constant 0 : index
            %get3A_369 = tpu.vector_load %arg18[%get3A_368] {strides = array<i32>} : memref<16xf32, #tpu.memory_space<vmem>>, vector<16xf32>,
            %get3A_370 = arith.index_cast %mul3A_361 : i32 to index
            %get3A_371 = tpu.vector_load %arg13[%get3A_370] {strides = array<i32>} : memref<27648xf32, #tpu.memory_space<vmem>>, vector<16xf32>,
            %max3A_372 = arith.maximumf %get3A_371, %get3A_369 : vector<16xf32>
            %swap3A = arith.index_cast %mul3A_361 : i32 to index
            %swap3A_373 = tpu.vector_load %arg13[%swap3A] {strides = array<i32>} : memref<27648xf32, #tpu.memory_space<vmem>>, vector<16xf32>,
            tpu.vector_store %arg13[%swap3A], %max3A_372 {strides = array<i32>} : memref<27648xf32, #tpu.memory_space<vmem>>, vector<16xf32>,
          } else {
          }
          %slice3A_288 = vector.extract_strided_slice %convert_element_type3A_218 {offsets = [6], sizes = [1], strides = [1]} : vector<16xi32> to vector<1xi32>
          %squeeze3A_289 = vector.extract %slice3A_288[0] : i32 from vector<1xi32>
          %ne3A_290 = arith.constant 0 : i32
          %ne3A_291 = arith.cmpi ne, %squeeze3A_289, %ne3A_290 : i32
          %convert_element_type3A_292 = arith.extui %ne3A_291 : i1 to i32
          %cond3A_293 = arith.constant 0 : i32
          %cond3A_294 = arith.cmpi ne, %convert_element_type3A_292, %cond3A_293 : i32
          scf.if %cond3A_294 {
            %slice3A_358 = vector.extract_strided_slice %add3A_246 {offsets = [6], sizes = [1], strides = [1]} : vector<16xi32> to vector<1xi32>
            %squeeze3A_359 = vector.extract %slice3A_358[0] : i32 from vector<1xi32>
            %mul3A_360 = arith.constant 16 : i32
            %mul3A_361 = arith.muli %squeeze3A_359, %mul3A_360 : i32
            %mul3A_362 = arith.constant 16 : i32
            %mul3A_363 = arith.muli %scan3A_143, %mul3A_362 : i32
            %add3A_364 = arith.constant 6 : i32
            %add3A_365 = arith.addi %mul3A_363, %add3A_364 : i32
            %mul3A_366 = arith.constant 16 : i32
            %mul3A_367 = arith.muli %add3A_365, %mul3A_366 : i32
            "tpu.region"() ({
              %run_scoped3A = tpu.sem_alloc : memref<!tpu.dma_semaphore, #tpu.memory_space<semaphore_mem>>
              %dma_start3A = tpu.memref_slice %arg6[%mul3A_367] : memref<320000xf32, #tpu.memory_space<hbm>> -> memref<16xf32, #tpu.memory_space<hbm>>
              %dma_start3A_374 = tpu.memref_slice %arg6[%mul3A_367] : memref<320000xf32, #tpu.memory_space<hbm>> -> memref<16xf32, #tpu.memory_space<hbm>>
              tpu.enqueue_dma source(%dma_start3A_374 : memref<16xf32, #tpu.memory_space<hbm>>) target(%arg18 : memref<16xf32, #tpu.memory_space<vmem>>) target_semaphore(%run_scoped3A : memref<!tpu.dma_semaphore, #tpu.memory_space<semaphore_mem>>)
              %dma_wait3A = tpu.memref_slice %arg6[%mul3A_367] : memref<320000xf32, #tpu.memory_space<hbm>> -> memref<16xf32, #tpu.memory_space<hbm>>
              %dma_wait3A_375 = tpu.memref_slice %arg6[%mul3A_367] : memref<320000xf32, #tpu.memory_space<hbm>> -> memref<16xf32, #tpu.memory_space<hbm>>
              tpu.wait_dma2 semaphore(%run_scoped3A : memref<!tpu.dma_semaphore, #tpu.memory_space<semaphore_mem>>) src(%dma_wait3A_375 : memref<16xf32, #tpu.memory_space<hbm>>) dst(%arg18 : memref<16xf32, #tpu.memory_space<vmem>>)
              tpu.yield
            }) : () -> ()
            %get3A_368 = arith.constant 0 : index
            %get3A_369 = tpu.vector_load %arg18[%get3A_368] {strides = array<i32>} : memref<16xf32, #tpu.memory_space<vmem>>, vector<16xf32>,
            %get3A_370 = arith.index_cast %mul3A_361 : i32 to index
            %get3A_371 = tpu.vector_load %arg13[%get3A_370] {strides = array<i32>} : memref<27648xf32, #tpu.memory_space<vmem>>, vector<16xf32>,
            %max3A_372 = arith.maximumf %get3A_371, %get3A_369 : vector<16xf32>
            %swap3A = arith.index_cast %mul3A_361 : i32 to index
            %swap3A_373 = tpu.vector_load %arg13[%swap3A] {strides = array<i32>} : memref<27648xf32, #tpu.memory_space<vmem>>, vector<16xf32>,
            tpu.vector_store %arg13[%swap3A], %max3A_372 {strides = array<i32>} : memref<27648xf32, #tpu.memory_space<vmem>>, vector<16xf32>,
          } else {
          }
          %slice3A_295 = vector.extract_strided_slice %convert_element_type3A_218 {offsets = [7], sizes = [1], strides = [1]} : vector<16xi32> to vector<1xi32>
          %squeeze3A_296 = vector.extract %slice3A_295[0] : i32 from vector<1xi32>
          %ne3A_297 = arith.constant 0 : i32
          %ne3A_298 = arith.cmpi ne, %squeeze3A_296, %ne3A_297 : i32
          %convert_element_type3A_299 = arith.extui %ne3A_298 : i1 to i32
          %cond3A_300 = arith.constant 0 : i32
          %cond3A_301 = arith.cmpi ne, %convert_element_type3A_299, %cond3A_300 : i32
          scf.if %cond3A_301 {
            %slice3A_358 = vector.extract_strided_slice %add3A_246 {offsets = [7], sizes = [1], strides = [1]} : vector<16xi32> to vector<1xi32>
            %squeeze3A_359 = vector.extract %slice3A_358[0] : i32 from vector<1xi32>
            %mul3A_360 = arith.constant 16 : i32
            %mul3A_361 = arith.muli %squeeze3A_359, %mul3A_360 : i32
            %mul3A_362 = arith.constant 16 : i32
            %mul3A_363 = arith.muli %scan3A_143, %mul3A_362 : i32
            %add3A_364 = arith.constant 7 : i32
            %add3A_365 = arith.addi %mul3A_363, %add3A_364 : i32
            %mul3A_366 = arith.constant 16 : i32
            %mul3A_367 = arith.muli %add3A_365, %mul3A_366 : i32
            "tpu.region"() ({
              %run_scoped3A = tpu.sem_alloc : memref<!tpu.dma_semaphore, #tpu.memory_space<semaphore_mem>>
              %dma_start3A = tpu.memref_slice %arg6[%mul3A_367] : memref<320000xf32, #tpu.memory_space<hbm>> -> memref<16xf32, #tpu.memory_space<hbm>>
              %dma_start3A_374 = tpu.memref_slice %arg6[%mul3A_367] : memref<320000xf32, #tpu.memory_space<hbm>> -> memref<16xf32, #tpu.memory_space<hbm>>
              tpu.enqueue_dma source(%dma_start3A_374 : memref<16xf32, #tpu.memory_space<hbm>>) target(%arg18 : memref<16xf32, #tpu.memory_space<vmem>>) target_semaphore(%run_scoped3A : memref<!tpu.dma_semaphore, #tpu.memory_space<semaphore_mem>>)
              %dma_wait3A = tpu.memref_slice %arg6[%mul3A_367] : memref<320000xf32, #tpu.memory_space<hbm>> -> memref<16xf32, #tpu.memory_space<hbm>>
              %dma_wait3A_375 = tpu.memref_slice %arg6[%mul3A_367] : memref<320000xf32, #tpu.memory_space<hbm>> -> memref<16xf32, #tpu.memory_space<hbm>>
              tpu.wait_dma2 semaphore(%run_scoped3A : memref<!tpu.dma_semaphore, #tpu.memory_space<semaphore_mem>>) src(%dma_wait3A_375 : memref<16xf32, #tpu.memory_space<hbm>>) dst(%arg18 : memref<16xf32, #tpu.memory_space<vmem>>)
              tpu.yield
            }) : () -> ()
            %get3A_368 = arith.constant 0 : index
            %get3A_369 = tpu.vector_load %arg18[%get3A_368] {strides = array<i32>} : memref<16xf32, #tpu.memory_space<vmem>>, vector<16xf32>,
            %get3A_370 = arith.index_cast %mul3A_361 : i32 to index
            %get3A_371 = tpu.vector_load %arg13[%get3A_370] {strides = array<i32>} : memref<27648xf32, #tpu.memory_space<vmem>>, vector<16xf32>,
            %max3A_372 = arith.maximumf %get3A_371, %get3A_369 : vector<16xf32>
            %swap3A = arith.index_cast %mul3A_361 : i32 to index
            %swap3A_373 = tpu.vector_load %arg13[%swap3A] {strides = array<i32>} : memref<27648xf32, #tpu.memory_space<vmem>>, vector<16xf32>,
            tpu.vector_store %arg13[%swap3A], %max3A_372 {strides = array<i32>} : memref<27648xf32, #tpu.memory_space<vmem>>, vector<16xf32>,
          } else {
          }
          %slice3A_302 = vector.extract_strided_slice %convert_element_type3A_218 {offsets = [8], sizes = [1], strides = [1]} : vector<16xi32> to vector<1xi32>
          %squeeze3A_303 = vector.extract %slice3A_302[0] : i32 from vector<1xi32>
          %ne3A_304 = arith.constant 0 : i32
          %ne3A_305 = arith.cmpi ne, %squeeze3A_303, %ne3A_304 : i32
          %convert_element_type3A_306 = arith.extui %ne3A_305 : i1 to i32
          %cond3A_307 = arith.constant 0 : i32
          %cond3A_308 = arith.cmpi ne, %convert_element_type3A_306, %cond3A_307 : i32
          scf.if %cond3A_308 {
            %slice3A_358 = vector.extract_strided_slice %add3A_246 {offsets = [8], sizes = [1], strides = [1]} : vector<16xi32> to vector<1xi32>
            %squeeze3A_359 = vector.extract %slice3A_358[0] : i32 from vector<1xi32>
            %mul3A_360 = arith.constant 16 : i32
            %mul3A_361 = arith.muli %squeeze3A_359, %mul3A_360 : i32
            %mul3A_362 = arith.constant 16 : i32
            %mul3A_363 = arith.muli %scan3A_143, %mul3A_362 : i32
            %add3A_364 = arith.constant 8 : i32
            %add3A_365 = arith.addi %mul3A_363, %add3A_364 : i32
            %mul3A_366 = arith.constant 16 : i32
            %mul3A_367 = arith.muli %add3A_365, %mul3A_366 : i32
            "tpu.region"() ({
              %run_scoped3A = tpu.sem_alloc : memref<!tpu.dma_semaphore, #tpu.memory_space<semaphore_mem>>
              %dma_start3A = tpu.memref_slice %arg6[%mul3A_367] : memref<320000xf32, #tpu.memory_space<hbm>> -> memref<16xf32, #tpu.memory_space<hbm>>
              %dma_start3A_374 = tpu.memref_slice %arg6[%mul3A_367] : memref<320000xf32, #tpu.memory_space<hbm>> -> memref<16xf32, #tpu.memory_space<hbm>>
              tpu.enqueue_dma source(%dma_start3A_374 : memref<16xf32, #tpu.memory_space<hbm>>) target(%arg18 : memref<16xf32, #tpu.memory_space<vmem>>) target_semaphore(%run_scoped3A : memref<!tpu.dma_semaphore, #tpu.memory_space<semaphore_mem>>)
              %dma_wait3A = tpu.memref_slice %arg6[%mul3A_367] : memref<320000xf32, #tpu.memory_space<hbm>> -> memref<16xf32, #tpu.memory_space<hbm>>
              %dma_wait3A_375 = tpu.memref_slice %arg6[%mul3A_367] : memref<320000xf32, #tpu.memory_space<hbm>> -> memref<16xf32, #tpu.memory_space<hbm>>
              tpu.wait_dma2 semaphore(%run_scoped3A : memref<!tpu.dma_semaphore, #tpu.memory_space<semaphore_mem>>) src(%dma_wait3A_375 : memref<16xf32, #tpu.memory_space<hbm>>) dst(%arg18 : memref<16xf32, #tpu.memory_space<vmem>>)
              tpu.yield
            }) : () -> ()
            %get3A_368 = arith.constant 0 : index
            %get3A_369 = tpu.vector_load %arg18[%get3A_368] {strides = array<i32>} : memref<16xf32, #tpu.memory_space<vmem>>, vector<16xf32>,
            %get3A_370 = arith.index_cast %mul3A_361 : i32 to index
            %get3A_371 = tpu.vector_load %arg13[%get3A_370] {strides = array<i32>} : memref<27648xf32, #tpu.memory_space<vmem>>, vector<16xf32>,
            %max3A_372 = arith.maximumf %get3A_371, %get3A_369 : vector<16xf32>
            %swap3A = arith.index_cast %mul3A_361 : i32 to index
            %swap3A_373 = tpu.vector_load %arg13[%swap3A] {strides = array<i32>} : memref<27648xf32, #tpu.memory_space<vmem>>, vector<16xf32>,
            tpu.vector_store %arg13[%swap3A], %max3A_372 {strides = array<i32>} : memref<27648xf32, #tpu.memory_space<vmem>>, vector<16xf32>,
          } else {
          }
          %slice3A_309 = vector.extract_strided_slice %convert_element_type3A_218 {offsets = [9], sizes = [1], strides = [1]} : vector<16xi32> to vector<1xi32>
          %squeeze3A_310 = vector.extract %slice3A_309[0] : i32 from vector<1xi32>
          %ne3A_311 = arith.constant 0 : i32
          %ne3A_312 = arith.cmpi ne, %squeeze3A_310, %ne3A_311 : i32
          %convert_element_type3A_313 = arith.extui %ne3A_312 : i1 to i32
          %cond3A_314 = arith.constant 0 : i32
          %cond3A_315 = arith.cmpi ne, %convert_element_type3A_313, %cond3A_314 : i32
          scf.if %cond3A_315 {
            %slice3A_358 = vector.extract_strided_slice %add3A_246 {offsets = [9], sizes = [1], strides = [1]} : vector<16xi32> to vector<1xi32>
            %squeeze3A_359 = vector.extract %slice3A_358[0] : i32 from vector<1xi32>
            %mul3A_360 = arith.constant 16 : i32
            %mul3A_361 = arith.muli %squeeze3A_359, %mul3A_360 : i32
            %mul3A_362 = arith.constant 16 : i32
            %mul3A_363 = arith.muli %scan3A_143, %mul3A_362 : i32
            %add3A_364 = arith.constant 9 : i32
            %add3A_365 = arith.addi %mul3A_363, %add3A_364 : i32
            %mul3A_366 = arith.constant 16 : i32
            %mul3A_367 = arith.muli %add3A_365, %mul3A_366 : i32
            "tpu.region"() ({
              %run_scoped3A = tpu.sem_alloc : memref<!tpu.dma_semaphore, #tpu.memory_space<semaphore_mem>>
              %dma_start3A = tpu.memref_slice %arg6[%mul3A_367] : memref<320000xf32, #tpu.memory_space<hbm>> -> memref<16xf32, #tpu.memory_space<hbm>>
              %dma_start3A_374 = tpu.memref_slice %arg6[%mul3A_367] : memref<320000xf32, #tpu.memory_space<hbm>> -> memref<16xf32, #tpu.memory_space<hbm>>
              tpu.enqueue_dma source(%dma_start3A_374 : memref<16xf32, #tpu.memory_space<hbm>>) target(%arg18 : memref<16xf32, #tpu.memory_space<vmem>>) target_semaphore(%run_scoped3A : memref<!tpu.dma_semaphore, #tpu.memory_space<semaphore_mem>>)
              %dma_wait3A = tpu.memref_slice %arg6[%mul3A_367] : memref<320000xf32, #tpu.memory_space<hbm>> -> memref<16xf32, #tpu.memory_space<hbm>>
              %dma_wait3A_375 = tpu.memref_slice %arg6[%mul3A_367] : memref<320000xf32, #tpu.memory_space<hbm>> -> memref<16xf32, #tpu.memory_space<hbm>>
              tpu.wait_dma2 semaphore(%run_scoped3A : memref<!tpu.dma_semaphore, #tpu.memory_space<semaphore_mem>>) src(%dma_wait3A_375 : memref<16xf32, #tpu.memory_space<hbm>>) dst(%arg18 : memref<16xf32, #tpu.memory_space<vmem>>)
              tpu.yield
            }) : () -> ()
            %get3A_368 = arith.constant 0 : index
            %get3A_369 = tpu.vector_load %arg18[%get3A_368] {strides = array<i32>} : memref<16xf32, #tpu.memory_space<vmem>>, vector<16xf32>,
            %get3A_370 = arith.index_cast %mul3A_361 : i32 to index
            %get3A_371 = tpu.vector_load %arg13[%get3A_370] {strides = array<i32>} : memref<27648xf32, #tpu.memory_space<vmem>>, vector<16xf32>,
            %max3A_372 = arith.maximumf %get3A_371, %get3A_369 : vector<16xf32>
            %swap3A = arith.index_cast %mul3A_361 : i32 to index
            %swap3A_373 = tpu.vector_load %arg13[%swap3A] {strides = array<i32>} : memref<27648xf32, #tpu.memory_space<vmem>>, vector<16xf32>,
            tpu.vector_store %arg13[%swap3A], %max3A_372 {strides = array<i32>} : memref<27648xf32, #tpu.memory_space<vmem>>, vector<16xf32>,
          } else {
          }
          %slice3A_316 = vector.extract_strided_slice %convert_element_type3A_218 {offsets = [10], sizes = [1], strides = [1]} : vector<16xi32> to vector<1xi32>
          %squeeze3A_317 = vector.extract %slice3A_316[0] : i32 from vector<1xi32>
          %ne3A_318 = arith.constant 0 : i32
          %ne3A_319 = arith.cmpi ne, %squeeze3A_317, %ne3A_318 : i32
          %convert_element_type3A_320 = arith.extui %ne3A_319 : i1 to i32
          %cond3A_321 = arith.constant 0 : i32
          %cond3A_322 = arith.cmpi ne, %convert_element_type3A_320, %cond3A_321 : i32
          scf.if %cond3A_322 {
            %slice3A_358 = vector.extract_strided_slice %add3A_246 {offsets = [10], sizes = [1], strides = [1]} : vector<16xi32> to vector<1xi32>
            %squeeze3A_359 = vector.extract %slice3A_358[0] : i32 from vector<1xi32>
            %mul3A_360 = arith.constant 16 : i32
            %mul3A_361 = arith.muli %squeeze3A_359, %mul3A_360 : i32
            %mul3A_362 = arith.constant 16 : i32
            %mul3A_363 = arith.muli %scan3A_143, %mul3A_362 : i32
            %add3A_364 = arith.constant 10 : i32
            %add3A_365 = arith.addi %mul3A_363, %add3A_364 : i32
            %mul3A_366 = arith.constant 16 : i32
            %mul3A_367 = arith.muli %add3A_365, %mul3A_366 : i32
            "tpu.region"() ({
              %run_scoped3A = tpu.sem_alloc : memref<!tpu.dma_semaphore, #tpu.memory_space<semaphore_mem>>
              %dma_start3A = tpu.memref_slice %arg6[%mul3A_367] : memref<320000xf32, #tpu.memory_space<hbm>> -> memref<16xf32, #tpu.memory_space<hbm>>
              %dma_start3A_374 = tpu.memref_slice %arg6[%mul3A_367] : memref<320000xf32, #tpu.memory_space<hbm>> -> memref<16xf32, #tpu.memory_space<hbm>>
              tpu.enqueue_dma source(%dma_start3A_374 : memref<16xf32, #tpu.memory_space<hbm>>) target(%arg18 : memref<16xf32, #tpu.memory_space<vmem>>) target_semaphore(%run_scoped3A : memref<!tpu.dma_semaphore, #tpu.memory_space<semaphore_mem>>)
              %dma_wait3A = tpu.memref_slice %arg6[%mul3A_367] : memref<320000xf32, #tpu.memory_space<hbm>> -> memref<16xf32, #tpu.memory_space<hbm>>
              %dma_wait3A_375 = tpu.memref_slice %arg6[%mul3A_367] : memref<320000xf32, #tpu.memory_space<hbm>> -> memref<16xf32, #tpu.memory_space<hbm>>
              tpu.wait_dma2 semaphore(%run_scoped3A : memref<!tpu.dma_semaphore, #tpu.memory_space<semaphore_mem>>) src(%dma_wait3A_375 : memref<16xf32, #tpu.memory_space<hbm>>) dst(%arg18 : memref<16xf32, #tpu.memory_space<vmem>>)
              tpu.yield
            }) : () -> ()
            %get3A_368 = arith.constant 0 : index
            %get3A_369 = tpu.vector_load %arg18[%get3A_368] {strides = array<i32>} : memref<16xf32, #tpu.memory_space<vmem>>, vector<16xf32>,
            %get3A_370 = arith.index_cast %mul3A_361 : i32 to index
            %get3A_371 = tpu.vector_load %arg13[%get3A_370] {strides = array<i32>} : memref<27648xf32, #tpu.memory_space<vmem>>, vector<16xf32>,
            %max3A_372 = arith.maximumf %get3A_371, %get3A_369 : vector<16xf32>
            %swap3A = arith.index_cast %mul3A_361 : i32 to index
            %swap3A_373 = tpu.vector_load %arg13[%swap3A] {strides = array<i32>} : memref<27648xf32, #tpu.memory_space<vmem>>, vector<16xf32>,
            tpu.vector_store %arg13[%swap3A], %max3A_372 {strides = array<i32>} : memref<27648xf32, #tpu.memory_space<vmem>>, vector<16xf32>,
          } else {
          }
          %slice3A_323 = vector.extract_strided_slice %convert_element_type3A_218 {offsets = [11], sizes = [1], strides = [1]} : vector<16xi32> to vector<1xi32>
          %squeeze3A_324 = vector.extract %slice3A_323[0] : i32 from vector<1xi32>
          %ne3A_325 = arith.constant 0 : i32
          %ne3A_326 = arith.cmpi ne, %squeeze3A_324, %ne3A_325 : i32
          %convert_element_type3A_327 = arith.extui %ne3A_326 : i1 to i32
          %cond3A_328 = arith.constant 0 : i32
          %cond3A_329 = arith.cmpi ne, %convert_element_type3A_327, %cond3A_328 : i32
          scf.if %cond3A_329 {
            %slice3A_358 = vector.extract_strided_slice %add3A_246 {offsets = [11], sizes = [1], strides = [1]} : vector<16xi32> to vector<1xi32>
            %squeeze3A_359 = vector.extract %slice3A_358[0] : i32 from vector<1xi32>
            %mul3A_360 = arith.constant 16 : i32
            %mul3A_361 = arith.muli %squeeze3A_359, %mul3A_360 : i32
            %mul3A_362 = arith.constant 16 : i32
            %mul3A_363 = arith.muli %scan3A_143, %mul3A_362 : i32
            %add3A_364 = arith.constant 11 : i32
            %add3A_365 = arith.addi %mul3A_363, %add3A_364 : i32
            %mul3A_366 = arith.constant 16 : i32
            %mul3A_367 = arith.muli %add3A_365, %mul3A_366 : i32
            "tpu.region"() ({
              %run_scoped3A = tpu.sem_alloc : memref<!tpu.dma_semaphore, #tpu.memory_space<semaphore_mem>>
              %dma_start3A = tpu.memref_slice %arg6[%mul3A_367] : memref<320000xf32, #tpu.memory_space<hbm>> -> memref<16xf32, #tpu.memory_space<hbm>>
              %dma_start3A_374 = tpu.memref_slice %arg6[%mul3A_367] : memref<320000xf32, #tpu.memory_space<hbm>> -> memref<16xf32, #tpu.memory_space<hbm>>
              tpu.enqueue_dma source(%dma_start3A_374 : memref<16xf32, #tpu.memory_space<hbm>>) target(%arg18 : memref<16xf32, #tpu.memory_space<vmem>>) target_semaphore(%run_scoped3A : memref<!tpu.dma_semaphore, #tpu.memory_space<semaphore_mem>>)
              %dma_wait3A = tpu.memref_slice %arg6[%mul3A_367] : memref<320000xf32, #tpu.memory_space<hbm>> -> memref<16xf32, #tpu.memory_space<hbm>>
              %dma_wait3A_375 = tpu.memref_slice %arg6[%mul3A_367] : memref<320000xf32, #tpu.memory_space<hbm>> -> memref<16xf32, #tpu.memory_space<hbm>>
              tpu.wait_dma2 semaphore(%run_scoped3A : memref<!tpu.dma_semaphore, #tpu.memory_space<semaphore_mem>>) src(%dma_wait3A_375 : memref<16xf32, #tpu.memory_space<hbm>>) dst(%arg18 : memref<16xf32, #tpu.memory_space<vmem>>)
              tpu.yield
            }) : () -> ()
            %get3A_368 = arith.constant 0 : index
            %get3A_369 = tpu.vector_load %arg18[%get3A_368] {strides = array<i32>} : memref<16xf32, #tpu.memory_space<vmem>>, vector<16xf32>,
            %get3A_370 = arith.index_cast %mul3A_361 : i32 to index
            %get3A_371 = tpu.vector_load %arg13[%get3A_370] {strides = array<i32>} : memref<27648xf32, #tpu.memory_space<vmem>>, vector<16xf32>,
            %max3A_372 = arith.maximumf %get3A_371, %get3A_369 : vector<16xf32>
            %swap3A = arith.index_cast %mul3A_361 : i32 to index
            %swap3A_373 = tpu.vector_load %arg13[%swap3A] {strides = array<i32>} : memref<27648xf32, #tpu.memory_space<vmem>>, vector<16xf32>,
            tpu.vector_store %arg13[%swap3A], %max3A_372 {strides = array<i32>} : memref<27648xf32, #tpu.memory_space<vmem>>, vector<16xf32>,
          } else {
          }
          %slice3A_330 = vector.extract_strided_slice %convert_element_type3A_218 {offsets = [12], sizes = [1], strides = [1]} : vector<16xi32> to vector<1xi32>
          %squeeze3A_331 = vector.extract %slice3A_330[0] : i32 from vector<1xi32>
          %ne3A_332 = arith.constant 0 : i32
          %ne3A_333 = arith.cmpi ne, %squeeze3A_331, %ne3A_332 : i32
          %convert_element_type3A_334 = arith.extui %ne3A_333 : i1 to i32
          %cond3A_335 = arith.constant 0 : i32
          %cond3A_336 = arith.cmpi ne, %convert_element_type3A_334, %cond3A_335 : i32
          scf.if %cond3A_336 {
            %slice3A_358 = vector.extract_strided_slice %add3A_246 {offsets = [12], sizes = [1], strides = [1]} : vector<16xi32> to vector<1xi32>
            %squeeze3A_359 = vector.extract %slice3A_358[0] : i32 from vector<1xi32>
            %mul3A_360 = arith.constant 16 : i32
            %mul3A_361 = arith.muli %squeeze3A_359, %mul3A_360 : i32
            %mul3A_362 = arith.constant 16 : i32
            %mul3A_363 = arith.muli %scan3A_143, %mul3A_362 : i32
            %add3A_364 = arith.constant 12 : i32
            %add3A_365 = arith.addi %mul3A_363, %add3A_364 : i32
            %mul3A_366 = arith.constant 16 : i32
            %mul3A_367 = arith.muli %add3A_365, %mul3A_366 : i32
            "tpu.region"() ({
              %run_scoped3A = tpu.sem_alloc : memref<!tpu.dma_semaphore, #tpu.memory_space<semaphore_mem>>
              %dma_start3A = tpu.memref_slice %arg6[%mul3A_367] : memref<320000xf32, #tpu.memory_space<hbm>> -> memref<16xf32, #tpu.memory_space<hbm>>
              %dma_start3A_374 = tpu.memref_slice %arg6[%mul3A_367] : memref<320000xf32, #tpu.memory_space<hbm>> -> memref<16xf32, #tpu.memory_space<hbm>>
              tpu.enqueue_dma source(%dma_start3A_374 : memref<16xf32, #tpu.memory_space<hbm>>) target(%arg18 : memref<16xf32, #tpu.memory_space<vmem>>) target_semaphore(%run_scoped3A : memref<!tpu.dma_semaphore, #tpu.memory_space<semaphore_mem>>)
              %dma_wait3A = tpu.memref_slice %arg6[%mul3A_367] : memref<320000xf32, #tpu.memory_space<hbm>> -> memref<16xf32, #tpu.memory_space<hbm>>
              %dma_wait3A_375 = tpu.memref_slice %arg6[%mul3A_367] : memref<320000xf32, #tpu.memory_space<hbm>> -> memref<16xf32, #tpu.memory_space<hbm>>
              tpu.wait_dma2 semaphore(%run_scoped3A : memref<!tpu.dma_semaphore, #tpu.memory_space<semaphore_mem>>) src(%dma_wait3A_375 : memref<16xf32, #tpu.memory_space<hbm>>) dst(%arg18 : memref<16xf32, #tpu.memory_space<vmem>>)
              tpu.yield
            }) : () -> ()
            %get3A_368 = arith.constant 0 : index
            %get3A_369 = tpu.vector_load %arg18[%get3A_368] {strides = array<i32>} : memref<16xf32, #tpu.memory_space<vmem>>, vector<16xf32>,
            %get3A_370 = arith.index_cast %mul3A_361 : i32 to index
            %get3A_371 = tpu.vector_load %arg13[%get3A_370] {strides = array<i32>} : memref<27648xf32, #tpu.memory_space<vmem>>, vector<16xf32>,
            %max3A_372 = arith.maximumf %get3A_371, %get3A_369 : vector<16xf32>
            %swap3A = arith.index_cast %mul3A_361 : i32 to index
            %swap3A_373 = tpu.vector_load %arg13[%swap3A] {strides = array<i32>} : memref<27648xf32, #tpu.memory_space<vmem>>, vector<16xf32>,
            tpu.vector_store %arg13[%swap3A], %max3A_372 {strides = array<i32>} : memref<27648xf32, #tpu.memory_space<vmem>>, vector<16xf32>,
          } else {
          }
          %slice3A_337 = vector.extract_strided_slice %convert_element_type3A_218 {offsets = [13], sizes = [1], strides = [1]} : vector<16xi32> to vector<1xi32>
          %squeeze3A_338 = vector.extract %slice3A_337[0] : i32 from vector<1xi32>
          %ne3A_339 = arith.constant 0 : i32
          %ne3A_340 = arith.cmpi ne, %squeeze3A_338, %ne3A_339 : i32
          %convert_element_type3A_341 = arith.extui %ne3A_340 : i1 to i32
          %cond3A_342 = arith.constant 0 : i32
          %cond3A_343 = arith.cmpi ne, %convert_element_type3A_341, %cond3A_342 : i32
          scf.if %cond3A_343 {
            %slice3A_358 = vector.extract_strided_slice %add3A_246 {offsets = [13], sizes = [1], strides = [1]} : vector<16xi32> to vector<1xi32>
            %squeeze3A_359 = vector.extract %slice3A_358[0] : i32 from vector<1xi32>
            %mul3A_360 = arith.constant 16 : i32
            %mul3A_361 = arith.muli %squeeze3A_359, %mul3A_360 : i32
            %mul3A_362 = arith.constant 16 : i32
            %mul3A_363 = arith.muli %scan3A_143, %mul3A_362 : i32
            %add3A_364 = arith.constant 13 : i32
            %add3A_365 = arith.addi %mul3A_363, %add3A_364 : i32
            %mul3A_366 = arith.constant 16 : i32
            %mul3A_367 = arith.muli %add3A_365, %mul3A_366 : i32
            "tpu.region"() ({
              %run_scoped3A = tpu.sem_alloc : memref<!tpu.dma_semaphore, #tpu.memory_space<semaphore_mem>>
              %dma_start3A = tpu.memref_slice %arg6[%mul3A_367] : memref<320000xf32, #tpu.memory_space<hbm>> -> memref<16xf32, #tpu.memory_space<hbm>>
              %dma_start3A_374 = tpu.memref_slice %arg6[%mul3A_367] : memref<320000xf32, #tpu.memory_space<hbm>> -> memref<16xf32, #tpu.memory_space<hbm>>
              tpu.enqueue_dma source(%dma_start3A_374 : memref<16xf32, #tpu.memory_space<hbm>>) target(%arg18 : memref<16xf32, #tpu.memory_space<vmem>>) target_semaphore(%run_scoped3A : memref<!tpu.dma_semaphore, #tpu.memory_space<semaphore_mem>>)
              %dma_wait3A = tpu.memref_slice %arg6[%mul3A_367] : memref<320000xf32, #tpu.memory_space<hbm>> -> memref<16xf32, #tpu.memory_space<hbm>>
              %dma_wait3A_375 = tpu.memref_slice %arg6[%mul3A_367] : memref<320000xf32, #tpu.memory_space<hbm>> -> memref<16xf32, #tpu.memory_space<hbm>>
              tpu.wait_dma2 semaphore(%run_scoped3A : memref<!tpu.dma_semaphore, #tpu.memory_space<semaphore_mem>>) src(%dma_wait3A_375 : memref<16xf32, #tpu.memory_space<hbm>>) dst(%arg18 : memref<16xf32, #tpu.memory_space<vmem>>)
              tpu.yield
            }) : () -> ()
            %get3A_368 = arith.constant 0 : index
            %get3A_369 = tpu.vector_load %arg18[%get3A_368] {strides = array<i32>} : memref<16xf32, #tpu.memory_space<vmem>>, vector<16xf32>,
            %get3A_370 = arith.index_cast %mul3A_361 : i32 to index
            %get3A_371 = tpu.vector_load %arg13[%get3A_370] {strides = array<i32>} : memref<27648xf32, #tpu.memory_space<vmem>>, vector<16xf32>,
            %max3A_372 = arith.maximumf %get3A_371, %get3A_369 : vector<16xf32>
            %swap3A = arith.index_cast %mul3A_361 : i32 to index
            %swap3A_373 = tpu.vector_load %arg13[%swap3A] {strides = array<i32>} : memref<27648xf32, #tpu.memory_space<vmem>>, vector<16xf32>,
            tpu.vector_store %arg13[%swap3A], %max3A_372 {strides = array<i32>} : memref<27648xf32, #tpu.memory_space<vmem>>, vector<16xf32>,
          } else {
          }
          %slice3A_344 = vector.extract_strided_slice %convert_element_type3A_218 {offsets = [14], sizes = [1], strides = [1]} : vector<16xi32> to vector<1xi32>
          %squeeze3A_345 = vector.extract %slice3A_344[0] : i32 from vector<1xi32>
          %ne3A_346 = arith.constant 0 : i32
          %ne3A_347 = arith.cmpi ne, %squeeze3A_345, %ne3A_346 : i32
          %convert_element_type3A_348 = arith.extui %ne3A_347 : i1 to i32
          %cond3A_349 = arith.constant 0 : i32
          %cond3A_350 = arith.cmpi ne, %convert_element_type3A_348, %cond3A_349 : i32
          scf.if %cond3A_350 {
            %slice3A_358 = vector.extract_strided_slice %add3A_246 {offsets = [14], sizes = [1], strides = [1]} : vector<16xi32> to vector<1xi32>
            %squeeze3A_359 = vector.extract %slice3A_358[0] : i32 from vector<1xi32>
            %mul3A_360 = arith.constant 16 : i32
            %mul3A_361 = arith.muli %squeeze3A_359, %mul3A_360 : i32
            %mul3A_362 = arith.constant 16 : i32
            %mul3A_363 = arith.muli %scan3A_143, %mul3A_362 : i32
            %add3A_364 = arith.constant 14 : i32
            %add3A_365 = arith.addi %mul3A_363, %add3A_364 : i32
            %mul3A_366 = arith.constant 16 : i32
            %mul3A_367 = arith.muli %add3A_365, %mul3A_366 : i32
            "tpu.region"() ({
              %run_scoped3A = tpu.sem_alloc : memref<!tpu.dma_semaphore, #tpu.memory_space<semaphore_mem>>
              %dma_start3A = tpu.memref_slice %arg6[%mul3A_367] : memref<320000xf32, #tpu.memory_space<hbm>> -> memref<16xf32, #tpu.memory_space<hbm>>
              %dma_start3A_374 = tpu.memref_slice %arg6[%mul3A_367] : memref<320000xf32, #tpu.memory_space<hbm>> -> memref<16xf32, #tpu.memory_space<hbm>>
              tpu.enqueue_dma source(%dma_start3A_374 : memref<16xf32, #tpu.memory_space<hbm>>) target(%arg18 : memref<16xf32, #tpu.memory_space<vmem>>) target_semaphore(%run_scoped3A : memref<!tpu.dma_semaphore, #tpu.memory_space<semaphore_mem>>)
              %dma_wait3A = tpu.memref_slice %arg6[%mul3A_367] : memref<320000xf32, #tpu.memory_space<hbm>> -> memref<16xf32, #tpu.memory_space<hbm>>
              %dma_wait3A_375 = tpu.memref_slice %arg6[%mul3A_367] : memref<320000xf32, #tpu.memory_space<hbm>> -> memref<16xf32, #tpu.memory_space<hbm>>
              tpu.wait_dma2 semaphore(%run_scoped3A : memref<!tpu.dma_semaphore, #tpu.memory_space<semaphore_mem>>) src(%dma_wait3A_375 : memref<16xf32, #tpu.memory_space<hbm>>) dst(%arg18 : memref<16xf32, #tpu.memory_space<vmem>>)
              tpu.yield
            }) : () -> ()
            %get3A_368 = arith.constant 0 : index
            %get3A_369 = tpu.vector_load %arg18[%get3A_368] {strides = array<i32>} : memref<16xf32, #tpu.memory_space<vmem>>, vector<16xf32>,
            %get3A_370 = arith.index_cast %mul3A_361 : i32 to index
            %get3A_371 = tpu.vector_load %arg13[%get3A_370] {strides = array<i32>} : memref<27648xf32, #tpu.memory_space<vmem>>, vector<16xf32>,
            %max3A_372 = arith.maximumf %get3A_371, %get3A_369 : vector<16xf32>
            %swap3A = arith.index_cast %mul3A_361 : i32 to index
            %swap3A_373 = tpu.vector_load %arg13[%swap3A] {strides = array<i32>} : memref<27648xf32, #tpu.memory_space<vmem>>, vector<16xf32>,
            tpu.vector_store %arg13[%swap3A], %max3A_372 {strides = array<i32>} : memref<27648xf32, #tpu.memory_space<vmem>>, vector<16xf32>,
          } else {
          }
          %slice3A_351 = vector.extract_strided_slice %convert_element_type3A_218 {offsets = [15], sizes = [1], strides = [1]} : vector<16xi32> to vector<1xi32>
          %squeeze3A_352 = vector.extract %slice3A_351[0] : i32 from vector<1xi32>
          %ne3A_353 = arith.constant 0 : i32
          %ne3A_354 = arith.cmpi ne, %squeeze3A_352, %ne3A_353 : i32
          %convert_element_type3A_355 = arith.extui %ne3A_354 : i1 to i32
          %cond3A_356 = arith.constant 0 : i32
          %cond3A_357 = arith.cmpi ne, %convert_element_type3A_355, %cond3A_356 : i32
          scf.if %cond3A_357 {
            %slice3A_358 = vector.extract_strided_slice %add3A_246 {offsets = [15], sizes = [1], strides = [1]} : vector<16xi32> to vector<1xi32>
            %squeeze3A_359 = vector.extract %slice3A_358[0] : i32 from vector<1xi32>
            %mul3A_360 = arith.constant 16 : i32
            %mul3A_361 = arith.muli %squeeze3A_359, %mul3A_360 : i32
            %mul3A_362 = arith.constant 16 : i32
            %mul3A_363 = arith.muli %scan3A_143, %mul3A_362 : i32
            %add3A_364 = arith.constant 15 : i32
            %add3A_365 = arith.addi %mul3A_363, %add3A_364 : i32
            %mul3A_366 = arith.constant 16 : i32
            %mul3A_367 = arith.muli %add3A_365, %mul3A_366 : i32
            "tpu.region"() ({
              %run_scoped3A = tpu.sem_alloc : memref<!tpu.dma_semaphore, #tpu.memory_space<semaphore_mem>>
              %dma_start3A = tpu.memref_slice %arg6[%mul3A_367] : memref<320000xf32, #tpu.memory_space<hbm>> -> memref<16xf32, #tpu.memory_space<hbm>>
              %dma_start3A_374 = tpu.memref_slice %arg6[%mul3A_367] : memref<320000xf32, #tpu.memory_space<hbm>> -> memref<16xf32, #tpu.memory_space<hbm>>
              tpu.enqueue_dma source(%dma_start3A_374 : memref<16xf32, #tpu.memory_space<hbm>>) target(%arg18 : memref<16xf32, #tpu.memory_space<vmem>>) target_semaphore(%run_scoped3A : memref<!tpu.dma_semaphore, #tpu.memory_space<semaphore_mem>>)
              %dma_wait3A = tpu.memref_slice %arg6[%mul3A_367] : memref<320000xf32, #tpu.memory_space<hbm>> -> memref<16xf32, #tpu.memory_space<hbm>>
              %dma_wait3A_375 = tpu.memref_slice %arg6[%mul3A_367] : memref<320000xf32, #tpu.memory_space<hbm>> -> memref<16xf32, #tpu.memory_space<hbm>>
              tpu.wait_dma2 semaphore(%run_scoped3A : memref<!tpu.dma_semaphore, #tpu.memory_space<semaphore_mem>>) src(%dma_wait3A_375 : memref<16xf32, #tpu.memory_space<hbm>>) dst(%arg18 : memref<16xf32, #tpu.memory_space<vmem>>)
              tpu.yield
            }) : () -> ()
            %get3A_368 = arith.constant 0 : index
            %get3A_369 = tpu.vector_load %arg18[%get3A_368] {strides = array<i32>} : memref<16xf32, #tpu.memory_space<vmem>>, vector<16xf32>,
            %get3A_370 = arith.index_cast %mul3A_361 : i32 to index
            %get3A_371 = tpu.vector_load %arg13[%get3A_370] {strides = array<i32>} : memref<27648xf32, #tpu.memory_space<vmem>>, vector<16xf32>,
            %max3A_372 = arith.maximumf %get3A_371, %get3A_369 : vector<16xf32>
            %swap3A = arith.index_cast %mul3A_361 : i32 to index
            %swap3A_373 = tpu.vector_load %arg13[%swap3A] {strides = array<i32>} : memref<27648xf32, #tpu.memory_space<vmem>>, vector<16xf32>,
            tpu.vector_store %arg13[%swap3A], %max3A_372 {strides = array<i32>} : memref<27648xf32, #tpu.memory_space<vmem>>, vector<16xf32>,
          } else {
          }
        } else {
        }
        %all_reduce_population_count3A_210 = tpu.all_reduce %and3A_196 {dim = 0 : i64, kind = #tpu.reduction_kind<sum>} : vector<16xi1> -> vector<16xi32>
        %slice3A_211 = vector.extract_strided_slice %all_reduce_population_count3A_210 {offsets = [0], sizes = [1], strides = [1]} : vector<16xi32> to vector<1xi32>
        %squeeze3A_212 = vector.extract %slice3A_211[0] : i32 from vector<1xi32>
        %gt3A_213 = arith.constant 0 : i32
        %gt3A_214 = arith.cmpi sgt, %squeeze3A_212, %gt3A_213 : i32
        %convert_element_type3A_215 = arith.extui %gt3A_214 : i1 to i32
        %cond3A_216 = arith.constant 0 : i32
        %cond3A_217 = arith.cmpi ne, %convert_element_type3A_215, %cond3A_216 : i32
        scf.if %cond3A_217 {
          %convert_element_type3A_218 = arith.extui %and3A_196 : vector<16xi1> to vector<16xi32>
          %div3A = arith.divf %add3A_180, %broadcast_in_dim3A_74 : vector<16xf32>
          %convert_element_type3A_219 = arith.fptosi %div3A : vector<16xf32> to vector<16xi32>
          %jit3A = arith.constant 0 : i32
          %jit3A_220 = arith.constant 11 : i32
          %max3A = vector.broadcast %jit3A : i32 to vector<16xi32>
          %max3A_221 = arith.maxsi %max3A, %convert_element_type3A_219 : vector<16xi32>
          %min3A = vector.broadcast %jit3A_220 : i32 to vector<16xi32>
          %min3A_222 = arith.minsi %min3A, %max3A_221 : vector<16xi32>
          %div3A_223 = arith.divf %add3A_184, %broadcast_in_dim3A_77 : vector<16xf32>
          %convert_element_type3A_224 = arith.fptosi %div3A_223 : vector<16xf32> to vector<16xi32>
          %jit3A_225 = arith.constant 0 : i32
          %jit3A_226 = arith.constant 11 : i32
          %max3A_227 = vector.broadcast %jit3A_225 : i32 to vector<16xi32>
          %max3A_228 = arith.maxsi %max3A_227, %convert_element_type3A_224 : vector<16xi32>
          %min3A_229 = vector.broadcast %jit3A_226 : i32 to vector<16xi32>
          %min3A_230 = arith.minsi %min3A_229, %max3A_228 : vector<16xi32>
          %div3A_231 = arith.divf %sub3A_185, %broadcast_in_dim3A_80 : vector<16xf32>
          %convert_element_type3A_232 = arith.fptosi %div3A_231 : vector<16xf32> to vector<16xi32>
          %jit3A_233 = arith.constant 0 : i32
          %jit3A_234 = arith.constant 11 : i32
          %max3A_235 = vector.broadcast %jit3A_233 : i32 to vector<16xi32>
          %max3A_236 = arith.maxsi %max3A_235, %convert_element_type3A_232 : vector<16xi32>
          %min3A_237 = vector.broadcast %jit3A_234 : i32 to vector<16xi32>
          %min3A_238 = arith.minsi %min3A_237, %max3A_236 : vector<16xi32>
          %mul3A_239 = arith.constant 12 : i32
          %mul3A_240 = vector.broadcast %mul3A_239 : i32 to vector<16xi32>
          %mul3A_241 = arith.muli %min3A_222, %mul3A_240 : vector<16xi32>
          %add3A_242 = arith.addi %mul3A_241, %min3A_230 : vector<16xi32>
          %mul3A_243 = arith.constant 12 : i32
          %mul3A_244 = vector.broadcast %mul3A_243 : i32 to vector<16xi32>
          %mul3A_245 = arith.muli %add3A_242, %mul3A_244 : vector<16xi32>
          %add3A_246 = arith.addi %mul3A_245, %min3A_238 : vector<16xi32>
          tpu.vector_store_idx %arg16[%add3A_246], %broadcast_in_dim3A_92 masked %and3A_196 : memref<1728xi32, #tpu.memory_space<vmem>>[vector<16xi32>], vector<16xi32>, vector<16xi1>
          %slice3A_247 = vector.extract_strided_slice %convert_element_type3A_218 {offsets = [0], sizes = [1], strides = [1]} : vector<16xi32> to vector<1xi32>
          %squeeze3A_248 = vector.extract %slice3A_247[0] : i32 from vector<1xi32>
          %ne3A = arith.constant 0 : i32
          %ne3A_249 = arith.cmpi ne, %squeeze3A_248, %ne3A : i32
          %convert_element_type3A_250 = arith.extui %ne3A_249 : i1 to i32
          %cond3A_251 = arith.constant 0 : i32
          %cond3A_252 = arith.cmpi ne, %convert_element_type3A_250, %cond3A_251 : i32
          scf.if %cond3A_252 {
            %slice3A_358 = vector.extract_strided_slice %add3A_246 {offsets = [0], sizes = [1], strides = [1]} : vector<16xi32> to vector<1xi32>
            %squeeze3A_359 = vector.extract %slice3A_358[0] : i32 from vector<1xi32>
            %mul3A_360 = arith.constant 16 : i32
            %mul3A_361 = arith.muli %squeeze3A_359, %mul3A_360 : i32
            %mul3A_362 = arith.constant 16 : i32
            %mul3A_363 = arith.muli %scan3A_143, %mul3A_362 : i32
            %add3A_364 = arith.constant 0 : i32
            %add3A_365 = arith.addi %mul3A_363, %add3A_364 : i32
            %mul3A_366 = arith.constant 16 : i32
            %mul3A_367 = arith.muli %add3A_365, %mul3A_366 : i32
            "tpu.region"() ({
              %run_scoped3A = tpu.sem_alloc : memref<!tpu.dma_semaphore, #tpu.memory_space<semaphore_mem>>
              %dma_start3A = tpu.memref_slice %arg6[%mul3A_367] : memref<320000xf32, #tpu.memory_space<hbm>> -> memref<16xf32, #tpu.memory_space<hbm>>
              %dma_start3A_374 = tpu.memref_slice %arg6[%mul3A_367] : memref<320000xf32, #tpu.memory_space<hbm>> -> memref<16xf32, #tpu.memory_space<hbm>>
              tpu.enqueue_dma source(%dma_start3A_374 : memref<16xf32, #tpu.memory_space<hbm>>) target(%arg18 : memref<16xf32, #tpu.memory_space<vmem>>) target_semaphore(%run_scoped3A : memref<!tpu.dma_semaphore, #tpu.memory_space<semaphore_mem>>)
              %dma_wait3A = tpu.memref_slice %arg6[%mul3A_367] : memref<320000xf32, #tpu.memory_space<hbm>> -> memref<16xf32, #tpu.memory_space<hbm>>
              %dma_wait3A_375 = tpu.memref_slice %arg6[%mul3A_367] : memref<320000xf32, #tpu.memory_space<hbm>> -> memref<16xf32, #tpu.memory_space<hbm>>
              tpu.wait_dma2 semaphore(%run_scoped3A : memref<!tpu.dma_semaphore, #tpu.memory_space<semaphore_mem>>) src(%dma_wait3A_375 : memref<16xf32, #tpu.memory_space<hbm>>) dst(%arg18 : memref<16xf32, #tpu.memory_space<vmem>>)
              tpu.yield
            }) : () -> ()
            %get3A_368 = arith.constant 0 : index
            %get3A_369 = tpu.vector_load %arg18[%get3A_368] {strides = array<i32>} : memref<16xf32, #tpu.memory_space<vmem>>, vector<16xf32>,
            %get3A_370 = arith.index_cast %mul3A_361 : i32 to index
            %get3A_371 = tpu.vector_load %arg14[%get3A_370] {strides = array<i32>} : memref<27648xf32, #tpu.memory_space<vmem>>, vector<16xf32>,
            %max3A_372 = arith.maximumf %get3A_371, %get3A_369 : vector<16xf32>
            %swap3A = arith.index_cast %mul3A_361 : i32 to index
            %swap3A_373 = tpu.vector_load %arg14[%swap3A] {strides = array<i32>} : memref<27648xf32, #tpu.memory_space<vmem>>, vector<16xf32>,
            tpu.vector_store %arg14[%swap3A], %max3A_372 {strides = array<i32>} : memref<27648xf32, #tpu.memory_space<vmem>>, vector<16xf32>,
          } else {
          }
          %slice3A_253 = vector.extract_strided_slice %convert_element_type3A_218 {offsets = [1], sizes = [1], strides = [1]} : vector<16xi32> to vector<1xi32>
          %squeeze3A_254 = vector.extract %slice3A_253[0] : i32 from vector<1xi32>
          %ne3A_255 = arith.constant 0 : i32
          %ne3A_256 = arith.cmpi ne, %squeeze3A_254, %ne3A_255 : i32
          %convert_element_type3A_257 = arith.extui %ne3A_256 : i1 to i32
          %cond3A_258 = arith.constant 0 : i32
          %cond3A_259 = arith.cmpi ne, %convert_element_type3A_257, %cond3A_258 : i32
          scf.if %cond3A_259 {
            %slice3A_358 = vector.extract_strided_slice %add3A_246 {offsets = [1], sizes = [1], strides = [1]} : vector<16xi32> to vector<1xi32>
            %squeeze3A_359 = vector.extract %slice3A_358[0] : i32 from vector<1xi32>
            %mul3A_360 = arith.constant 16 : i32
            %mul3A_361 = arith.muli %squeeze3A_359, %mul3A_360 : i32
            %mul3A_362 = arith.constant 16 : i32
            %mul3A_363 = arith.muli %scan3A_143, %mul3A_362 : i32
            %add3A_364 = arith.constant 1 : i32
            %add3A_365 = arith.addi %mul3A_363, %add3A_364 : i32
            %mul3A_366 = arith.constant 16 : i32
            %mul3A_367 = arith.muli %add3A_365, %mul3A_366 : i32
            "tpu.region"() ({
              %run_scoped3A = tpu.sem_alloc : memref<!tpu.dma_semaphore, #tpu.memory_space<semaphore_mem>>
              %dma_start3A = tpu.memref_slice %arg6[%mul3A_367] : memref<320000xf32, #tpu.memory_space<hbm>> -> memref<16xf32, #tpu.memory_space<hbm>>
              %dma_start3A_374 = tpu.memref_slice %arg6[%mul3A_367] : memref<320000xf32, #tpu.memory_space<hbm>> -> memref<16xf32, #tpu.memory_space<hbm>>
              tpu.enqueue_dma source(%dma_start3A_374 : memref<16xf32, #tpu.memory_space<hbm>>) target(%arg18 : memref<16xf32, #tpu.memory_space<vmem>>) target_semaphore(%run_scoped3A : memref<!tpu.dma_semaphore, #tpu.memory_space<semaphore_mem>>)
              %dma_wait3A = tpu.memref_slice %arg6[%mul3A_367] : memref<320000xf32, #tpu.memory_space<hbm>> -> memref<16xf32, #tpu.memory_space<hbm>>
              %dma_wait3A_375 = tpu.memref_slice %arg6[%mul3A_367] : memref<320000xf32, #tpu.memory_space<hbm>> -> memref<16xf32, #tpu.memory_space<hbm>>
              tpu.wait_dma2 semaphore(%run_scoped3A : memref<!tpu.dma_semaphore, #tpu.memory_space<semaphore_mem>>) src(%dma_wait3A_375 : memref<16xf32, #tpu.memory_space<hbm>>) dst(%arg18 : memref<16xf32, #tpu.memory_space<vmem>>)
              tpu.yield
            }) : () -> ()
            %get3A_368 = arith.constant 0 : index
            %get3A_369 = tpu.vector_load %arg18[%get3A_368] {strides = array<i32>} : memref<16xf32, #tpu.memory_space<vmem>>, vector<16xf32>,
            %get3A_370 = arith.index_cast %mul3A_361 : i32 to index
            %get3A_371 = tpu.vector_load %arg14[%get3A_370] {strides = array<i32>} : memref<27648xf32, #tpu.memory_space<vmem>>, vector<16xf32>,
            %max3A_372 = arith.maximumf %get3A_371, %get3A_369 : vector<16xf32>
            %swap3A = arith.index_cast %mul3A_361 : i32 to index
            %swap3A_373 = tpu.vector_load %arg14[%swap3A] {strides = array<i32>} : memref<27648xf32, #tpu.memory_space<vmem>>, vector<16xf32>,
            tpu.vector_store %arg14[%swap3A], %max3A_372 {strides = array<i32>} : memref<27648xf32, #tpu.memory_space<vmem>>, vector<16xf32>,
          } else {
          }
          %slice3A_260 = vector.extract_strided_slice %convert_element_type3A_218 {offsets = [2], sizes = [1], strides = [1]} : vector<16xi32> to vector<1xi32>
          %squeeze3A_261 = vector.extract %slice3A_260[0] : i32 from vector<1xi32>
          %ne3A_262 = arith.constant 0 : i32
          %ne3A_263 = arith.cmpi ne, %squeeze3A_261, %ne3A_262 : i32
          %convert_element_type3A_264 = arith.extui %ne3A_263 : i1 to i32
          %cond3A_265 = arith.constant 0 : i32
          %cond3A_266 = arith.cmpi ne, %convert_element_type3A_264, %cond3A_265 : i32
          scf.if %cond3A_266 {
            %slice3A_358 = vector.extract_strided_slice %add3A_246 {offsets = [2], sizes = [1], strides = [1]} : vector<16xi32> to vector<1xi32>
            %squeeze3A_359 = vector.extract %slice3A_358[0] : i32 from vector<1xi32>
            %mul3A_360 = arith.constant 16 : i32
            %mul3A_361 = arith.muli %squeeze3A_359, %mul3A_360 : i32
            %mul3A_362 = arith.constant 16 : i32
            %mul3A_363 = arith.muli %scan3A_143, %mul3A_362 : i32
            %add3A_364 = arith.constant 2 : i32
            %add3A_365 = arith.addi %mul3A_363, %add3A_364 : i32
            %mul3A_366 = arith.constant 16 : i32
            %mul3A_367 = arith.muli %add3A_365, %mul3A_366 : i32
            "tpu.region"() ({
              %run_scoped3A = tpu.sem_alloc : memref<!tpu.dma_semaphore, #tpu.memory_space<semaphore_mem>>
              %dma_start3A = tpu.memref_slice %arg6[%mul3A_367] : memref<320000xf32, #tpu.memory_space<hbm>> -> memref<16xf32, #tpu.memory_space<hbm>>
              %dma_start3A_374 = tpu.memref_slice %arg6[%mul3A_367] : memref<320000xf32, #tpu.memory_space<hbm>> -> memref<16xf32, #tpu.memory_space<hbm>>
              tpu.enqueue_dma source(%dma_start3A_374 : memref<16xf32, #tpu.memory_space<hbm>>) target(%arg18 : memref<16xf32, #tpu.memory_space<vmem>>) target_semaphore(%run_scoped3A : memref<!tpu.dma_semaphore, #tpu.memory_space<semaphore_mem>>)
              %dma_wait3A = tpu.memref_slice %arg6[%mul3A_367] : memref<320000xf32, #tpu.memory_space<hbm>> -> memref<16xf32, #tpu.memory_space<hbm>>
              %dma_wait3A_375 = tpu.memref_slice %arg6[%mul3A_367] : memref<320000xf32, #tpu.memory_space<hbm>> -> memref<16xf32, #tpu.memory_space<hbm>>
              tpu.wait_dma2 semaphore(%run_scoped3A : memref<!tpu.dma_semaphore, #tpu.memory_space<semaphore_mem>>) src(%dma_wait3A_375 : memref<16xf32, #tpu.memory_space<hbm>>) dst(%arg18 : memref<16xf32, #tpu.memory_space<vmem>>)
              tpu.yield
            }) : () -> ()
            %get3A_368 = arith.constant 0 : index
            %get3A_369 = tpu.vector_load %arg18[%get3A_368] {strides = array<i32>} : memref<16xf32, #tpu.memory_space<vmem>>, vector<16xf32>,
            %get3A_370 = arith.index_cast %mul3A_361 : i32 to index
            %get3A_371 = tpu.vector_load %arg14[%get3A_370] {strides = array<i32>} : memref<27648xf32, #tpu.memory_space<vmem>>, vector<16xf32>,
            %max3A_372 = arith.maximumf %get3A_371, %get3A_369 : vector<16xf32>
            %swap3A = arith.index_cast %mul3A_361 : i32 to index
            %swap3A_373 = tpu.vector_load %arg14[%swap3A] {strides = array<i32>} : memref<27648xf32, #tpu.memory_space<vmem>>, vector<16xf32>,
            tpu.vector_store %arg14[%swap3A], %max3A_372 {strides = array<i32>} : memref<27648xf32, #tpu.memory_space<vmem>>, vector<16xf32>,
          } else {
          }
          %slice3A_267 = vector.extract_strided_slice %convert_element_type3A_218 {offsets = [3], sizes = [1], strides = [1]} : vector<16xi32> to vector<1xi32>
          %squeeze3A_268 = vector.extract %slice3A_267[0] : i32 from vector<1xi32>
          %ne3A_269 = arith.constant 0 : i32
          %ne3A_270 = arith.cmpi ne, %squeeze3A_268, %ne3A_269 : i32
          %convert_element_type3A_271 = arith.extui %ne3A_270 : i1 to i32
          %cond3A_272 = arith.constant 0 : i32
          %cond3A_273 = arith.cmpi ne, %convert_element_type3A_271, %cond3A_272 : i32
          scf.if %cond3A_273 {
            %slice3A_358 = vector.extract_strided_slice %add3A_246 {offsets = [3], sizes = [1], strides = [1]} : vector<16xi32> to vector<1xi32>
            %squeeze3A_359 = vector.extract %slice3A_358[0] : i32 from vector<1xi32>
            %mul3A_360 = arith.constant 16 : i32
            %mul3A_361 = arith.muli %squeeze3A_359, %mul3A_360 : i32
            %mul3A_362 = arith.constant 16 : i32
            %mul3A_363 = arith.muli %scan3A_143, %mul3A_362 : i32
            %add3A_364 = arith.constant 3 : i32
            %add3A_365 = arith.addi %mul3A_363, %add3A_364 : i32
            %mul3A_366 = arith.constant 16 : i32
            %mul3A_367 = arith.muli %add3A_365, %mul3A_366 : i32
            "tpu.region"() ({
              %run_scoped3A = tpu.sem_alloc : memref<!tpu.dma_semaphore, #tpu.memory_space<semaphore_mem>>
              %dma_start3A = tpu.memref_slice %arg6[%mul3A_367] : memref<320000xf32, #tpu.memory_space<hbm>> -> memref<16xf32, #tpu.memory_space<hbm>>
              %dma_start3A_374 = tpu.memref_slice %arg6[%mul3A_367] : memref<320000xf32, #tpu.memory_space<hbm>> -> memref<16xf32, #tpu.memory_space<hbm>>
              tpu.enqueue_dma source(%dma_start3A_374 : memref<16xf32, #tpu.memory_space<hbm>>) target(%arg18 : memref<16xf32, #tpu.memory_space<vmem>>) target_semaphore(%run_scoped3A : memref<!tpu.dma_semaphore, #tpu.memory_space<semaphore_mem>>)
              %dma_wait3A = tpu.memref_slice %arg6[%mul3A_367] : memref<320000xf32, #tpu.memory_space<hbm>> -> memref<16xf32, #tpu.memory_space<hbm>>
              %dma_wait3A_375 = tpu.memref_slice %arg6[%mul3A_367] : memref<320000xf32, #tpu.memory_space<hbm>> -> memref<16xf32, #tpu.memory_space<hbm>>
              tpu.wait_dma2 semaphore(%run_scoped3A : memref<!tpu.dma_semaphore, #tpu.memory_space<semaphore_mem>>) src(%dma_wait3A_375 : memref<16xf32, #tpu.memory_space<hbm>>) dst(%arg18 : memref<16xf32, #tpu.memory_space<vmem>>)
              tpu.yield
            }) : () -> ()
            %get3A_368 = arith.constant 0 : index
            %get3A_369 = tpu.vector_load %arg18[%get3A_368] {strides = array<i32>} : memref<16xf32, #tpu.memory_space<vmem>>, vector<16xf32>,
            %get3A_370 = arith.index_cast %mul3A_361 : i32 to index
            %get3A_371 = tpu.vector_load %arg14[%get3A_370] {strides = array<i32>} : memref<27648xf32, #tpu.memory_space<vmem>>, vector<16xf32>,
            %max3A_372 = arith.maximumf %get3A_371, %get3A_369 : vector<16xf32>
            %swap3A = arith.index_cast %mul3A_361 : i32 to index
            %swap3A_373 = tpu.vector_load %arg14[%swap3A] {strides = array<i32>} : memref<27648xf32, #tpu.memory_space<vmem>>, vector<16xf32>,
            tpu.vector_store %arg14[%swap3A], %max3A_372 {strides = array<i32>} : memref<27648xf32, #tpu.memory_space<vmem>>, vector<16xf32>,
          } else {
          }
          %slice3A_274 = vector.extract_strided_slice %convert_element_type3A_218 {offsets = [4], sizes = [1], strides = [1]} : vector<16xi32> to vector<1xi32>
          %squeeze3A_275 = vector.extract %slice3A_274[0] : i32 from vector<1xi32>
          %ne3A_276 = arith.constant 0 : i32
          %ne3A_277 = arith.cmpi ne, %squeeze3A_275, %ne3A_276 : i32
          %convert_element_type3A_278 = arith.extui %ne3A_277 : i1 to i32
          %cond3A_279 = arith.constant 0 : i32
          %cond3A_280 = arith.cmpi ne, %convert_element_type3A_278, %cond3A_279 : i32
          scf.if %cond3A_280 {
            %slice3A_358 = vector.extract_strided_slice %add3A_246 {offsets = [4], sizes = [1], strides = [1]} : vector<16xi32> to vector<1xi32>
            %squeeze3A_359 = vector.extract %slice3A_358[0] : i32 from vector<1xi32>
            %mul3A_360 = arith.constant 16 : i32
            %mul3A_361 = arith.muli %squeeze3A_359, %mul3A_360 : i32
            %mul3A_362 = arith.constant 16 : i32
            %mul3A_363 = arith.muli %scan3A_143, %mul3A_362 : i32
            %add3A_364 = arith.constant 4 : i32
            %add3A_365 = arith.addi %mul3A_363, %add3A_364 : i32
            %mul3A_366 = arith.constant 16 : i32
            %mul3A_367 = arith.muli %add3A_365, %mul3A_366 : i32
            "tpu.region"() ({
              %run_scoped3A = tpu.sem_alloc : memref<!tpu.dma_semaphore, #tpu.memory_space<semaphore_mem>>
              %dma_start3A = tpu.memref_slice %arg6[%mul3A_367] : memref<320000xf32, #tpu.memory_space<hbm>> -> memref<16xf32, #tpu.memory_space<hbm>>
              %dma_start3A_374 = tpu.memref_slice %arg6[%mul3A_367] : memref<320000xf32, #tpu.memory_space<hbm>> -> memref<16xf32, #tpu.memory_space<hbm>>
              tpu.enqueue_dma source(%dma_start3A_374 : memref<16xf32, #tpu.memory_space<hbm>>) target(%arg18 : memref<16xf32, #tpu.memory_space<vmem>>) target_semaphore(%run_scoped3A : memref<!tpu.dma_semaphore, #tpu.memory_space<semaphore_mem>>)
              %dma_wait3A = tpu.memref_slice %arg6[%mul3A_367] : memref<320000xf32, #tpu.memory_space<hbm>> -> memref<16xf32, #tpu.memory_space<hbm>>
              %dma_wait3A_375 = tpu.memref_slice %arg6[%mul3A_367] : memref<320000xf32, #tpu.memory_space<hbm>> -> memref<16xf32, #tpu.memory_space<hbm>>
              tpu.wait_dma2 semaphore(%run_scoped3A : memref<!tpu.dma_semaphore, #tpu.memory_space<semaphore_mem>>) src(%dma_wait3A_375 : memref<16xf32, #tpu.memory_space<hbm>>) dst(%arg18 : memref<16xf32, #tpu.memory_space<vmem>>)
              tpu.yield
            }) : () -> ()
            %get3A_368 = arith.constant 0 : index
            %get3A_369 = tpu.vector_load %arg18[%get3A_368] {strides = array<i32>} : memref<16xf32, #tpu.memory_space<vmem>>, vector<16xf32>,
            %get3A_370 = arith.index_cast %mul3A_361 : i32 to index
            %get3A_371 = tpu.vector_load %arg14[%get3A_370] {strides = array<i32>} : memref<27648xf32, #tpu.memory_space<vmem>>, vector<16xf32>,
            %max3A_372 = arith.maximumf %get3A_371, %get3A_369 : vector<16xf32>
            %swap3A = arith.index_cast %mul3A_361 : i32 to index
            %swap3A_373 = tpu.vector_load %arg14[%swap3A] {strides = array<i32>} : memref<27648xf32, #tpu.memory_space<vmem>>, vector<16xf32>,
            tpu.vector_store %arg14[%swap3A], %max3A_372 {strides = array<i32>} : memref<27648xf32, #tpu.memory_space<vmem>>, vector<16xf32>,
          } else {
          }
          %slice3A_281 = vector.extract_strided_slice %convert_element_type3A_218 {offsets = [5], sizes = [1], strides = [1]} : vector<16xi32> to vector<1xi32>
          %squeeze3A_282 = vector.extract %slice3A_281[0] : i32 from vector<1xi32>
          %ne3A_283 = arith.constant 0 : i32
          %ne3A_284 = arith.cmpi ne, %squeeze3A_282, %ne3A_283 : i32
          %convert_element_type3A_285 = arith.extui %ne3A_284 : i1 to i32
          %cond3A_286 = arith.constant 0 : i32
          %cond3A_287 = arith.cmpi ne, %convert_element_type3A_285, %cond3A_286 : i32
          scf.if %cond3A_287 {
            %slice3A_358 = vector.extract_strided_slice %add3A_246 {offsets = [5], sizes = [1], strides = [1]} : vector<16xi32> to vector<1xi32>
            %squeeze3A_359 = vector.extract %slice3A_358[0] : i32 from vector<1xi32>
            %mul3A_360 = arith.constant 16 : i32
            %mul3A_361 = arith.muli %squeeze3A_359, %mul3A_360 : i32
            %mul3A_362 = arith.constant 16 : i32
            %mul3A_363 = arith.muli %scan3A_143, %mul3A_362 : i32
            %add3A_364 = arith.constant 5 : i32
            %add3A_365 = arith.addi %mul3A_363, %add3A_364 : i32
            %mul3A_366 = arith.constant 16 : i32
            %mul3A_367 = arith.muli %add3A_365, %mul3A_366 : i32
            "tpu.region"() ({
              %run_scoped3A = tpu.sem_alloc : memref<!tpu.dma_semaphore, #tpu.memory_space<semaphore_mem>>
              %dma_start3A = tpu.memref_slice %arg6[%mul3A_367] : memref<320000xf32, #tpu.memory_space<hbm>> -> memref<16xf32, #tpu.memory_space<hbm>>
              %dma_start3A_374 = tpu.memref_slice %arg6[%mul3A_367] : memref<320000xf32, #tpu.memory_space<hbm>> -> memref<16xf32, #tpu.memory_space<hbm>>
              tpu.enqueue_dma source(%dma_start3A_374 : memref<16xf32, #tpu.memory_space<hbm>>) target(%arg18 : memref<16xf32, #tpu.memory_space<vmem>>) target_semaphore(%run_scoped3A : memref<!tpu.dma_semaphore, #tpu.memory_space<semaphore_mem>>)
              %dma_wait3A = tpu.memref_slice %arg6[%mul3A_367] : memref<320000xf32, #tpu.memory_space<hbm>> -> memref<16xf32, #tpu.memory_space<hbm>>
              %dma_wait3A_375 = tpu.memref_slice %arg6[%mul3A_367] : memref<320000xf32, #tpu.memory_space<hbm>> -> memref<16xf32, #tpu.memory_space<hbm>>
              tpu.wait_dma2 semaphore(%run_scoped3A : memref<!tpu.dma_semaphore, #tpu.memory_space<semaphore_mem>>) src(%dma_wait3A_375 : memref<16xf32, #tpu.memory_space<hbm>>) dst(%arg18 : memref<16xf32, #tpu.memory_space<vmem>>)
              tpu.yield
            }) : () -> ()
            %get3A_368 = arith.constant 0 : index
            %get3A_369 = tpu.vector_load %arg18[%get3A_368] {strides = array<i32>} : memref<16xf32, #tpu.memory_space<vmem>>, vector<16xf32>,
            %get3A_370 = arith.index_cast %mul3A_361 : i32 to index
            %get3A_371 = tpu.vector_load %arg14[%get3A_370] {strides = array<i32>} : memref<27648xf32, #tpu.memory_space<vmem>>, vector<16xf32>,
            %max3A_372 = arith.maximumf %get3A_371, %get3A_369 : vector<16xf32>
            %swap3A = arith.index_cast %mul3A_361 : i32 to index
            %swap3A_373 = tpu.vector_load %arg14[%swap3A] {strides = array<i32>} : memref<27648xf32, #tpu.memory_space<vmem>>, vector<16xf32>,
            tpu.vector_store %arg14[%swap3A], %max3A_372 {strides = array<i32>} : memref<27648xf32, #tpu.memory_space<vmem>>, vector<16xf32>,
          } else {
          }
          %slice3A_288 = vector.extract_strided_slice %convert_element_type3A_218 {offsets = [6], sizes = [1], strides = [1]} : vector<16xi32> to vector<1xi32>
          %squeeze3A_289 = vector.extract %slice3A_288[0] : i32 from vector<1xi32>
          %ne3A_290 = arith.constant 0 : i32
          %ne3A_291 = arith.cmpi ne, %squeeze3A_289, %ne3A_290 : i32
          %convert_element_type3A_292 = arith.extui %ne3A_291 : i1 to i32
          %cond3A_293 = arith.constant 0 : i32
          %cond3A_294 = arith.cmpi ne, %convert_element_type3A_292, %cond3A_293 : i32
          scf.if %cond3A_294 {
            %slice3A_358 = vector.extract_strided_slice %add3A_246 {offsets = [6], sizes = [1], strides = [1]} : vector<16xi32> to vector<1xi32>
            %squeeze3A_359 = vector.extract %slice3A_358[0] : i32 from vector<1xi32>
            %mul3A_360 = arith.constant 16 : i32
            %mul3A_361 = arith.muli %squeeze3A_359, %mul3A_360 : i32
            %mul3A_362 = arith.constant 16 : i32
            %mul3A_363 = arith.muli %scan3A_143, %mul3A_362 : i32
            %add3A_364 = arith.constant 6 : i32
            %add3A_365 = arith.addi %mul3A_363, %add3A_364 : i32
            %mul3A_366 = arith.constant 16 : i32
            %mul3A_367 = arith.muli %add3A_365, %mul3A_366 : i32
            "tpu.region"() ({
              %run_scoped3A = tpu.sem_alloc : memref<!tpu.dma_semaphore, #tpu.memory_space<semaphore_mem>>
              %dma_start3A = tpu.memref_slice %arg6[%mul3A_367] : memref<320000xf32, #tpu.memory_space<hbm>> -> memref<16xf32, #tpu.memory_space<hbm>>
              %dma_start3A_374 = tpu.memref_slice %arg6[%mul3A_367] : memref<320000xf32, #tpu.memory_space<hbm>> -> memref<16xf32, #tpu.memory_space<hbm>>
              tpu.enqueue_dma source(%dma_start3A_374 : memref<16xf32, #tpu.memory_space<hbm>>) target(%arg18 : memref<16xf32, #tpu.memory_space<vmem>>) target_semaphore(%run_scoped3A : memref<!tpu.dma_semaphore, #tpu.memory_space<semaphore_mem>>)
              %dma_wait3A = tpu.memref_slice %arg6[%mul3A_367] : memref<320000xf32, #tpu.memory_space<hbm>> -> memref<16xf32, #tpu.memory_space<hbm>>
              %dma_wait3A_375 = tpu.memref_slice %arg6[%mul3A_367] : memref<320000xf32, #tpu.memory_space<hbm>> -> memref<16xf32, #tpu.memory_space<hbm>>
              tpu.wait_dma2 semaphore(%run_scoped3A : memref<!tpu.dma_semaphore, #tpu.memory_space<semaphore_mem>>) src(%dma_wait3A_375 : memref<16xf32, #tpu.memory_space<hbm>>) dst(%arg18 : memref<16xf32, #tpu.memory_space<vmem>>)
              tpu.yield
            }) : () -> ()
            %get3A_368 = arith.constant 0 : index
            %get3A_369 = tpu.vector_load %arg18[%get3A_368] {strides = array<i32>} : memref<16xf32, #tpu.memory_space<vmem>>, vector<16xf32>,
            %get3A_370 = arith.index_cast %mul3A_361 : i32 to index
            %get3A_371 = tpu.vector_load %arg14[%get3A_370] {strides = array<i32>} : memref<27648xf32, #tpu.memory_space<vmem>>, vector<16xf32>,
            %max3A_372 = arith.maximumf %get3A_371, %get3A_369 : vector<16xf32>
            %swap3A = arith.index_cast %mul3A_361 : i32 to index
            %swap3A_373 = tpu.vector_load %arg14[%swap3A] {strides = array<i32>} : memref<27648xf32, #tpu.memory_space<vmem>>, vector<16xf32>,
            tpu.vector_store %arg14[%swap3A], %max3A_372 {strides = array<i32>} : memref<27648xf32, #tpu.memory_space<vmem>>, vector<16xf32>,
          } else {
          }
          %slice3A_295 = vector.extract_strided_slice %convert_element_type3A_218 {offsets = [7], sizes = [1], strides = [1]} : vector<16xi32> to vector<1xi32>
          %squeeze3A_296 = vector.extract %slice3A_295[0] : i32 from vector<1xi32>
          %ne3A_297 = arith.constant 0 : i32
          %ne3A_298 = arith.cmpi ne, %squeeze3A_296, %ne3A_297 : i32
          %convert_element_type3A_299 = arith.extui %ne3A_298 : i1 to i32
          %cond3A_300 = arith.constant 0 : i32
          %cond3A_301 = arith.cmpi ne, %convert_element_type3A_299, %cond3A_300 : i32
          scf.if %cond3A_301 {
            %slice3A_358 = vector.extract_strided_slice %add3A_246 {offsets = [7], sizes = [1], strides = [1]} : vector<16xi32> to vector<1xi32>
            %squeeze3A_359 = vector.extract %slice3A_358[0] : i32 from vector<1xi32>
            %mul3A_360 = arith.constant 16 : i32
            %mul3A_361 = arith.muli %squeeze3A_359, %mul3A_360 : i32
            %mul3A_362 = arith.constant 16 : i32
            %mul3A_363 = arith.muli %scan3A_143, %mul3A_362 : i32
            %add3A_364 = arith.constant 7 : i32
            %add3A_365 = arith.addi %mul3A_363, %add3A_364 : i32
            %mul3A_366 = arith.constant 16 : i32
            %mul3A_367 = arith.muli %add3A_365, %mul3A_366 : i32
            "tpu.region"() ({
              %run_scoped3A = tpu.sem_alloc : memref<!tpu.dma_semaphore, #tpu.memory_space<semaphore_mem>>
              %dma_start3A = tpu.memref_slice %arg6[%mul3A_367] : memref<320000xf32, #tpu.memory_space<hbm>> -> memref<16xf32, #tpu.memory_space<hbm>>
              %dma_start3A_374 = tpu.memref_slice %arg6[%mul3A_367] : memref<320000xf32, #tpu.memory_space<hbm>> -> memref<16xf32, #tpu.memory_space<hbm>>
              tpu.enqueue_dma source(%dma_start3A_374 : memref<16xf32, #tpu.memory_space<hbm>>) target(%arg18 : memref<16xf32, #tpu.memory_space<vmem>>) target_semaphore(%run_scoped3A : memref<!tpu.dma_semaphore, #tpu.memory_space<semaphore_mem>>)
              %dma_wait3A = tpu.memref_slice %arg6[%mul3A_367] : memref<320000xf32, #tpu.memory_space<hbm>> -> memref<16xf32, #tpu.memory_space<hbm>>
              %dma_wait3A_375 = tpu.memref_slice %arg6[%mul3A_367] : memref<320000xf32, #tpu.memory_space<hbm>> -> memref<16xf32, #tpu.memory_space<hbm>>
              tpu.wait_dma2 semaphore(%run_scoped3A : memref<!tpu.dma_semaphore, #tpu.memory_space<semaphore_mem>>) src(%dma_wait3A_375 : memref<16xf32, #tpu.memory_space<hbm>>) dst(%arg18 : memref<16xf32, #tpu.memory_space<vmem>>)
              tpu.yield
            }) : () -> ()
            %get3A_368 = arith.constant 0 : index
            %get3A_369 = tpu.vector_load %arg18[%get3A_368] {strides = array<i32>} : memref<16xf32, #tpu.memory_space<vmem>>, vector<16xf32>,
            %get3A_370 = arith.index_cast %mul3A_361 : i32 to index
            %get3A_371 = tpu.vector_load %arg14[%get3A_370] {strides = array<i32>} : memref<27648xf32, #tpu.memory_space<vmem>>, vector<16xf32>,
            %max3A_372 = arith.maximumf %get3A_371, %get3A_369 : vector<16xf32>
            %swap3A = arith.index_cast %mul3A_361 : i32 to index
            %swap3A_373 = tpu.vector_load %arg14[%swap3A] {strides = array<i32>} : memref<27648xf32, #tpu.memory_space<vmem>>, vector<16xf32>,
            tpu.vector_store %arg14[%swap3A], %max3A_372 {strides = array<i32>} : memref<27648xf32, #tpu.memory_space<vmem>>, vector<16xf32>,
          } else {
          }
          %slice3A_302 = vector.extract_strided_slice %convert_element_type3A_218 {offsets = [8], sizes = [1], strides = [1]} : vector<16xi32> to vector<1xi32>
          %squeeze3A_303 = vector.extract %slice3A_302[0] : i32 from vector<1xi32>
          %ne3A_304 = arith.constant 0 : i32
          %ne3A_305 = arith.cmpi ne, %squeeze3A_303, %ne3A_304 : i32
          %convert_element_type3A_306 = arith.extui %ne3A_305 : i1 to i32
          %cond3A_307 = arith.constant 0 : i32
          %cond3A_308 = arith.cmpi ne, %convert_element_type3A_306, %cond3A_307 : i32
          scf.if %cond3A_308 {
            %slice3A_358 = vector.extract_strided_slice %add3A_246 {offsets = [8], sizes = [1], strides = [1]} : vector<16xi32> to vector<1xi32>
            %squeeze3A_359 = vector.extract %slice3A_358[0] : i32 from vector<1xi32>
            %mul3A_360 = arith.constant 16 : i32
            %mul3A_361 = arith.muli %squeeze3A_359, %mul3A_360 : i32
            %mul3A_362 = arith.constant 16 : i32
            %mul3A_363 = arith.muli %scan3A_143, %mul3A_362 : i32
            %add3A_364 = arith.constant 8 : i32
            %add3A_365 = arith.addi %mul3A_363, %add3A_364 : i32
            %mul3A_366 = arith.constant 16 : i32
            %mul3A_367 = arith.muli %add3A_365, %mul3A_366 : i32
            "tpu.region"() ({
              %run_scoped3A = tpu.sem_alloc : memref<!tpu.dma_semaphore, #tpu.memory_space<semaphore_mem>>
              %dma_start3A = tpu.memref_slice %arg6[%mul3A_367] : memref<320000xf32, #tpu.memory_space<hbm>> -> memref<16xf32, #tpu.memory_space<hbm>>
              %dma_start3A_374 = tpu.memref_slice %arg6[%mul3A_367] : memref<320000xf32, #tpu.memory_space<hbm>> -> memref<16xf32, #tpu.memory_space<hbm>>
              tpu.enqueue_dma source(%dma_start3A_374 : memref<16xf32, #tpu.memory_space<hbm>>) target(%arg18 : memref<16xf32, #tpu.memory_space<vmem>>) target_semaphore(%run_scoped3A : memref<!tpu.dma_semaphore, #tpu.memory_space<semaphore_mem>>)
              %dma_wait3A = tpu.memref_slice %arg6[%mul3A_367] : memref<320000xf32, #tpu.memory_space<hbm>> -> memref<16xf32, #tpu.memory_space<hbm>>
              %dma_wait3A_375 = tpu.memref_slice %arg6[%mul3A_367] : memref<320000xf32, #tpu.memory_space<hbm>> -> memref<16xf32, #tpu.memory_space<hbm>>
              tpu.wait_dma2 semaphore(%run_scoped3A : memref<!tpu.dma_semaphore, #tpu.memory_space<semaphore_mem>>) src(%dma_wait3A_375 : memref<16xf32, #tpu.memory_space<hbm>>) dst(%arg18 : memref<16xf32, #tpu.memory_space<vmem>>)
              tpu.yield
            }) : () -> ()
            %get3A_368 = arith.constant 0 : index
            %get3A_369 = tpu.vector_load %arg18[%get3A_368] {strides = array<i32>} : memref<16xf32, #tpu.memory_space<vmem>>, vector<16xf32>,
            %get3A_370 = arith.index_cast %mul3A_361 : i32 to index
            %get3A_371 = tpu.vector_load %arg14[%get3A_370] {strides = array<i32>} : memref<27648xf32, #tpu.memory_space<vmem>>, vector<16xf32>,
            %max3A_372 = arith.maximumf %get3A_371, %get3A_369 : vector<16xf32>
            %swap3A = arith.index_cast %mul3A_361 : i32 to index
            %swap3A_373 = tpu.vector_load %arg14[%swap3A] {strides = array<i32>} : memref<27648xf32, #tpu.memory_space<vmem>>, vector<16xf32>,
            tpu.vector_store %arg14[%swap3A], %max3A_372 {strides = array<i32>} : memref<27648xf32, #tpu.memory_space<vmem>>, vector<16xf32>,
          } else {
          }
          %slice3A_309 = vector.extract_strided_slice %convert_element_type3A_218 {offsets = [9], sizes = [1], strides = [1]} : vector<16xi32> to vector<1xi32>
          %squeeze3A_310 = vector.extract %slice3A_309[0] : i32 from vector<1xi32>
          %ne3A_311 = arith.constant 0 : i32
          %ne3A_312 = arith.cmpi ne, %squeeze3A_310, %ne3A_311 : i32
          %convert_element_type3A_313 = arith.extui %ne3A_312 : i1 to i32
          %cond3A_314 = arith.constant 0 : i32
          %cond3A_315 = arith.cmpi ne, %convert_element_type3A_313, %cond3A_314 : i32
          scf.if %cond3A_315 {
            %slice3A_358 = vector.extract_strided_slice %add3A_246 {offsets = [9], sizes = [1], strides = [1]} : vector<16xi32> to vector<1xi32>
            %squeeze3A_359 = vector.extract %slice3A_358[0] : i32 from vector<1xi32>
            %mul3A_360 = arith.constant 16 : i32
            %mul3A_361 = arith.muli %squeeze3A_359, %mul3A_360 : i32
            %mul3A_362 = arith.constant 16 : i32
            %mul3A_363 = arith.muli %scan3A_143, %mul3A_362 : i32
            %add3A_364 = arith.constant 9 : i32
            %add3A_365 = arith.addi %mul3A_363, %add3A_364 : i32
            %mul3A_366 = arith.constant 16 : i32
            %mul3A_367 = arith.muli %add3A_365, %mul3A_366 : i32
            "tpu.region"() ({
              %run_scoped3A = tpu.sem_alloc : memref<!tpu.dma_semaphore, #tpu.memory_space<semaphore_mem>>
              %dma_start3A = tpu.memref_slice %arg6[%mul3A_367] : memref<320000xf32, #tpu.memory_space<hbm>> -> memref<16xf32, #tpu.memory_space<hbm>>
              %dma_start3A_374 = tpu.memref_slice %arg6[%mul3A_367] : memref<320000xf32, #tpu.memory_space<hbm>> -> memref<16xf32, #tpu.memory_space<hbm>>
              tpu.enqueue_dma source(%dma_start3A_374 : memref<16xf32, #tpu.memory_space<hbm>>) target(%arg18 : memref<16xf32, #tpu.memory_space<vmem>>) target_semaphore(%run_scoped3A : memref<!tpu.dma_semaphore, #tpu.memory_space<semaphore_mem>>)
              %dma_wait3A = tpu.memref_slice %arg6[%mul3A_367] : memref<320000xf32, #tpu.memory_space<hbm>> -> memref<16xf32, #tpu.memory_space<hbm>>
              %dma_wait3A_375 = tpu.memref_slice %arg6[%mul3A_367] : memref<320000xf32, #tpu.memory_space<hbm>> -> memref<16xf32, #tpu.memory_space<hbm>>
              tpu.wait_dma2 semaphore(%run_scoped3A : memref<!tpu.dma_semaphore, #tpu.memory_space<semaphore_mem>>) src(%dma_wait3A_375 : memref<16xf32, #tpu.memory_space<hbm>>) dst(%arg18 : memref<16xf32, #tpu.memory_space<vmem>>)
              tpu.yield
            }) : () -> ()
            %get3A_368 = arith.constant 0 : index
            %get3A_369 = tpu.vector_load %arg18[%get3A_368] {strides = array<i32>} : memref<16xf32, #tpu.memory_space<vmem>>, vector<16xf32>,
            %get3A_370 = arith.index_cast %mul3A_361 : i32 to index
            %get3A_371 = tpu.vector_load %arg14[%get3A_370] {strides = array<i32>} : memref<27648xf32, #tpu.memory_space<vmem>>, vector<16xf32>,
            %max3A_372 = arith.maximumf %get3A_371, %get3A_369 : vector<16xf32>
            %swap3A = arith.index_cast %mul3A_361 : i32 to index
            %swap3A_373 = tpu.vector_load %arg14[%swap3A] {strides = array<i32>} : memref<27648xf32, #tpu.memory_space<vmem>>, vector<16xf32>,
            tpu.vector_store %arg14[%swap3A], %max3A_372 {strides = array<i32>} : memref<27648xf32, #tpu.memory_space<vmem>>, vector<16xf32>,
          } else {
          }
          %slice3A_316 = vector.extract_strided_slice %convert_element_type3A_218 {offsets = [10], sizes = [1], strides = [1]} : vector<16xi32> to vector<1xi32>
          %squeeze3A_317 = vector.extract %slice3A_316[0] : i32 from vector<1xi32>
          %ne3A_318 = arith.constant 0 : i32
          %ne3A_319 = arith.cmpi ne, %squeeze3A_317, %ne3A_318 : i32
          %convert_element_type3A_320 = arith.extui %ne3A_319 : i1 to i32
          %cond3A_321 = arith.constant 0 : i32
          %cond3A_322 = arith.cmpi ne, %convert_element_type3A_320, %cond3A_321 : i32
          scf.if %cond3A_322 {
            %slice3A_358 = vector.extract_strided_slice %add3A_246 {offsets = [10], sizes = [1], strides = [1]} : vector<16xi32> to vector<1xi32>
            %squeeze3A_359 = vector.extract %slice3A_358[0] : i32 from vector<1xi32>
            %mul3A_360 = arith.constant 16 : i32
            %mul3A_361 = arith.muli %squeeze3A_359, %mul3A_360 : i32
            %mul3A_362 = arith.constant 16 : i32
            %mul3A_363 = arith.muli %scan3A_143, %mul3A_362 : i32
            %add3A_364 = arith.constant 10 : i32
            %add3A_365 = arith.addi %mul3A_363, %add3A_364 : i32
            %mul3A_366 = arith.constant 16 : i32
            %mul3A_367 = arith.muli %add3A_365, %mul3A_366 : i32
            "tpu.region"() ({
              %run_scoped3A = tpu.sem_alloc : memref<!tpu.dma_semaphore, #tpu.memory_space<semaphore_mem>>
              %dma_start3A = tpu.memref_slice %arg6[%mul3A_367] : memref<320000xf32, #tpu.memory_space<hbm>> -> memref<16xf32, #tpu.memory_space<hbm>>
              %dma_start3A_374 = tpu.memref_slice %arg6[%mul3A_367] : memref<320000xf32, #tpu.memory_space<hbm>> -> memref<16xf32, #tpu.memory_space<hbm>>
              tpu.enqueue_dma source(%dma_start3A_374 : memref<16xf32, #tpu.memory_space<hbm>>) target(%arg18 : memref<16xf32, #tpu.memory_space<vmem>>) target_semaphore(%run_scoped3A : memref<!tpu.dma_semaphore, #tpu.memory_space<semaphore_mem>>)
              %dma_wait3A = tpu.memref_slice %arg6[%mul3A_367] : memref<320000xf32, #tpu.memory_space<hbm>> -> memref<16xf32, #tpu.memory_space<hbm>>
              %dma_wait3A_375 = tpu.memref_slice %arg6[%mul3A_367] : memref<320000xf32, #tpu.memory_space<hbm>> -> memref<16xf32, #tpu.memory_space<hbm>>
              tpu.wait_dma2 semaphore(%run_scoped3A : memref<!tpu.dma_semaphore, #tpu.memory_space<semaphore_mem>>) src(%dma_wait3A_375 : memref<16xf32, #tpu.memory_space<hbm>>) dst(%arg18 : memref<16xf32, #tpu.memory_space<vmem>>)
              tpu.yield
            }) : () -> ()
            %get3A_368 = arith.constant 0 : index
            %get3A_369 = tpu.vector_load %arg18[%get3A_368] {strides = array<i32>} : memref<16xf32, #tpu.memory_space<vmem>>, vector<16xf32>,
            %get3A_370 = arith.index_cast %mul3A_361 : i32 to index
            %get3A_371 = tpu.vector_load %arg14[%get3A_370] {strides = array<i32>} : memref<27648xf32, #tpu.memory_space<vmem>>, vector<16xf32>,
            %max3A_372 = arith.maximumf %get3A_371, %get3A_369 : vector<16xf32>
            %swap3A = arith.index_cast %mul3A_361 : i32 to index
            %swap3A_373 = tpu.vector_load %arg14[%swap3A] {strides = array<i32>} : memref<27648xf32, #tpu.memory_space<vmem>>, vector<16xf32>,
            tpu.vector_store %arg14[%swap3A], %max3A_372 {strides = array<i32>} : memref<27648xf32, #tpu.memory_space<vmem>>, vector<16xf32>,
          } else {
          }
          %slice3A_323 = vector.extract_strided_slice %convert_element_type3A_218 {offsets = [11], sizes = [1], strides = [1]} : vector<16xi32> to vector<1xi32>
          %squeeze3A_324 = vector.extract %slice3A_323[0] : i32 from vector<1xi32>
          %ne3A_325 = arith.constant 0 : i32
          %ne3A_326 = arith.cmpi ne, %squeeze3A_324, %ne3A_325 : i32
          %convert_element_type3A_327 = arith.extui %ne3A_326 : i1 to i32
          %cond3A_328 = arith.constant 0 : i32
          %cond3A_329 = arith.cmpi ne, %convert_element_type3A_327, %cond3A_328 : i32
          scf.if %cond3A_329 {
            %slice3A_358 = vector.extract_strided_slice %add3A_246 {offsets = [11], sizes = [1], strides = [1]} : vector<16xi32> to vector<1xi32>
            %squeeze3A_359 = vector.extract %slice3A_358[0] : i32 from vector<1xi32>
            %mul3A_360 = arith.constant 16 : i32
            %mul3A_361 = arith.muli %squeeze3A_359, %mul3A_360 : i32
            %mul3A_362 = arith.constant 16 : i32
            %mul3A_363 = arith.muli %scan3A_143, %mul3A_362 : i32
            %add3A_364 = arith.constant 11 : i32
            %add3A_365 = arith.addi %mul3A_363, %add3A_364 : i32
            %mul3A_366 = arith.constant 16 : i32
            %mul3A_367 = arith.muli %add3A_365, %mul3A_366 : i32
            "tpu.region"() ({
              %run_scoped3A = tpu.sem_alloc : memref<!tpu.dma_semaphore, #tpu.memory_space<semaphore_mem>>
              %dma_start3A = tpu.memref_slice %arg6[%mul3A_367] : memref<320000xf32, #tpu.memory_space<hbm>> -> memref<16xf32, #tpu.memory_space<hbm>>
              %dma_start3A_374 = tpu.memref_slice %arg6[%mul3A_367] : memref<320000xf32, #tpu.memory_space<hbm>> -> memref<16xf32, #tpu.memory_space<hbm>>
              tpu.enqueue_dma source(%dma_start3A_374 : memref<16xf32, #tpu.memory_space<hbm>>) target(%arg18 : memref<16xf32, #tpu.memory_space<vmem>>) target_semaphore(%run_scoped3A : memref<!tpu.dma_semaphore, #tpu.memory_space<semaphore_mem>>)
              %dma_wait3A = tpu.memref_slice %arg6[%mul3A_367] : memref<320000xf32, #tpu.memory_space<hbm>> -> memref<16xf32, #tpu.memory_space<hbm>>
              %dma_wait3A_375 = tpu.memref_slice %arg6[%mul3A_367] : memref<320000xf32, #tpu.memory_space<hbm>> -> memref<16xf32, #tpu.memory_space<hbm>>
              tpu.wait_dma2 semaphore(%run_scoped3A : memref<!tpu.dma_semaphore, #tpu.memory_space<semaphore_mem>>) src(%dma_wait3A_375 : memref<16xf32, #tpu.memory_space<hbm>>) dst(%arg18 : memref<16xf32, #tpu.memory_space<vmem>>)
              tpu.yield
            }) : () -> ()
            %get3A_368 = arith.constant 0 : index
            %get3A_369 = tpu.vector_load %arg18[%get3A_368] {strides = array<i32>} : memref<16xf32, #tpu.memory_space<vmem>>, vector<16xf32>,
            %get3A_370 = arith.index_cast %mul3A_361 : i32 to index
            %get3A_371 = tpu.vector_load %arg14[%get3A_370] {strides = array<i32>} : memref<27648xf32, #tpu.memory_space<vmem>>, vector<16xf32>,
            %max3A_372 = arith.maximumf %get3A_371, %get3A_369 : vector<16xf32>
            %swap3A = arith.index_cast %mul3A_361 : i32 to index
            %swap3A_373 = tpu.vector_load %arg14[%swap3A] {strides = array<i32>} : memref<27648xf32, #tpu.memory_space<vmem>>, vector<16xf32>,
            tpu.vector_store %arg14[%swap3A], %max3A_372 {strides = array<i32>} : memref<27648xf32, #tpu.memory_space<vmem>>, vector<16xf32>,
          } else {
          }
          %slice3A_330 = vector.extract_strided_slice %convert_element_type3A_218 {offsets = [12], sizes = [1], strides = [1]} : vector<16xi32> to vector<1xi32>
          %squeeze3A_331 = vector.extract %slice3A_330[0] : i32 from vector<1xi32>
          %ne3A_332 = arith.constant 0 : i32
          %ne3A_333 = arith.cmpi ne, %squeeze3A_331, %ne3A_332 : i32
          %convert_element_type3A_334 = arith.extui %ne3A_333 : i1 to i32
          %cond3A_335 = arith.constant 0 : i32
          %cond3A_336 = arith.cmpi ne, %convert_element_type3A_334, %cond3A_335 : i32
          scf.if %cond3A_336 {
            %slice3A_358 = vector.extract_strided_slice %add3A_246 {offsets = [12], sizes = [1], strides = [1]} : vector<16xi32> to vector<1xi32>
            %squeeze3A_359 = vector.extract %slice3A_358[0] : i32 from vector<1xi32>
            %mul3A_360 = arith.constant 16 : i32
            %mul3A_361 = arith.muli %squeeze3A_359, %mul3A_360 : i32
            %mul3A_362 = arith.constant 16 : i32
            %mul3A_363 = arith.muli %scan3A_143, %mul3A_362 : i32
            %add3A_364 = arith.constant 12 : i32
            %add3A_365 = arith.addi %mul3A_363, %add3A_364 : i32
            %mul3A_366 = arith.constant 16 : i32
            %mul3A_367 = arith.muli %add3A_365, %mul3A_366 : i32
            "tpu.region"() ({
              %run_scoped3A = tpu.sem_alloc : memref<!tpu.dma_semaphore, #tpu.memory_space<semaphore_mem>>
              %dma_start3A = tpu.memref_slice %arg6[%mul3A_367] : memref<320000xf32, #tpu.memory_space<hbm>> -> memref<16xf32, #tpu.memory_space<hbm>>
              %dma_start3A_374 = tpu.memref_slice %arg6[%mul3A_367] : memref<320000xf32, #tpu.memory_space<hbm>> -> memref<16xf32, #tpu.memory_space<hbm>>
              tpu.enqueue_dma source(%dma_start3A_374 : memref<16xf32, #tpu.memory_space<hbm>>) target(%arg18 : memref<16xf32, #tpu.memory_space<vmem>>) target_semaphore(%run_scoped3A : memref<!tpu.dma_semaphore, #tpu.memory_space<semaphore_mem>>)
              %dma_wait3A = tpu.memref_slice %arg6[%mul3A_367] : memref<320000xf32, #tpu.memory_space<hbm>> -> memref<16xf32, #tpu.memory_space<hbm>>
              %dma_wait3A_375 = tpu.memref_slice %arg6[%mul3A_367] : memref<320000xf32, #tpu.memory_space<hbm>> -> memref<16xf32, #tpu.memory_space<hbm>>
              tpu.wait_dma2 semaphore(%run_scoped3A : memref<!tpu.dma_semaphore, #tpu.memory_space<semaphore_mem>>) src(%dma_wait3A_375 : memref<16xf32, #tpu.memory_space<hbm>>) dst(%arg18 : memref<16xf32, #tpu.memory_space<vmem>>)
              tpu.yield
            }) : () -> ()
            %get3A_368 = arith.constant 0 : index
            %get3A_369 = tpu.vector_load %arg18[%get3A_368] {strides = array<i32>} : memref<16xf32, #tpu.memory_space<vmem>>, vector<16xf32>,
            %get3A_370 = arith.index_cast %mul3A_361 : i32 to index
            %get3A_371 = tpu.vector_load %arg14[%get3A_370] {strides = array<i32>} : memref<27648xf32, #tpu.memory_space<vmem>>, vector<16xf32>,
            %max3A_372 = arith.maximumf %get3A_371, %get3A_369 : vector<16xf32>
            %swap3A = arith.index_cast %mul3A_361 : i32 to index
            %swap3A_373 = tpu.vector_load %arg14[%swap3A] {strides = array<i32>} : memref<27648xf32, #tpu.memory_space<vmem>>, vector<16xf32>,
            tpu.vector_store %arg14[%swap3A], %max3A_372 {strides = array<i32>} : memref<27648xf32, #tpu.memory_space<vmem>>, vector<16xf32>,
          } else {
          }
          %slice3A_337 = vector.extract_strided_slice %convert_element_type3A_218 {offsets = [13], sizes = [1], strides = [1]} : vector<16xi32> to vector<1xi32>
          %squeeze3A_338 = vector.extract %slice3A_337[0] : i32 from vector<1xi32>
          %ne3A_339 = arith.constant 0 : i32
          %ne3A_340 = arith.cmpi ne, %squeeze3A_338, %ne3A_339 : i32
          %convert_element_type3A_341 = arith.extui %ne3A_340 : i1 to i32
          %cond3A_342 = arith.constant 0 : i32
          %cond3A_343 = arith.cmpi ne, %convert_element_type3A_341, %cond3A_342 : i32
          scf.if %cond3A_343 {
            %slice3A_358 = vector.extract_strided_slice %add3A_246 {offsets = [13], sizes = [1], strides = [1]} : vector<16xi32> to vector<1xi32>
            %squeeze3A_359 = vector.extract %slice3A_358[0] : i32 from vector<1xi32>
            %mul3A_360 = arith.constant 16 : i32
            %mul3A_361 = arith.muli %squeeze3A_359, %mul3A_360 : i32
            %mul3A_362 = arith.constant 16 : i32
            %mul3A_363 = arith.muli %scan3A_143, %mul3A_362 : i32
            %add3A_364 = arith.constant 13 : i32
            %add3A_365 = arith.addi %mul3A_363, %add3A_364 : i32
            %mul3A_366 = arith.constant 16 : i32
            %mul3A_367 = arith.muli %add3A_365, %mul3A_366 : i32
            "tpu.region"() ({
              %run_scoped3A = tpu.sem_alloc : memref<!tpu.dma_semaphore, #tpu.memory_space<semaphore_mem>>
              %dma_start3A = tpu.memref_slice %arg6[%mul3A_367] : memref<320000xf32, #tpu.memory_space<hbm>> -> memref<16xf32, #tpu.memory_space<hbm>>
              %dma_start3A_374 = tpu.memref_slice %arg6[%mul3A_367] : memref<320000xf32, #tpu.memory_space<hbm>> -> memref<16xf32, #tpu.memory_space<hbm>>
              tpu.enqueue_dma source(%dma_start3A_374 : memref<16xf32, #tpu.memory_space<hbm>>) target(%arg18 : memref<16xf32, #tpu.memory_space<vmem>>) target_semaphore(%run_scoped3A : memref<!tpu.dma_semaphore, #tpu.memory_space<semaphore_mem>>)
              %dma_wait3A = tpu.memref_slice %arg6[%mul3A_367] : memref<320000xf32, #tpu.memory_space<hbm>> -> memref<16xf32, #tpu.memory_space<hbm>>
              %dma_wait3A_375 = tpu.memref_slice %arg6[%mul3A_367] : memref<320000xf32, #tpu.memory_space<hbm>> -> memref<16xf32, #tpu.memory_space<hbm>>
              tpu.wait_dma2 semaphore(%run_scoped3A : memref<!tpu.dma_semaphore, #tpu.memory_space<semaphore_mem>>) src(%dma_wait3A_375 : memref<16xf32, #tpu.memory_space<hbm>>) dst(%arg18 : memref<16xf32, #tpu.memory_space<vmem>>)
              tpu.yield
            }) : () -> ()
            %get3A_368 = arith.constant 0 : index
            %get3A_369 = tpu.vector_load %arg18[%get3A_368] {strides = array<i32>} : memref<16xf32, #tpu.memory_space<vmem>>, vector<16xf32>,
            %get3A_370 = arith.index_cast %mul3A_361 : i32 to index
            %get3A_371 = tpu.vector_load %arg14[%get3A_370] {strides = array<i32>} : memref<27648xf32, #tpu.memory_space<vmem>>, vector<16xf32>,
            %max3A_372 = arith.maximumf %get3A_371, %get3A_369 : vector<16xf32>
            %swap3A = arith.index_cast %mul3A_361 : i32 to index
            %swap3A_373 = tpu.vector_load %arg14[%swap3A] {strides = array<i32>} : memref<27648xf32, #tpu.memory_space<vmem>>, vector<16xf32>,
            tpu.vector_store %arg14[%swap3A], %max3A_372 {strides = array<i32>} : memref<27648xf32, #tpu.memory_space<vmem>>, vector<16xf32>,
          } else {
          }
          %slice3A_344 = vector.extract_strided_slice %convert_element_type3A_218 {offsets = [14], sizes = [1], strides = [1]} : vector<16xi32> to vector<1xi32>
          %squeeze3A_345 = vector.extract %slice3A_344[0] : i32 from vector<1xi32>
          %ne3A_346 = arith.constant 0 : i32
          %ne3A_347 = arith.cmpi ne, %squeeze3A_345, %ne3A_346 : i32
          %convert_element_type3A_348 = arith.extui %ne3A_347 : i1 to i32
          %cond3A_349 = arith.constant 0 : i32
          %cond3A_350 = arith.cmpi ne, %convert_element_type3A_348, %cond3A_349 : i32
          scf.if %cond3A_350 {
            %slice3A_358 = vector.extract_strided_slice %add3A_246 {offsets = [14], sizes = [1], strides = [1]} : vector<16xi32> to vector<1xi32>
            %squeeze3A_359 = vector.extract %slice3A_358[0] : i32 from vector<1xi32>
            %mul3A_360 = arith.constant 16 : i32
            %mul3A_361 = arith.muli %squeeze3A_359, %mul3A_360 : i32
            %mul3A_362 = arith.constant 16 : i32
            %mul3A_363 = arith.muli %scan3A_143, %mul3A_362 : i32
            %add3A_364 = arith.constant 14 : i32
            %add3A_365 = arith.addi %mul3A_363, %add3A_364 : i32
            %mul3A_366 = arith.constant 16 : i32
            %mul3A_367 = arith.muli %add3A_365, %mul3A_366 : i32
            "tpu.region"() ({
              %run_scoped3A = tpu.sem_alloc : memref<!tpu.dma_semaphore, #tpu.memory_space<semaphore_mem>>
              %dma_start3A = tpu.memref_slice %arg6[%mul3A_367] : memref<320000xf32, #tpu.memory_space<hbm>> -> memref<16xf32, #tpu.memory_space<hbm>>
              %dma_start3A_374 = tpu.memref_slice %arg6[%mul3A_367] : memref<320000xf32, #tpu.memory_space<hbm>> -> memref<16xf32, #tpu.memory_space<hbm>>
              tpu.enqueue_dma source(%dma_start3A_374 : memref<16xf32, #tpu.memory_space<hbm>>) target(%arg18 : memref<16xf32, #tpu.memory_space<vmem>>) target_semaphore(%run_scoped3A : memref<!tpu.dma_semaphore, #tpu.memory_space<semaphore_mem>>)
              %dma_wait3A = tpu.memref_slice %arg6[%mul3A_367] : memref<320000xf32, #tpu.memory_space<hbm>> -> memref<16xf32, #tpu.memory_space<hbm>>
              %dma_wait3A_375 = tpu.memref_slice %arg6[%mul3A_367] : memref<320000xf32, #tpu.memory_space<hbm>> -> memref<16xf32, #tpu.memory_space<hbm>>
              tpu.wait_dma2 semaphore(%run_scoped3A : memref<!tpu.dma_semaphore, #tpu.memory_space<semaphore_mem>>) src(%dma_wait3A_375 : memref<16xf32, #tpu.memory_space<hbm>>) dst(%arg18 : memref<16xf32, #tpu.memory_space<vmem>>)
              tpu.yield
            }) : () -> ()
            %get3A_368 = arith.constant 0 : index
            %get3A_369 = tpu.vector_load %arg18[%get3A_368] {strides = array<i32>} : memref<16xf32, #tpu.memory_space<vmem>>, vector<16xf32>,
            %get3A_370 = arith.index_cast %mul3A_361 : i32 to index
            %get3A_371 = tpu.vector_load %arg14[%get3A_370] {strides = array<i32>} : memref<27648xf32, #tpu.memory_space<vmem>>, vector<16xf32>,
            %max3A_372 = arith.maximumf %get3A_371, %get3A_369 : vector<16xf32>
            %swap3A = arith.index_cast %mul3A_361 : i32 to index
            %swap3A_373 = tpu.vector_load %arg14[%swap3A] {strides = array<i32>} : memref<27648xf32, #tpu.memory_space<vmem>>, vector<16xf32>,
            tpu.vector_store %arg14[%swap3A], %max3A_372 {strides = array<i32>} : memref<27648xf32, #tpu.memory_space<vmem>>, vector<16xf32>,
          } else {
          }
          %slice3A_351 = vector.extract_strided_slice %convert_element_type3A_218 {offsets = [15], sizes = [1], strides = [1]} : vector<16xi32> to vector<1xi32>
          %squeeze3A_352 = vector.extract %slice3A_351[0] : i32 from vector<1xi32>
          %ne3A_353 = arith.constant 0 : i32
          %ne3A_354 = arith.cmpi ne, %squeeze3A_352, %ne3A_353 : i32
          %convert_element_type3A_355 = arith.extui %ne3A_354 : i1 to i32
          %cond3A_356 = arith.constant 0 : i32
          %cond3A_357 = arith.cmpi ne, %convert_element_type3A_355, %cond3A_356 : i32
          scf.if %cond3A_357 {
            %slice3A_358 = vector.extract_strided_slice %add3A_246 {offsets = [15], sizes = [1], strides = [1]} : vector<16xi32> to vector<1xi32>
            %squeeze3A_359 = vector.extract %slice3A_358[0] : i32 from vector<1xi32>
            %mul3A_360 = arith.constant 16 : i32
            %mul3A_361 = arith.muli %squeeze3A_359, %mul3A_360 : i32
            %mul3A_362 = arith.constant 16 : i32
            %mul3A_363 = arith.muli %scan3A_143, %mul3A_362 : i32
            %add3A_364 = arith.constant 15 : i32
            %add3A_365 = arith.addi %mul3A_363, %add3A_364 : i32
            %mul3A_366 = arith.constant 16 : i32
            %mul3A_367 = arith.muli %add3A_365, %mul3A_366 : i32
            "tpu.region"() ({
              %run_scoped3A = tpu.sem_alloc : memref<!tpu.dma_semaphore, #tpu.memory_space<semaphore_mem>>
              %dma_start3A = tpu.memref_slice %arg6[%mul3A_367] : memref<320000xf32, #tpu.memory_space<hbm>> -> memref<16xf32, #tpu.memory_space<hbm>>
              %dma_start3A_374 = tpu.memref_slice %arg6[%mul3A_367] : memref<320000xf32, #tpu.memory_space<hbm>> -> memref<16xf32, #tpu.memory_space<hbm>>
              tpu.enqueue_dma source(%dma_start3A_374 : memref<16xf32, #tpu.memory_space<hbm>>) target(%arg18 : memref<16xf32, #tpu.memory_space<vmem>>) target_semaphore(%run_scoped3A : memref<!tpu.dma_semaphore, #tpu.memory_space<semaphore_mem>>)
              %dma_wait3A = tpu.memref_slice %arg6[%mul3A_367] : memref<320000xf32, #tpu.memory_space<hbm>> -> memref<16xf32, #tpu.memory_space<hbm>>
              %dma_wait3A_375 = tpu.memref_slice %arg6[%mul3A_367] : memref<320000xf32, #tpu.memory_space<hbm>> -> memref<16xf32, #tpu.memory_space<hbm>>
              tpu.wait_dma2 semaphore(%run_scoped3A : memref<!tpu.dma_semaphore, #tpu.memory_space<semaphore_mem>>) src(%dma_wait3A_375 : memref<16xf32, #tpu.memory_space<hbm>>) dst(%arg18 : memref<16xf32, #tpu.memory_space<vmem>>)
              tpu.yield
            }) : () -> ()
            %get3A_368 = arith.constant 0 : index
            %get3A_369 = tpu.vector_load %arg18[%get3A_368] {strides = array<i32>} : memref<16xf32, #tpu.memory_space<vmem>>, vector<16xf32>,
            %get3A_370 = arith.index_cast %mul3A_361 : i32 to index
            %get3A_371 = tpu.vector_load %arg14[%get3A_370] {strides = array<i32>} : memref<27648xf32, #tpu.memory_space<vmem>>, vector<16xf32>,
            %max3A_372 = arith.maximumf %get3A_371, %get3A_369 : vector<16xf32>
            %swap3A = arith.index_cast %mul3A_361 : i32 to index
            %swap3A_373 = tpu.vector_load %arg14[%swap3A] {strides = array<i32>} : memref<27648xf32, #tpu.memory_space<vmem>>, vector<16xf32>,
            tpu.vector_store %arg14[%swap3A], %max3A_372 {strides = array<i32>} : memref<27648xf32, #tpu.memory_space<vmem>>, vector<16xf32>,
          } else {
          }
        } else {
        }
      } else {
      }
      %scan3A_201 = arith.constant 0 : i32
      scf.yield %scan3A_201 : i32
    }
    %scan3A_114 = arith.constant 1250 : i32
    %iota3A = tpu.iota {dimensions = array<i32: 0>} : vector<16xi32>
    %scan3A_115 = arith.constant 0 : i32
    %scan3A_116 = arith.constant 0 : i32
    %scan3A_117 = arith.constant 108 : i32
    %scan3A_118 = arith.addi %scan3A_116, %scan3A_117 : i32
    %scan3A_119 = arith.constant 1 : i32
    %scan3A_120 = scf.for %scan3A_143 = %scan3A_116 to %scan3A_118 step %scan3A_119 iter_args(%scan3A_144 = %scan3A_115) -> (i32)  : i32 {
      %mul3A_145 = arith.constant 16 : i32
      %mul3A_146 = arith.muli %scan3A_143, %mul3A_145 : i32
      %get3A_147 = arith.index_cast %mul3A_146 : i32 to index
      %get3A_148 = tpu.vector_load %arg15[%get3A_147] {strides = array<i32>} : memref<1728xi32, #tpu.memory_space<vmem>>, vector<16xi32>,
      %ne3A = arith.constant 0 : i32
      %ne3A_149 = vector.broadcast %ne3A : i32 to vector<16xi32>
      %ne3A_150 = arith.cmpi ne, %get3A_148, %ne3A_149 : vector<16xi32>
      %convert_element_type3A = arith.extui %ne3A_150 : vector<16xi1> to vector<16xi32>
      %iota3A_151 = tpu.iota {dimensions = array<i32: 0>} : vector<16xi32>
      %mul3A_152 = arith.constant 16 : i32
      %mul3A_153 = arith.muli %scan3A_143, %mul3A_152 : i32
      %add3A_154 = vector.broadcast %mul3A_153 : i32 to vector<16xi32>
      %add3A_155 = arith.addi %iota3A_151, %add3A_154 : vector<16xi32>
      %broadcast_in_dim3A_156 = arith.constant true
      %broadcast_in_dim3A_157 = vector.broadcast %broadcast_in_dim3A_156 : i1 to vector<16xi1>
      %masked_cumsum3A = tpu.scan <sum>, %convert_element_type3A masked %broadcast_in_dim3A_157 : vector<16xi32>, vector<16xi1> -> vector<16xi32>
      %sub3A = arith.subi %masked_cumsum3A, %convert_element_type3A : vector<16xi32>
      %add3A_158 = vector.broadcast %scan3A_144 : i32 to vector<16xi32>
      %add3A_159 = arith.addi %add3A_158, %sub3A : vector<16xi32>
      tpu.vector_store_idx %arg17[%add3A_159], %add3A_155 masked %ne3A_150 : memref<1744xi32, #tpu.memory_space<vmem>>[vector<16xi32>], vector<16xi32>, vector<16xi1>
      %all_reduce_population_count3A = tpu.all_reduce %ne3A_150 {dim = 0 : i64, kind = #tpu.reduction_kind<sum>} : vector<16xi1> -> vector<16xi32>
      %slice3A_160 = vector.extract_strided_slice %all_reduce_population_count3A {offsets = [0], sizes = [1], strides = [1]} : vector<16xi32> to vector<1xi32>
      %squeeze3A_161 = vector.extract %slice3A_160[0] : i32 from vector<1xi32>
      %add3A_162 = arith.addi %scan3A_144, %squeeze3A_161 : i32
      scf.yield %add3A_162 : i32
    }
    %scan3A_121 = arith.constant 108 : i32
    %scan3A_122 = arith.constant 0 : i32
    %scan3A_123 = arith.constant 0 : i32
    %scan3A_124 = arith.constant 8 : i32
    %scan3A_125 = arith.addi %scan3A_123, %scan3A_124 : i32
    %scan3A_126 = arith.constant 1 : i32
    %scan3A_127 = scf.for %scan3A_143 = %scan3A_123 to %scan3A_125 step %scan3A_126 iter_args(%scan3A_144 = %scan3A_122) -> (i32)  : i32 {
      %mul3A_145 = arith.constant 16 : i32
      %mul3A_146 = arith.muli %scan3A_143, %mul3A_145 : i32
      %get3A_147 = arith.index_cast %mul3A_146 : i32 to index
      %get3A_148 = tpu.vector_load %arg17[%get3A_147] {strides = array<i32>} : memref<1744xi32, #tpu.memory_space<vmem>>, vector<16xi32>,
      %mul3A_149 = arith.constant 16 : i32
      %mul3A_150 = arith.muli %scan3A_143, %mul3A_149 : i32
      %add3A_151 = vector.broadcast %mul3A_150 : i32 to vector<16xi32>
      %add3A_152 = arith.addi %iota3A, %add3A_151 : vector<16xi32>
      %lt3A = vector.broadcast %scan3A_120 : i32 to vector<16xi32>
      %lt3A_153 = arith.cmpi slt, %add3A_152, %lt3A : vector<16xi32>
      %convert_element_type3A = arith.extui %lt3A_153 : vector<16xi1> to vector<16xi32>
      %jit3A = arith.constant 0 : i32
      %broadcast_in_dim3A_154 = vector.broadcast %jit3A : i32 to vector<16xi32>
      %select_n3A = arith.select %lt3A_153, %get3A_148, %broadcast_in_dim3A_154 : vector<16xi1>, vector<16xi32>
      %jit3A_155 = arith.constant -1 : i32
      %broadcast_in_dim3A_156 = vector.broadcast %jit3A_155 : i32 to vector<16xi32>
      %select_n3A_157 = arith.select %lt3A_153, %get3A_148, %broadcast_in_dim3A_156 : vector<16xi1>, vector<16xi32>
      %mul3A_158 = arith.constant 16 : i32
      %mul3A_159 = arith.muli %scan3A_143, %mul3A_158 : i32
      %swap3A = arith.index_cast %mul3A_159 : i32 to index
      %swap3A_160 = tpu.vector_load %arg20[%swap3A] {strides = array<i32>} : memref<128xi32, #tpu.memory_space<vmem>>, vector<16xi32>,
      tpu.vector_store %arg20[%swap3A], %select_n3A_157 {strides = array<i32>} : memref<128xi32, #tpu.memory_space<vmem>>, vector<16xi32>,
      %slice3A_161 = vector.extract_strided_slice %select_n3A {offsets = [0], sizes = [1], strides = [1]} : vector<16xi32> to vector<1xi32>
      %squeeze3A_162 = vector.extract %slice3A_161[0] : i32 from vector<1xi32>
      %mul3A_163 = arith.constant 16 : i32
      %mul3A_164 = arith.muli %squeeze3A_162, %mul3A_163 : i32
      %get3A_165 = arith.index_cast %mul3A_164 : i32 to index
      %get3A_166 = tpu.vector_load %arg13[%get3A_165] {strides = array<i32>} : memref<27648xf32, #tpu.memory_space<vmem>>, vector<16xf32>,
      %slice3A_167 = vector.extract_strided_slice %convert_element_type3A {offsets = [0], sizes = [1], strides = [1]} : vector<16xi32> to vector<1xi32>
      %squeeze3A_168 = vector.extract %slice3A_167[0] : i32 from vector<1xi32>
      %ne3A = arith.constant 0 : i32
      %ne3A_169 = arith.cmpi ne, %squeeze3A_168, %ne3A : i32
      %jit3A_170 = arith.constant 0.000000e+00 : f32
      %broadcast_in_dim3A_171 = vector.broadcast %jit3A_170 : f32 to vector<16xf32>
      %select_n3A_172 = arith.select %ne3A_169, %get3A_166, %broadcast_in_dim3A_171 : vector<16xf32>
      %mul3A_173 = arith.constant 16 : i32
      %mul3A_174 = arith.muli %scan3A_143, %mul3A_173 : i32
      %add3A_175 = arith.constant 0 : i32
      %add3A_176 = arith.addi %mul3A_174, %add3A_175 : i32
      %mul3A_177 = arith.constant 16 : i32
      %mul3A_178 = arith.muli %add3A_176, %mul3A_177 : i32
      %swap3A_179 = arith.index_cast %mul3A_178 : i32 to index
      %swap3A_180 = tpu.vector_load %arg19[%swap3A_179] {strides = array<i32>} : memref<2048xf32, #tpu.memory_space<vmem>>, vector<16xf32>,
      tpu.vector_store %arg19[%swap3A_179], %select_n3A_172 {strides = array<i32>} : memref<2048xf32, #tpu.memory_space<vmem>>, vector<16xf32>,
      %slice3A_181 = vector.extract_strided_slice %select_n3A {offsets = [1], sizes = [1], strides = [1]} : vector<16xi32> to vector<1xi32>
      %squeeze3A_182 = vector.extract %slice3A_181[0] : i32 from vector<1xi32>
      %mul3A_183 = arith.constant 16 : i32
      %mul3A_184 = arith.muli %squeeze3A_182, %mul3A_183 : i32
      %get3A_185 = arith.index_cast %mul3A_184 : i32 to index
      %get3A_186 = tpu.vector_load %arg13[%get3A_185] {strides = array<i32>} : memref<27648xf32, #tpu.memory_space<vmem>>, vector<16xf32>,
      %slice3A_187 = vector.extract_strided_slice %convert_element_type3A {offsets = [1], sizes = [1], strides = [1]} : vector<16xi32> to vector<1xi32>
      %squeeze3A_188 = vector.extract %slice3A_187[0] : i32 from vector<1xi32>
      %ne3A_189 = arith.constant 0 : i32
      %ne3A_190 = arith.cmpi ne, %squeeze3A_188, %ne3A_189 : i32
      %jit3A_191 = arith.constant 0.000000e+00 : f32
      %broadcast_in_dim3A_192 = vector.broadcast %jit3A_191 : f32 to vector<16xf32>
      %select_n3A_193 = arith.select %ne3A_190, %get3A_186, %broadcast_in_dim3A_192 : vector<16xf32>
      %mul3A_194 = arith.constant 16 : i32
      %mul3A_195 = arith.muli %scan3A_143, %mul3A_194 : i32
      %add3A_196 = arith.constant 1 : i32
      %add3A_197 = arith.addi %mul3A_195, %add3A_196 : i32
      %mul3A_198 = arith.constant 16 : i32
      %mul3A_199 = arith.muli %add3A_197, %mul3A_198 : i32
      %swap3A_200 = arith.index_cast %mul3A_199 : i32 to index
      %swap3A_201 = tpu.vector_load %arg19[%swap3A_200] {strides = array<i32>} : memref<2048xf32, #tpu.memory_space<vmem>>, vector<16xf32>,
      tpu.vector_store %arg19[%swap3A_200], %select_n3A_193 {strides = array<i32>} : memref<2048xf32, #tpu.memory_space<vmem>>, vector<16xf32>,
      %slice3A_202 = vector.extract_strided_slice %select_n3A {offsets = [2], sizes = [1], strides = [1]} : vector<16xi32> to vector<1xi32>
      %squeeze3A_203 = vector.extract %slice3A_202[0] : i32 from vector<1xi32>
      %mul3A_204 = arith.constant 16 : i32
      %mul3A_205 = arith.muli %squeeze3A_203, %mul3A_204 : i32
      %get3A_206 = arith.index_cast %mul3A_205 : i32 to index
      %get3A_207 = tpu.vector_load %arg13[%get3A_206] {strides = array<i32>} : memref<27648xf32, #tpu.memory_space<vmem>>, vector<16xf32>,
      %slice3A_208 = vector.extract_strided_slice %convert_element_type3A {offsets = [2], sizes = [1], strides = [1]} : vector<16xi32> to vector<1xi32>
      %squeeze3A_209 = vector.extract %slice3A_208[0] : i32 from vector<1xi32>
      %ne3A_210 = arith.constant 0 : i32
      %ne3A_211 = arith.cmpi ne, %squeeze3A_209, %ne3A_210 : i32
      %jit3A_212 = arith.constant 0.000000e+00 : f32
      %broadcast_in_dim3A_213 = vector.broadcast %jit3A_212 : f32 to vector<16xf32>
      %select_n3A_214 = arith.select %ne3A_211, %get3A_207, %broadcast_in_dim3A_213 : vector<16xf32>
      %mul3A_215 = arith.constant 16 : i32
      %mul3A_216 = arith.muli %scan3A_143, %mul3A_215 : i32
      %add3A_217 = arith.constant 2 : i32
      %add3A_218 = arith.addi %mul3A_216, %add3A_217 : i32
      %mul3A_219 = arith.constant 16 : i32
      %mul3A_220 = arith.muli %add3A_218, %mul3A_219 : i32
      %swap3A_221 = arith.index_cast %mul3A_220 : i32 to index
      %swap3A_222 = tpu.vector_load %arg19[%swap3A_221] {strides = array<i32>} : memref<2048xf32, #tpu.memory_space<vmem>>, vector<16xf32>,
      tpu.vector_store %arg19[%swap3A_221], %select_n3A_214 {strides = array<i32>} : memref<2048xf32, #tpu.memory_space<vmem>>, vector<16xf32>,
      %slice3A_223 = vector.extract_strided_slice %select_n3A {offsets = [3], sizes = [1], strides = [1]} : vector<16xi32> to vector<1xi32>
      %squeeze3A_224 = vector.extract %slice3A_223[0] : i32 from vector<1xi32>
      %mul3A_225 = arith.constant 16 : i32
      %mul3A_226 = arith.muli %squeeze3A_224, %mul3A_225 : i32
      %get3A_227 = arith.index_cast %mul3A_226 : i32 to index
      %get3A_228 = tpu.vector_load %arg13[%get3A_227] {strides = array<i32>} : memref<27648xf32, #tpu.memory_space<vmem>>, vector<16xf32>,
      %slice3A_229 = vector.extract_strided_slice %convert_element_type3A {offsets = [3], sizes = [1], strides = [1]} : vector<16xi32> to vector<1xi32>
      %squeeze3A_230 = vector.extract %slice3A_229[0] : i32 from vector<1xi32>
      %ne3A_231 = arith.constant 0 : i32
      %ne3A_232 = arith.cmpi ne, %squeeze3A_230, %ne3A_231 : i32
      %jit3A_233 = arith.constant 0.000000e+00 : f32
      %broadcast_in_dim3A_234 = vector.broadcast %jit3A_233 : f32 to vector<16xf32>
      %select_n3A_235 = arith.select %ne3A_232, %get3A_228, %broadcast_in_dim3A_234 : vector<16xf32>
      %mul3A_236 = arith.constant 16 : i32
      %mul3A_237 = arith.muli %scan3A_143, %mul3A_236 : i32
      %add3A_238 = arith.constant 3 : i32
      %add3A_239 = arith.addi %mul3A_237, %add3A_238 : i32
      %mul3A_240 = arith.constant 16 : i32
      %mul3A_241 = arith.muli %add3A_239, %mul3A_240 : i32
      %swap3A_242 = arith.index_cast %mul3A_241 : i32 to index
      %swap3A_243 = tpu.vector_load %arg19[%swap3A_242] {strides = array<i32>} : memref<2048xf32, #tpu.memory_space<vmem>>, vector<16xf32>,
      tpu.vector_store %arg19[%swap3A_242], %select_n3A_235 {strides = array<i32>} : memref<2048xf32, #tpu.memory_space<vmem>>, vector<16xf32>,
      %slice3A_244 = vector.extract_strided_slice %select_n3A {offsets = [4], sizes = [1], strides = [1]} : vector<16xi32> to vector<1xi32>
      %squeeze3A_245 = vector.extract %slice3A_244[0] : i32 from vector<1xi32>
      %mul3A_246 = arith.constant 16 : i32
      %mul3A_247 = arith.muli %squeeze3A_245, %mul3A_246 : i32
      %get3A_248 = arith.index_cast %mul3A_247 : i32 to index
      %get3A_249 = tpu.vector_load %arg13[%get3A_248] {strides = array<i32>} : memref<27648xf32, #tpu.memory_space<vmem>>, vector<16xf32>,
      %slice3A_250 = vector.extract_strided_slice %convert_element_type3A {offsets = [4], sizes = [1], strides = [1]} : vector<16xi32> to vector<1xi32>
      %squeeze3A_251 = vector.extract %slice3A_250[0] : i32 from vector<1xi32>
      %ne3A_252 = arith.constant 0 : i32
      %ne3A_253 = arith.cmpi ne, %squeeze3A_251, %ne3A_252 : i32
      %jit3A_254 = arith.constant 0.000000e+00 : f32
      %broadcast_in_dim3A_255 = vector.broadcast %jit3A_254 : f32 to vector<16xf32>
      %select_n3A_256 = arith.select %ne3A_253, %get3A_249, %broadcast_in_dim3A_255 : vector<16xf32>
      %mul3A_257 = arith.constant 16 : i32
      %mul3A_258 = arith.muli %scan3A_143, %mul3A_257 : i32
      %add3A_259 = arith.constant 4 : i32
      %add3A_260 = arith.addi %mul3A_258, %add3A_259 : i32
      %mul3A_261 = arith.constant 16 : i32
      %mul3A_262 = arith.muli %add3A_260, %mul3A_261 : i32
      %swap3A_263 = arith.index_cast %mul3A_262 : i32 to index
      %swap3A_264 = tpu.vector_load %arg19[%swap3A_263] {strides = array<i32>} : memref<2048xf32, #tpu.memory_space<vmem>>, vector<16xf32>,
      tpu.vector_store %arg19[%swap3A_263], %select_n3A_256 {strides = array<i32>} : memref<2048xf32, #tpu.memory_space<vmem>>, vector<16xf32>,
      %slice3A_265 = vector.extract_strided_slice %select_n3A {offsets = [5], sizes = [1], strides = [1]} : vector<16xi32> to vector<1xi32>
      %squeeze3A_266 = vector.extract %slice3A_265[0] : i32 from vector<1xi32>
      %mul3A_267 = arith.constant 16 : i32
      %mul3A_268 = arith.muli %squeeze3A_266, %mul3A_267 : i32
      %get3A_269 = arith.index_cast %mul3A_268 : i32 to index
      %get3A_270 = tpu.vector_load %arg13[%get3A_269] {strides = array<i32>} : memref<27648xf32, #tpu.memory_space<vmem>>, vector<16xf32>,
      %slice3A_271 = vector.extract_strided_slice %convert_element_type3A {offsets = [5], sizes = [1], strides = [1]} : vector<16xi32> to vector<1xi32>
      %squeeze3A_272 = vector.extract %slice3A_271[0] : i32 from vector<1xi32>
      %ne3A_273 = arith.constant 0 : i32
      %ne3A_274 = arith.cmpi ne, %squeeze3A_272, %ne3A_273 : i32
      %jit3A_275 = arith.constant 0.000000e+00 : f32
      %broadcast_in_dim3A_276 = vector.broadcast %jit3A_275 : f32 to vector<16xf32>
      %select_n3A_277 = arith.select %ne3A_274, %get3A_270, %broadcast_in_dim3A_276 : vector<16xf32>
      %mul3A_278 = arith.constant 16 : i32
      %mul3A_279 = arith.muli %scan3A_143, %mul3A_278 : i32
      %add3A_280 = arith.constant 5 : i32
      %add3A_281 = arith.addi %mul3A_279, %add3A_280 : i32
      %mul3A_282 = arith.constant 16 : i32
      %mul3A_283 = arith.muli %add3A_281, %mul3A_282 : i32
      %swap3A_284 = arith.index_cast %mul3A_283 : i32 to index
      %swap3A_285 = tpu.vector_load %arg19[%swap3A_284] {strides = array<i32>} : memref<2048xf32, #tpu.memory_space<vmem>>, vector<16xf32>,
      tpu.vector_store %arg19[%swap3A_284], %select_n3A_277 {strides = array<i32>} : memref<2048xf32, #tpu.memory_space<vmem>>, vector<16xf32>,
      %slice3A_286 = vector.extract_strided_slice %select_n3A {offsets = [6], sizes = [1], strides = [1]} : vector<16xi32> to vector<1xi32>
      %squeeze3A_287 = vector.extract %slice3A_286[0] : i32 from vector<1xi32>
      %mul3A_288 = arith.constant 16 : i32
      %mul3A_289 = arith.muli %squeeze3A_287, %mul3A_288 : i32
      %get3A_290 = arith.index_cast %mul3A_289 : i32 to index
      %get3A_291 = tpu.vector_load %arg13[%get3A_290] {strides = array<i32>} : memref<27648xf32, #tpu.memory_space<vmem>>, vector<16xf32>,
      %slice3A_292 = vector.extract_strided_slice %convert_element_type3A {offsets = [6], sizes = [1], strides = [1]} : vector<16xi32> to vector<1xi32>
      %squeeze3A_293 = vector.extract %slice3A_292[0] : i32 from vector<1xi32>
      %ne3A_294 = arith.constant 0 : i32
      %ne3A_295 = arith.cmpi ne, %squeeze3A_293, %ne3A_294 : i32
      %jit3A_296 = arith.constant 0.000000e+00 : f32
      %broadcast_in_dim3A_297 = vector.broadcast %jit3A_296 : f32 to vector<16xf32>
      %select_n3A_298 = arith.select %ne3A_295, %get3A_291, %broadcast_in_dim3A_297 : vector<16xf32>
      %mul3A_299 = arith.constant 16 : i32
      %mul3A_300 = arith.muli %scan3A_143, %mul3A_299 : i32
      %add3A_301 = arith.constant 6 : i32
      %add3A_302 = arith.addi %mul3A_300, %add3A_301 : i32
      %mul3A_303 = arith.constant 16 : i32
      %mul3A_304 = arith.muli %add3A_302, %mul3A_303 : i32
      %swap3A_305 = arith.index_cast %mul3A_304 : i32 to index
      %swap3A_306 = tpu.vector_load %arg19[%swap3A_305] {strides = array<i32>} : memref<2048xf32, #tpu.memory_space<vmem>>, vector<16xf32>,
      tpu.vector_store %arg19[%swap3A_305], %select_n3A_298 {strides = array<i32>} : memref<2048xf32, #tpu.memory_space<vmem>>, vector<16xf32>,
      %slice3A_307 = vector.extract_strided_slice %select_n3A {offsets = [7], sizes = [1], strides = [1]} : vector<16xi32> to vector<1xi32>
      %squeeze3A_308 = vector.extract %slice3A_307[0] : i32 from vector<1xi32>
      %mul3A_309 = arith.constant 16 : i32
      %mul3A_310 = arith.muli %squeeze3A_308, %mul3A_309 : i32
      %get3A_311 = arith.index_cast %mul3A_310 : i32 to index
      %get3A_312 = tpu.vector_load %arg13[%get3A_311] {strides = array<i32>} : memref<27648xf32, #tpu.memory_space<vmem>>, vector<16xf32>,
      %slice3A_313 = vector.extract_strided_slice %convert_element_type3A {offsets = [7], sizes = [1], strides = [1]} : vector<16xi32> to vector<1xi32>
      %squeeze3A_314 = vector.extract %slice3A_313[0] : i32 from vector<1xi32>
      %ne3A_315 = arith.constant 0 : i32
      %ne3A_316 = arith.cmpi ne, %squeeze3A_314, %ne3A_315 : i32
      %jit3A_317 = arith.constant 0.000000e+00 : f32
      %broadcast_in_dim3A_318 = vector.broadcast %jit3A_317 : f32 to vector<16xf32>
      %select_n3A_319 = arith.select %ne3A_316, %get3A_312, %broadcast_in_dim3A_318 : vector<16xf32>
      %mul3A_320 = arith.constant 16 : i32
      %mul3A_321 = arith.muli %scan3A_143, %mul3A_320 : i32
      %add3A_322 = arith.constant 7 : i32
      %add3A_323 = arith.addi %mul3A_321, %add3A_322 : i32
      %mul3A_324 = arith.constant 16 : i32
      %mul3A_325 = arith.muli %add3A_323, %mul3A_324 : i32
      %swap3A_326 = arith.index_cast %mul3A_325 : i32 to index
      %swap3A_327 = tpu.vector_load %arg19[%swap3A_326] {strides = array<i32>} : memref<2048xf32, #tpu.memory_space<vmem>>, vector<16xf32>,
      tpu.vector_store %arg19[%swap3A_326], %select_n3A_319 {strides = array<i32>} : memref<2048xf32, #tpu.memory_space<vmem>>, vector<16xf32>,
      %slice3A_328 = vector.extract_strided_slice %select_n3A {offsets = [8], sizes = [1], strides = [1]} : vector<16xi32> to vector<1xi32>
      %squeeze3A_329 = vector.extract %slice3A_328[0] : i32 from vector<1xi32>
      %mul3A_330 = arith.constant 16 : i32
      %mul3A_331 = arith.muli %squeeze3A_329, %mul3A_330 : i32
      %get3A_332 = arith.index_cast %mul3A_331 : i32 to index
      %get3A_333 = tpu.vector_load %arg13[%get3A_332] {strides = array<i32>} : memref<27648xf32, #tpu.memory_space<vmem>>, vector<16xf32>,
      %slice3A_334 = vector.extract_strided_slice %convert_element_type3A {offsets = [8], sizes = [1], strides = [1]} : vector<16xi32> to vector<1xi32>
      %squeeze3A_335 = vector.extract %slice3A_334[0] : i32 from vector<1xi32>
      %ne3A_336 = arith.constant 0 : i32
      %ne3A_337 = arith.cmpi ne, %squeeze3A_335, %ne3A_336 : i32
      %jit3A_338 = arith.constant 0.000000e+00 : f32
      %broadcast_in_dim3A_339 = vector.broadcast %jit3A_338 : f32 to vector<16xf32>
      %select_n3A_340 = arith.select %ne3A_337, %get3A_333, %broadcast_in_dim3A_339 : vector<16xf32>
      %mul3A_341 = arith.constant 16 : i32
      %mul3A_342 = arith.muli %scan3A_143, %mul3A_341 : i32
      %add3A_343 = arith.constant 8 : i32
      %add3A_344 = arith.addi %mul3A_342, %add3A_343 : i32
      %mul3A_345 = arith.constant 16 : i32
      %mul3A_346 = arith.muli %add3A_344, %mul3A_345 : i32
      %swap3A_347 = arith.index_cast %mul3A_346 : i32 to index
      %swap3A_348 = tpu.vector_load %arg19[%swap3A_347] {strides = array<i32>} : memref<2048xf32, #tpu.memory_space<vmem>>, vector<16xf32>,
      tpu.vector_store %arg19[%swap3A_347], %select_n3A_340 {strides = array<i32>} : memref<2048xf32, #tpu.memory_space<vmem>>, vector<16xf32>,
      %slice3A_349 = vector.extract_strided_slice %select_n3A {offsets = [9], sizes = [1], strides = [1]} : vector<16xi32> to vector<1xi32>
      %squeeze3A_350 = vector.extract %slice3A_349[0] : i32 from vector<1xi32>
      %mul3A_351 = arith.constant 16 : i32
      %mul3A_352 = arith.muli %squeeze3A_350, %mul3A_351 : i32
      %get3A_353 = arith.index_cast %mul3A_352 : i32 to index
      %get3A_354 = tpu.vector_load %arg13[%get3A_353] {strides = array<i32>} : memref<27648xf32, #tpu.memory_space<vmem>>, vector<16xf32>,
      %slice3A_355 = vector.extract_strided_slice %convert_element_type3A {offsets = [9], sizes = [1], strides = [1]} : vector<16xi32> to vector<1xi32>
      %squeeze3A_356 = vector.extract %slice3A_355[0] : i32 from vector<1xi32>
      %ne3A_357 = arith.constant 0 : i32
      %ne3A_358 = arith.cmpi ne, %squeeze3A_356, %ne3A_357 : i32
      %jit3A_359 = arith.constant 0.000000e+00 : f32
      %broadcast_in_dim3A_360 = vector.broadcast %jit3A_359 : f32 to vector<16xf32>
      %select_n3A_361 = arith.select %ne3A_358, %get3A_354, %broadcast_in_dim3A_360 : vector<16xf32>
      %mul3A_362 = arith.constant 16 : i32
      %mul3A_363 = arith.muli %scan3A_143, %mul3A_362 : i32
      %add3A_364 = arith.constant 9 : i32
      %add3A_365 = arith.addi %mul3A_363, %add3A_364 : i32
      %mul3A_366 = arith.constant 16 : i32
      %mul3A_367 = arith.muli %add3A_365, %mul3A_366 : i32
      %swap3A_368 = arith.index_cast %mul3A_367 : i32 to index
      %swap3A_369 = tpu.vector_load %arg19[%swap3A_368] {strides = array<i32>} : memref<2048xf32, #tpu.memory_space<vmem>>, vector<16xf32>,
      tpu.vector_store %arg19[%swap3A_368], %select_n3A_361 {strides = array<i32>} : memref<2048xf32, #tpu.memory_space<vmem>>, vector<16xf32>,
      %slice3A_370 = vector.extract_strided_slice %select_n3A {offsets = [10], sizes = [1], strides = [1]} : vector<16xi32> to vector<1xi32>
      %squeeze3A_371 = vector.extract %slice3A_370[0] : i32 from vector<1xi32>
      %mul3A_372 = arith.constant 16 : i32
      %mul3A_373 = arith.muli %squeeze3A_371, %mul3A_372 : i32
      %get3A_374 = arith.index_cast %mul3A_373 : i32 to index
      %get3A_375 = tpu.vector_load %arg13[%get3A_374] {strides = array<i32>} : memref<27648xf32, #tpu.memory_space<vmem>>, vector<16xf32>,
      %slice3A_376 = vector.extract_strided_slice %convert_element_type3A {offsets = [10], sizes = [1], strides = [1]} : vector<16xi32> to vector<1xi32>
      %squeeze3A_377 = vector.extract %slice3A_376[0] : i32 from vector<1xi32>
      %ne3A_378 = arith.constant 0 : i32
      %ne3A_379 = arith.cmpi ne, %squeeze3A_377, %ne3A_378 : i32
      %jit3A_380 = arith.constant 0.000000e+00 : f32
      %broadcast_in_dim3A_381 = vector.broadcast %jit3A_380 : f32 to vector<16xf32>
      %select_n3A_382 = arith.select %ne3A_379, %get3A_375, %broadcast_in_dim3A_381 : vector<16xf32>
      %mul3A_383 = arith.constant 16 : i32
      %mul3A_384 = arith.muli %scan3A_143, %mul3A_383 : i32
      %add3A_385 = arith.constant 10 : i32
      %add3A_386 = arith.addi %mul3A_384, %add3A_385 : i32
      %mul3A_387 = arith.constant 16 : i32
      %mul3A_388 = arith.muli %add3A_386, %mul3A_387 : i32
      %swap3A_389 = arith.index_cast %mul3A_388 : i32 to index
      %swap3A_390 = tpu.vector_load %arg19[%swap3A_389] {strides = array<i32>} : memref<2048xf32, #tpu.memory_space<vmem>>, vector<16xf32>,
      tpu.vector_store %arg19[%swap3A_389], %select_n3A_382 {strides = array<i32>} : memref<2048xf32, #tpu.memory_space<vmem>>, vector<16xf32>,
      %slice3A_391 = vector.extract_strided_slice %select_n3A {offsets = [11], sizes = [1], strides = [1]} : vector<16xi32> to vector<1xi32>
      %squeeze3A_392 = vector.extract %slice3A_391[0] : i32 from vector<1xi32>
      %mul3A_393 = arith.constant 16 : i32
      %mul3A_394 = arith.muli %squeeze3A_392, %mul3A_393 : i32
      %get3A_395 = arith.index_cast %mul3A_394 : i32 to index
      %get3A_396 = tpu.vector_load %arg13[%get3A_395] {strides = array<i32>} : memref<27648xf32, #tpu.memory_space<vmem>>, vector<16xf32>,
      %slice3A_397 = vector.extract_strided_slice %convert_element_type3A {offsets = [11], sizes = [1], strides = [1]} : vector<16xi32> to vector<1xi32>
      %squeeze3A_398 = vector.extract %slice3A_397[0] : i32 from vector<1xi32>
      %ne3A_399 = arith.constant 0 : i32
      %ne3A_400 = arith.cmpi ne, %squeeze3A_398, %ne3A_399 : i32
      %jit3A_401 = arith.constant 0.000000e+00 : f32
      %broadcast_in_dim3A_402 = vector.broadcast %jit3A_401 : f32 to vector<16xf32>
      %select_n3A_403 = arith.select %ne3A_400, %get3A_396, %broadcast_in_dim3A_402 : vector<16xf32>
      %mul3A_404 = arith.constant 16 : i32
      %mul3A_405 = arith.muli %scan3A_143, %mul3A_404 : i32
      %add3A_406 = arith.constant 11 : i32
      %add3A_407 = arith.addi %mul3A_405, %add3A_406 : i32
      %mul3A_408 = arith.constant 16 : i32
      %mul3A_409 = arith.muli %add3A_407, %mul3A_408 : i32
      %swap3A_410 = arith.index_cast %mul3A_409 : i32 to index
      %swap3A_411 = tpu.vector_load %arg19[%swap3A_410] {strides = array<i32>} : memref<2048xf32, #tpu.memory_space<vmem>>, vector<16xf32>,
      tpu.vector_store %arg19[%swap3A_410], %select_n3A_403 {strides = array<i32>} : memref<2048xf32, #tpu.memory_space<vmem>>, vector<16xf32>,
      %slice3A_412 = vector.extract_strided_slice %select_n3A {offsets = [12], sizes = [1], strides = [1]} : vector<16xi32> to vector<1xi32>
      %squeeze3A_413 = vector.extract %slice3A_412[0] : i32 from vector<1xi32>
      %mul3A_414 = arith.constant 16 : i32
      %mul3A_415 = arith.muli %squeeze3A_413, %mul3A_414 : i32
      %get3A_416 = arith.index_cast %mul3A_415 : i32 to index
      %get3A_417 = tpu.vector_load %arg13[%get3A_416] {strides = array<i32>} : memref<27648xf32, #tpu.memory_space<vmem>>, vector<16xf32>,
      %slice3A_418 = vector.extract_strided_slice %convert_element_type3A {offsets = [12], sizes = [1], strides = [1]} : vector<16xi32> to vector<1xi32>
      %squeeze3A_419 = vector.extract %slice3A_418[0] : i32 from vector<1xi32>
      %ne3A_420 = arith.constant 0 : i32
      %ne3A_421 = arith.cmpi ne, %squeeze3A_419, %ne3A_420 : i32
      %jit3A_422 = arith.constant 0.000000e+00 : f32
      %broadcast_in_dim3A_423 = vector.broadcast %jit3A_422 : f32 to vector<16xf32>
      %select_n3A_424 = arith.select %ne3A_421, %get3A_417, %broadcast_in_dim3A_423 : vector<16xf32>
      %mul3A_425 = arith.constant 16 : i32
      %mul3A_426 = arith.muli %scan3A_143, %mul3A_425 : i32
      %add3A_427 = arith.constant 12 : i32
      %add3A_428 = arith.addi %mul3A_426, %add3A_427 : i32
      %mul3A_429 = arith.constant 16 : i32
      %mul3A_430 = arith.muli %add3A_428, %mul3A_429 : i32
      %swap3A_431 = arith.index_cast %mul3A_430 : i32 to index
      %swap3A_432 = tpu.vector_load %arg19[%swap3A_431] {strides = array<i32>} : memref<2048xf32, #tpu.memory_space<vmem>>, vector<16xf32>,
      tpu.vector_store %arg19[%swap3A_431], %select_n3A_424 {strides = array<i32>} : memref<2048xf32, #tpu.memory_space<vmem>>, vector<16xf32>,
      %slice3A_433 = vector.extract_strided_slice %select_n3A {offsets = [13], sizes = [1], strides = [1]} : vector<16xi32> to vector<1xi32>
      %squeeze3A_434 = vector.extract %slice3A_433[0] : i32 from vector<1xi32>
      %mul3A_435 = arith.constant 16 : i32
      %mul3A_436 = arith.muli %squeeze3A_434, %mul3A_435 : i32
      %get3A_437 = arith.index_cast %mul3A_436 : i32 to index
      %get3A_438 = tpu.vector_load %arg13[%get3A_437] {strides = array<i32>} : memref<27648xf32, #tpu.memory_space<vmem>>, vector<16xf32>,
      %slice3A_439 = vector.extract_strided_slice %convert_element_type3A {offsets = [13], sizes = [1], strides = [1]} : vector<16xi32> to vector<1xi32>
      %squeeze3A_440 = vector.extract %slice3A_439[0] : i32 from vector<1xi32>
      %ne3A_441 = arith.constant 0 : i32
      %ne3A_442 = arith.cmpi ne, %squeeze3A_440, %ne3A_441 : i32
      %jit3A_443 = arith.constant 0.000000e+00 : f32
      %broadcast_in_dim3A_444 = vector.broadcast %jit3A_443 : f32 to vector<16xf32>
      %select_n3A_445 = arith.select %ne3A_442, %get3A_438, %broadcast_in_dim3A_444 : vector<16xf32>
      %mul3A_446 = arith.constant 16 : i32
      %mul3A_447 = arith.muli %scan3A_143, %mul3A_446 : i32
      %add3A_448 = arith.constant 13 : i32
      %add3A_449 = arith.addi %mul3A_447, %add3A_448 : i32
      %mul3A_450 = arith.constant 16 : i32
      %mul3A_451 = arith.muli %add3A_449, %mul3A_450 : i32
      %swap3A_452 = arith.index_cast %mul3A_451 : i32 to index
      %swap3A_453 = tpu.vector_load %arg19[%swap3A_452] {strides = array<i32>} : memref<2048xf32, #tpu.memory_space<vmem>>, vector<16xf32>,
      tpu.vector_store %arg19[%swap3A_452], %select_n3A_445 {strides = array<i32>} : memref<2048xf32, #tpu.memory_space<vmem>>, vector<16xf32>,
      %slice3A_454 = vector.extract_strided_slice %select_n3A {offsets = [14], sizes = [1], strides = [1]} : vector<16xi32> to vector<1xi32>
      %squeeze3A_455 = vector.extract %slice3A_454[0] : i32 from vector<1xi32>
      %mul3A_456 = arith.constant 16 : i32
      %mul3A_457 = arith.muli %squeeze3A_455, %mul3A_456 : i32
      %get3A_458 = arith.index_cast %mul3A_457 : i32 to index
      %get3A_459 = tpu.vector_load %arg13[%get3A_458] {strides = array<i32>} : memref<27648xf32, #tpu.memory_space<vmem>>, vector<16xf32>,
      %slice3A_460 = vector.extract_strided_slice %convert_element_type3A {offsets = [14], sizes = [1], strides = [1]} : vector<16xi32> to vector<1xi32>
      %squeeze3A_461 = vector.extract %slice3A_460[0] : i32 from vector<1xi32>
      %ne3A_462 = arith.constant 0 : i32
      %ne3A_463 = arith.cmpi ne, %squeeze3A_461, %ne3A_462 : i32
      %jit3A_464 = arith.constant 0.000000e+00 : f32
      %broadcast_in_dim3A_465 = vector.broadcast %jit3A_464 : f32 to vector<16xf32>
      %select_n3A_466 = arith.select %ne3A_463, %get3A_459, %broadcast_in_dim3A_465 : vector<16xf32>
      %mul3A_467 = arith.constant 16 : i32
      %mul3A_468 = arith.muli %scan3A_143, %mul3A_467 : i32
      %add3A_469 = arith.constant 14 : i32
      %add3A_470 = arith.addi %mul3A_468, %add3A_469 : i32
      %mul3A_471 = arith.constant 16 : i32
      %mul3A_472 = arith.muli %add3A_470, %mul3A_471 : i32
      %swap3A_473 = arith.index_cast %mul3A_472 : i32 to index
      %swap3A_474 = tpu.vector_load %arg19[%swap3A_473] {strides = array<i32>} : memref<2048xf32, #tpu.memory_space<vmem>>, vector<16xf32>,
      tpu.vector_store %arg19[%swap3A_473], %select_n3A_466 {strides = array<i32>} : memref<2048xf32, #tpu.memory_space<vmem>>, vector<16xf32>,
      %slice3A_475 = vector.extract_strided_slice %select_n3A {offsets = [15], sizes = [1], strides = [1]} : vector<16xi32> to vector<1xi32>
      %squeeze3A_476 = vector.extract %slice3A_475[0] : i32 from vector<1xi32>
      %mul3A_477 = arith.constant 16 : i32
      %mul3A_478 = arith.muli %squeeze3A_476, %mul3A_477 : i32
      %get3A_479 = arith.index_cast %mul3A_478 : i32 to index
      %get3A_480 = tpu.vector_load %arg13[%get3A_479] {strides = array<i32>} : memref<27648xf32, #tpu.memory_space<vmem>>, vector<16xf32>,
      %slice3A_481 = vector.extract_strided_slice %convert_element_type3A {offsets = [15], sizes = [1], strides = [1]} : vector<16xi32> to vector<1xi32>
      %squeeze3A_482 = vector.extract %slice3A_481[0] : i32 from vector<1xi32>
      %ne3A_483 = arith.constant 0 : i32
      %ne3A_484 = arith.cmpi ne, %squeeze3A_482, %ne3A_483 : i32
      %jit3A_485 = arith.constant 0.000000e+00 : f32
      %broadcast_in_dim3A_486 = vector.broadcast %jit3A_485 : f32 to vector<16xf32>
      %select_n3A_487 = arith.select %ne3A_484, %get3A_480, %broadcast_in_dim3A_486 : vector<16xf32>
      %mul3A_488 = arith.constant 16 : i32
      %mul3A_489 = arith.muli %scan3A_143, %mul3A_488 : i32
      %add3A_490 = arith.constant 15 : i32
      %add3A_491 = arith.addi %mul3A_489, %add3A_490 : i32
      %mul3A_492 = arith.constant 16 : i32
      %mul3A_493 = arith.muli %add3A_491, %mul3A_492 : i32
      %swap3A_494 = arith.index_cast %mul3A_493 : i32 to index
      %swap3A_495 = tpu.vector_load %arg19[%swap3A_494] {strides = array<i32>} : memref<2048xf32, #tpu.memory_space<vmem>>, vector<16xf32>,
      tpu.vector_store %arg19[%swap3A_494], %select_n3A_487 {strides = array<i32>} : memref<2048xf32, #tpu.memory_space<vmem>>, vector<16xf32>,
      %scan3A_496 = arith.constant 0 : i32
      scf.yield %scan3A_496 : i32
    }
    %scan3A_128 = arith.constant 8 : i32
    "tpu.region"() ({
      %run_scoped3A = tpu.sem_alloc : memref<!tpu.dma_semaphore, #tpu.memory_space<semaphore_mem>>
      %dma_start3A = arith.constant 0 : i32
      %dma_start3A_143 = tpu.memref_slice %arg7[%mul3A_2, %dma_start3A] : memref<64x2048xf32, #tpu.memory_space<hbm>> -> memref<1x2048xf32, #tpu.memory_space<hbm>>
      %dma_start3A_144 = tpu.memref_squeeze %dma_start3A_143 : memref<1x2048xf32, #tpu.memory_space<hbm>> -> memref<2048xf32, #tpu.memory_space<hbm>>
      %dma_start3A_145 = arith.constant 0 : i32
      %dma_start3A_146 = tpu.memref_slice %arg7[%mul3A_2, %dma_start3A_145] : memref<64x2048xf32, #tpu.memory_space<hbm>> -> memref<1x2048xf32, #tpu.memory_space<hbm>>
      %dma_start3A_147 = tpu.memref_squeeze %dma_start3A_146 : memref<1x2048xf32, #tpu.memory_space<hbm>> -> memref<2048xf32, #tpu.memory_space<hbm>>
      tpu.enqueue_dma source(%arg19 : memref<2048xf32, #tpu.memory_space<vmem>>) target(%dma_start3A_147 : memref<2048xf32, #tpu.memory_space<hbm>>) target_semaphore(%run_scoped3A : memref<!tpu.dma_semaphore, #tpu.memory_space<semaphore_mem>>)
      %dma_wait3A = arith.constant 0 : i32
      %dma_wait3A_148 = tpu.memref_slice %arg7[%mul3A_2, %dma_wait3A] : memref<64x2048xf32, #tpu.memory_space<hbm>> -> memref<1x2048xf32, #tpu.memory_space<hbm>>
      %dma_wait3A_149 = tpu.memref_squeeze %dma_wait3A_148 : memref<1x2048xf32, #tpu.memory_space<hbm>> -> memref<2048xf32, #tpu.memory_space<hbm>>
      %dma_wait3A_150 = arith.constant 0 : i32
      %dma_wait3A_151 = tpu.memref_slice %arg7[%mul3A_2, %dma_wait3A_150] : memref<64x2048xf32, #tpu.memory_space<hbm>> -> memref<1x2048xf32, #tpu.memory_space<hbm>>
      %dma_wait3A_152 = tpu.memref_squeeze %dma_wait3A_151 : memref<1x2048xf32, #tpu.memory_space<hbm>> -> memref<2048xf32, #tpu.memory_space<hbm>>
      tpu.wait_dma2 semaphore(%run_scoped3A : memref<!tpu.dma_semaphore, #tpu.memory_space<semaphore_mem>>) src(%arg19 : memref<2048xf32, #tpu.memory_space<vmem>>) dst(%dma_wait3A_152 : memref<2048xf32, #tpu.memory_space<hbm>>)
      tpu.yield
    }) : () -> ()
    "tpu.region"() ({
      %run_scoped3A = tpu.sem_alloc : memref<!tpu.dma_semaphore, #tpu.memory_space<semaphore_mem>>
      %dma_start3A = arith.constant 0 : i32
      %dma_start3A_143 = tpu.memref_slice %arg8[%mul3A_2, %dma_start3A] : memref<64x128xi32, #tpu.memory_space<hbm>> -> memref<1x128xi32, #tpu.memory_space<hbm>>
      %dma_start3A_144 = tpu.memref_squeeze %dma_start3A_143 : memref<1x128xi32, #tpu.memory_space<hbm>> -> memref<128xi32, #tpu.memory_space<hbm>>
      %dma_start3A_145 = arith.constant 0 : i32
      %dma_start3A_146 = tpu.memref_slice %arg8[%mul3A_2, %dma_start3A_145] : memref<64x128xi32, #tpu.memory_space<hbm>> -> memref<1x128xi32, #tpu.memory_space<hbm>>
      %dma_start3A_147 = tpu.memref_squeeze %dma_start3A_146 : memref<1x128xi32, #tpu.memory_space<hbm>> -> memref<128xi32, #tpu.memory_space<hbm>>
      tpu.enqueue_dma source(%arg20 : memref<128xi32, #tpu.memory_space<vmem>>) target(%dma_start3A_147 : memref<128xi32, #tpu.memory_space<hbm>>) target_semaphore(%run_scoped3A : memref<!tpu.dma_semaphore, #tpu.memory_space<semaphore_mem>>)
      %dma_wait3A = arith.constant 0 : i32
      %dma_wait3A_148 = tpu.memref_slice %arg8[%mul3A_2, %dma_wait3A] : memref<64x128xi32, #tpu.memory_space<hbm>> -> memref<1x128xi32, #tpu.memory_space<hbm>>
      %dma_wait3A_149 = tpu.memref_squeeze %dma_wait3A_148 : memref<1x128xi32, #tpu.memory_space<hbm>> -> memref<128xi32, #tpu.memory_space<hbm>>
      %dma_wait3A_150 = arith.constant 0 : i32
      %dma_wait3A_151 = tpu.memref_slice %arg8[%mul3A_2, %dma_wait3A_150] : memref<64x128xi32, #tpu.memory_space<hbm>> -> memref<1x128xi32, #tpu.memory_space<hbm>>
      %dma_wait3A_152 = tpu.memref_squeeze %dma_wait3A_151 : memref<1x128xi32, #tpu.memory_space<hbm>> -> memref<128xi32, #tpu.memory_space<hbm>>
      tpu.wait_dma2 semaphore(%run_scoped3A : memref<!tpu.dma_semaphore, #tpu.memory_space<semaphore_mem>>) src(%arg20 : memref<128xi32, #tpu.memory_space<vmem>>) dst(%dma_wait3A_152 : memref<128xi32, #tpu.memory_space<hbm>>)
      tpu.yield
    }) : () -> ()
    %scan3A_129 = arith.constant 0 : i32
    %scan3A_130 = arith.constant 0 : i32
    %scan3A_131 = arith.constant 108 : i32
    %scan3A_132 = arith.addi %scan3A_130, %scan3A_131 : i32
    %scan3A_133 = arith.constant 1 : i32
    %scan3A_134 = scf.for %scan3A_143 = %scan3A_130 to %scan3A_132 step %scan3A_133 iter_args(%scan3A_144 = %scan3A_129) -> (i32)  : i32 {
      %mul3A_145 = arith.constant 16 : i32
      %mul3A_146 = arith.muli %scan3A_143, %mul3A_145 : i32
      %get3A_147 = arith.index_cast %mul3A_146 : i32 to index
      %get3A_148 = tpu.vector_load %arg16[%get3A_147] {strides = array<i32>} : memref<1728xi32, #tpu.memory_space<vmem>>, vector<16xi32>,
      %ne3A = arith.constant 0 : i32
      %ne3A_149 = vector.broadcast %ne3A : i32 to vector<16xi32>
      %ne3A_150 = arith.cmpi ne, %get3A_148, %ne3A_149 : vector<16xi32>
      %convert_element_type3A = arith.extui %ne3A_150 : vector<16xi1> to vector<16xi32>
      %iota3A_151 = tpu.iota {dimensions = array<i32: 0>} : vector<16xi32>
      %mul3A_152 = arith.constant 16 : i32
      %mul3A_153 = arith.muli %scan3A_143, %mul3A_152 : i32
      %add3A_154 = vector.broadcast %mul3A_153 : i32 to vector<16xi32>
      %add3A_155 = arith.addi %iota3A_151, %add3A_154 : vector<16xi32>
      %broadcast_in_dim3A_156 = arith.constant true
      %broadcast_in_dim3A_157 = vector.broadcast %broadcast_in_dim3A_156 : i1 to vector<16xi1>
      %masked_cumsum3A = tpu.scan <sum>, %convert_element_type3A masked %broadcast_in_dim3A_157 : vector<16xi32>, vector<16xi1> -> vector<16xi32>
      %sub3A = arith.subi %masked_cumsum3A, %convert_element_type3A : vector<16xi32>
      %add3A_158 = vector.broadcast %scan3A_144 : i32 to vector<16xi32>
      %add3A_159 = arith.addi %add3A_158, %sub3A : vector<16xi32>
      tpu.vector_store_idx %arg17[%add3A_159], %add3A_155 masked %ne3A_150 : memref<1744xi32, #tpu.memory_space<vmem>>[vector<16xi32>], vector<16xi32>, vector<16xi1>
      %all_reduce_population_count3A = tpu.all_reduce %ne3A_150 {dim = 0 : i64, kind = #tpu.reduction_kind<sum>} : vector<16xi1> -> vector<16xi32>
      %slice3A_160 = vector.extract_strided_slice %all_reduce_population_count3A {offsets = [0], sizes = [1], strides = [1]} : vector<16xi32> to vector<1xi32>
      %squeeze3A_161 = vector.extract %slice3A_160[0] : i32 from vector<1xi32>
      %add3A_162 = arith.addi %scan3A_144, %squeeze3A_161 : i32
      scf.yield %add3A_162 : i32
    }
    %scan3A_135 = arith.constant 108 : i32
    %scan3A_136 = arith.constant 0 : i32
    %scan3A_137 = arith.constant 0 : i32
    %scan3A_138 = arith.constant 8 : i32
    %scan3A_139 = arith.addi %scan3A_137, %scan3A_138 : i32
    %scan3A_140 = arith.constant 1 : i32
    %scan3A_141 = scf.for %scan3A_143 = %scan3A_137 to %scan3A_139 step %scan3A_140 iter_args(%scan3A_144 = %scan3A_136) -> (i32)  : i32 {
      %mul3A_145 = arith.constant 16 : i32
      %mul3A_146 = arith.muli %scan3A_143, %mul3A_145 : i32
      %get3A_147 = arith.index_cast %mul3A_146 : i32 to index
      %get3A_148 = tpu.vector_load %arg17[%get3A_147] {strides = array<i32>} : memref<1744xi32, #tpu.memory_space<vmem>>, vector<16xi32>,
      %mul3A_149 = arith.constant 16 : i32
      %mul3A_150 = arith.muli %scan3A_143, %mul3A_149 : i32
      %add3A_151 = vector.broadcast %mul3A_150 : i32 to vector<16xi32>
      %add3A_152 = arith.addi %iota3A, %add3A_151 : vector<16xi32>
      %lt3A = vector.broadcast %scan3A_134 : i32 to vector<16xi32>
      %lt3A_153 = arith.cmpi slt, %add3A_152, %lt3A : vector<16xi32>
      %convert_element_type3A = arith.extui %lt3A_153 : vector<16xi1> to vector<16xi32>
      %jit3A = arith.constant 0 : i32
      %broadcast_in_dim3A_154 = vector.broadcast %jit3A : i32 to vector<16xi32>
      %select_n3A = arith.select %lt3A_153, %get3A_148, %broadcast_in_dim3A_154 : vector<16xi1>, vector<16xi32>
      %jit3A_155 = arith.constant -1 : i32
      %broadcast_in_dim3A_156 = vector.broadcast %jit3A_155 : i32 to vector<16xi32>
      %select_n3A_157 = arith.select %lt3A_153, %get3A_148, %broadcast_in_dim3A_156 : vector<16xi1>, vector<16xi32>
      %mul3A_158 = arith.constant 16 : i32
      %mul3A_159 = arith.muli %scan3A_143, %mul3A_158 : i32
      %swap3A = arith.index_cast %mul3A_159 : i32 to index
      %swap3A_160 = tpu.vector_load %arg20[%swap3A] {strides = array<i32>} : memref<128xi32, #tpu.memory_space<vmem>>, vector<16xi32>,
      tpu.vector_store %arg20[%swap3A], %select_n3A_157 {strides = array<i32>} : memref<128xi32, #tpu.memory_space<vmem>>, vector<16xi32>,
      %slice3A_161 = vector.extract_strided_slice %select_n3A {offsets = [0], sizes = [1], strides = [1]} : vector<16xi32> to vector<1xi32>
      %squeeze3A_162 = vector.extract %slice3A_161[0] : i32 from vector<1xi32>
      %mul3A_163 = arith.constant 16 : i32
      %mul3A_164 = arith.muli %squeeze3A_162, %mul3A_163 : i32
      %get3A_165 = arith.index_cast %mul3A_164 : i32 to index
      %get3A_166 = tpu.vector_load %arg14[%get3A_165] {strides = array<i32>} : memref<27648xf32, #tpu.memory_space<vmem>>, vector<16xf32>,
      %slice3A_167 = vector.extract_strided_slice %convert_element_type3A {offsets = [0], sizes = [1], strides = [1]} : vector<16xi32> to vector<1xi32>
      %squeeze3A_168 = vector.extract %slice3A_167[0] : i32 from vector<1xi32>
      %ne3A = arith.constant 0 : i32
      %ne3A_169 = arith.cmpi ne, %squeeze3A_168, %ne3A : i32
      %jit3A_170 = arith.constant 0.000000e+00 : f32
      %broadcast_in_dim3A_171 = vector.broadcast %jit3A_170 : f32 to vector<16xf32>
      %select_n3A_172 = arith.select %ne3A_169, %get3A_166, %broadcast_in_dim3A_171 : vector<16xf32>
      %mul3A_173 = arith.constant 16 : i32
      %mul3A_174 = arith.muli %scan3A_143, %mul3A_173 : i32
      %add3A_175 = arith.constant 0 : i32
      %add3A_176 = arith.addi %mul3A_174, %add3A_175 : i32
      %mul3A_177 = arith.constant 16 : i32
      %mul3A_178 = arith.muli %add3A_176, %mul3A_177 : i32
      %swap3A_179 = arith.index_cast %mul3A_178 : i32 to index
      %swap3A_180 = tpu.vector_load %arg19[%swap3A_179] {strides = array<i32>} : memref<2048xf32, #tpu.memory_space<vmem>>, vector<16xf32>,
      tpu.vector_store %arg19[%swap3A_179], %select_n3A_172 {strides = array<i32>} : memref<2048xf32, #tpu.memory_space<vmem>>, vector<16xf32>,
      %slice3A_181 = vector.extract_strided_slice %select_n3A {offsets = [1], sizes = [1], strides = [1]} : vector<16xi32> to vector<1xi32>
      %squeeze3A_182 = vector.extract %slice3A_181[0] : i32 from vector<1xi32>
      %mul3A_183 = arith.constant 16 : i32
      %mul3A_184 = arith.muli %squeeze3A_182, %mul3A_183 : i32
      %get3A_185 = arith.index_cast %mul3A_184 : i32 to index
      %get3A_186 = tpu.vector_load %arg14[%get3A_185] {strides = array<i32>} : memref<27648xf32, #tpu.memory_space<vmem>>, vector<16xf32>,
      %slice3A_187 = vector.extract_strided_slice %convert_element_type3A {offsets = [1], sizes = [1], strides = [1]} : vector<16xi32> to vector<1xi32>
      %squeeze3A_188 = vector.extract %slice3A_187[0] : i32 from vector<1xi32>
      %ne3A_189 = arith.constant 0 : i32
      %ne3A_190 = arith.cmpi ne, %squeeze3A_188, %ne3A_189 : i32
      %jit3A_191 = arith.constant 0.000000e+00 : f32
      %broadcast_in_dim3A_192 = vector.broadcast %jit3A_191 : f32 to vector<16xf32>
      %select_n3A_193 = arith.select %ne3A_190, %get3A_186, %broadcast_in_dim3A_192 : vector<16xf32>
      %mul3A_194 = arith.constant 16 : i32
      %mul3A_195 = arith.muli %scan3A_143, %mul3A_194 : i32
      %add3A_196 = arith.constant 1 : i32
      %add3A_197 = arith.addi %mul3A_195, %add3A_196 : i32
      %mul3A_198 = arith.constant 16 : i32
      %mul3A_199 = arith.muli %add3A_197, %mul3A_198 : i32
      %swap3A_200 = arith.index_cast %mul3A_199 : i32 to index
      %swap3A_201 = tpu.vector_load %arg19[%swap3A_200] {strides = array<i32>} : memref<2048xf32, #tpu.memory_space<vmem>>, vector<16xf32>,
      tpu.vector_store %arg19[%swap3A_200], %select_n3A_193 {strides = array<i32>} : memref<2048xf32, #tpu.memory_space<vmem>>, vector<16xf32>,
      %slice3A_202 = vector.extract_strided_slice %select_n3A {offsets = [2], sizes = [1], strides = [1]} : vector<16xi32> to vector<1xi32>
      %squeeze3A_203 = vector.extract %slice3A_202[0] : i32 from vector<1xi32>
      %mul3A_204 = arith.constant 16 : i32
      %mul3A_205 = arith.muli %squeeze3A_203, %mul3A_204 : i32
      %get3A_206 = arith.index_cast %mul3A_205 : i32 to index
      %get3A_207 = tpu.vector_load %arg14[%get3A_206] {strides = array<i32>} : memref<27648xf32, #tpu.memory_space<vmem>>, vector<16xf32>,
      %slice3A_208 = vector.extract_strided_slice %convert_element_type3A {offsets = [2], sizes = [1], strides = [1]} : vector<16xi32> to vector<1xi32>
      %squeeze3A_209 = vector.extract %slice3A_208[0] : i32 from vector<1xi32>
      %ne3A_210 = arith.constant 0 : i32
      %ne3A_211 = arith.cmpi ne, %squeeze3A_209, %ne3A_210 : i32
      %jit3A_212 = arith.constant 0.000000e+00 : f32
      %broadcast_in_dim3A_213 = vector.broadcast %jit3A_212 : f32 to vector<16xf32>
      %select_n3A_214 = arith.select %ne3A_211, %get3A_207, %broadcast_in_dim3A_213 : vector<16xf32>
      %mul3A_215 = arith.constant 16 : i32
      %mul3A_216 = arith.muli %scan3A_143, %mul3A_215 : i32
      %add3A_217 = arith.constant 2 : i32
      %add3A_218 = arith.addi %mul3A_216, %add3A_217 : i32
      %mul3A_219 = arith.constant 16 : i32
      %mul3A_220 = arith.muli %add3A_218, %mul3A_219 : i32
      %swap3A_221 = arith.index_cast %mul3A_220 : i32 to index
      %swap3A_222 = tpu.vector_load %arg19[%swap3A_221] {strides = array<i32>} : memref<2048xf32, #tpu.memory_space<vmem>>, vector<16xf32>,
      tpu.vector_store %arg19[%swap3A_221], %select_n3A_214 {strides = array<i32>} : memref<2048xf32, #tpu.memory_space<vmem>>, vector<16xf32>,
      %slice3A_223 = vector.extract_strided_slice %select_n3A {offsets = [3], sizes = [1], strides = [1]} : vector<16xi32> to vector<1xi32>
      %squeeze3A_224 = vector.extract %slice3A_223[0] : i32 from vector<1xi32>
      %mul3A_225 = arith.constant 16 : i32
      %mul3A_226 = arith.muli %squeeze3A_224, %mul3A_225 : i32
      %get3A_227 = arith.index_cast %mul3A_226 : i32 to index
      %get3A_228 = tpu.vector_load %arg14[%get3A_227] {strides = array<i32>} : memref<27648xf32, #tpu.memory_space<vmem>>, vector<16xf32>,
      %slice3A_229 = vector.extract_strided_slice %convert_element_type3A {offsets = [3], sizes = [1], strides = [1]} : vector<16xi32> to vector<1xi32>
      %squeeze3A_230 = vector.extract %slice3A_229[0] : i32 from vector<1xi32>
      %ne3A_231 = arith.constant 0 : i32
      %ne3A_232 = arith.cmpi ne, %squeeze3A_230, %ne3A_231 : i32
      %jit3A_233 = arith.constant 0.000000e+00 : f32
      %broadcast_in_dim3A_234 = vector.broadcast %jit3A_233 : f32 to vector<16xf32>
      %select_n3A_235 = arith.select %ne3A_232, %get3A_228, %broadcast_in_dim3A_234 : vector<16xf32>
      %mul3A_236 = arith.constant 16 : i32
      %mul3A_237 = arith.muli %scan3A_143, %mul3A_236 : i32
      %add3A_238 = arith.constant 3 : i32
      %add3A_239 = arith.addi %mul3A_237, %add3A_238 : i32
      %mul3A_240 = arith.constant 16 : i32
      %mul3A_241 = arith.muli %add3A_239, %mul3A_240 : i32
      %swap3A_242 = arith.index_cast %mul3A_241 : i32 to index
      %swap3A_243 = tpu.vector_load %arg19[%swap3A_242] {strides = array<i32>} : memref<2048xf32, #tpu.memory_space<vmem>>, vector<16xf32>,
      tpu.vector_store %arg19[%swap3A_242], %select_n3A_235 {strides = array<i32>} : memref<2048xf32, #tpu.memory_space<vmem>>, vector<16xf32>,
      %slice3A_244 = vector.extract_strided_slice %select_n3A {offsets = [4], sizes = [1], strides = [1]} : vector<16xi32> to vector<1xi32>
      %squeeze3A_245 = vector.extract %slice3A_244[0] : i32 from vector<1xi32>
      %mul3A_246 = arith.constant 16 : i32
      %mul3A_247 = arith.muli %squeeze3A_245, %mul3A_246 : i32
      %get3A_248 = arith.index_cast %mul3A_247 : i32 to index
      %get3A_249 = tpu.vector_load %arg14[%get3A_248] {strides = array<i32>} : memref<27648xf32, #tpu.memory_space<vmem>>, vector<16xf32>,
      %slice3A_250 = vector.extract_strided_slice %convert_element_type3A {offsets = [4], sizes = [1], strides = [1]} : vector<16xi32> to vector<1xi32>
      %squeeze3A_251 = vector.extract %slice3A_250[0] : i32 from vector<1xi32>
      %ne3A_252 = arith.constant 0 : i32
      %ne3A_253 = arith.cmpi ne, %squeeze3A_251, %ne3A_252 : i32
      %jit3A_254 = arith.constant 0.000000e+00 : f32
      %broadcast_in_dim3A_255 = vector.broadcast %jit3A_254 : f32 to vector<16xf32>
      %select_n3A_256 = arith.select %ne3A_253, %get3A_249, %broadcast_in_dim3A_255 : vector<16xf32>
      %mul3A_257 = arith.constant 16 : i32
      %mul3A_258 = arith.muli %scan3A_143, %mul3A_257 : i32
      %add3A_259 = arith.constant 4 : i32
      %add3A_260 = arith.addi %mul3A_258, %add3A_259 : i32
      %mul3A_261 = arith.constant 16 : i32
      %mul3A_262 = arith.muli %add3A_260, %mul3A_261 : i32
      %swap3A_263 = arith.index_cast %mul3A_262 : i32 to index
      %swap3A_264 = tpu.vector_load %arg19[%swap3A_263] {strides = array<i32>} : memref<2048xf32, #tpu.memory_space<vmem>>, vector<16xf32>,
      tpu.vector_store %arg19[%swap3A_263], %select_n3A_256 {strides = array<i32>} : memref<2048xf32, #tpu.memory_space<vmem>>, vector<16xf32>,
      %slice3A_265 = vector.extract_strided_slice %select_n3A {offsets = [5], sizes = [1], strides = [1]} : vector<16xi32> to vector<1xi32>
      %squeeze3A_266 = vector.extract %slice3A_265[0] : i32 from vector<1xi32>
      %mul3A_267 = arith.constant 16 : i32
      %mul3A_268 = arith.muli %squeeze3A_266, %mul3A_267 : i32
      %get3A_269 = arith.index_cast %mul3A_268 : i32 to index
      %get3A_270 = tpu.vector_load %arg14[%get3A_269] {strides = array<i32>} : memref<27648xf32, #tpu.memory_space<vmem>>, vector<16xf32>,
      %slice3A_271 = vector.extract_strided_slice %convert_element_type3A {offsets = [5], sizes = [1], strides = [1]} : vector<16xi32> to vector<1xi32>
      %squeeze3A_272 = vector.extract %slice3A_271[0] : i32 from vector<1xi32>
      %ne3A_273 = arith.constant 0 : i32
      %ne3A_274 = arith.cmpi ne, %squeeze3A_272, %ne3A_273 : i32
      %jit3A_275 = arith.constant 0.000000e+00 : f32
      %broadcast_in_dim3A_276 = vector.broadcast %jit3A_275 : f32 to vector<16xf32>
      %select_n3A_277 = arith.select %ne3A_274, %get3A_270, %broadcast_in_dim3A_276 : vector<16xf32>
      %mul3A_278 = arith.constant 16 : i32
      %mul3A_279 = arith.muli %scan3A_143, %mul3A_278 : i32
      %add3A_280 = arith.constant 5 : i32
      %add3A_281 = arith.addi %mul3A_279, %add3A_280 : i32
      %mul3A_282 = arith.constant 16 : i32
      %mul3A_283 = arith.muli %add3A_281, %mul3A_282 : i32
      %swap3A_284 = arith.index_cast %mul3A_283 : i32 to index
      %swap3A_285 = tpu.vector_load %arg19[%swap3A_284] {strides = array<i32>} : memref<2048xf32, #tpu.memory_space<vmem>>, vector<16xf32>,
      tpu.vector_store %arg19[%swap3A_284], %select_n3A_277 {strides = array<i32>} : memref<2048xf32, #tpu.memory_space<vmem>>, vector<16xf32>,
      %slice3A_286 = vector.extract_strided_slice %select_n3A {offsets = [6], sizes = [1], strides = [1]} : vector<16xi32> to vector<1xi32>
      %squeeze3A_287 = vector.extract %slice3A_286[0] : i32 from vector<1xi32>
      %mul3A_288 = arith.constant 16 : i32
      %mul3A_289 = arith.muli %squeeze3A_287, %mul3A_288 : i32
      %get3A_290 = arith.index_cast %mul3A_289 : i32 to index
      %get3A_291 = tpu.vector_load %arg14[%get3A_290] {strides = array<i32>} : memref<27648xf32, #tpu.memory_space<vmem>>, vector<16xf32>,
      %slice3A_292 = vector.extract_strided_slice %convert_element_type3A {offsets = [6], sizes = [1], strides = [1]} : vector<16xi32> to vector<1xi32>
      %squeeze3A_293 = vector.extract %slice3A_292[0] : i32 from vector<1xi32>
      %ne3A_294 = arith.constant 0 : i32
      %ne3A_295 = arith.cmpi ne, %squeeze3A_293, %ne3A_294 : i32
      %jit3A_296 = arith.constant 0.000000e+00 : f32
      %broadcast_in_dim3A_297 = vector.broadcast %jit3A_296 : f32 to vector<16xf32>
      %select_n3A_298 = arith.select %ne3A_295, %get3A_291, %broadcast_in_dim3A_297 : vector<16xf32>
      %mul3A_299 = arith.constant 16 : i32
      %mul3A_300 = arith.muli %scan3A_143, %mul3A_299 : i32
      %add3A_301 = arith.constant 6 : i32
      %add3A_302 = arith.addi %mul3A_300, %add3A_301 : i32
      %mul3A_303 = arith.constant 16 : i32
      %mul3A_304 = arith.muli %add3A_302, %mul3A_303 : i32
      %swap3A_305 = arith.index_cast %mul3A_304 : i32 to index
      %swap3A_306 = tpu.vector_load %arg19[%swap3A_305] {strides = array<i32>} : memref<2048xf32, #tpu.memory_space<vmem>>, vector<16xf32>,
      tpu.vector_store %arg19[%swap3A_305], %select_n3A_298 {strides = array<i32>} : memref<2048xf32, #tpu.memory_space<vmem>>, vector<16xf32>,
      %slice3A_307 = vector.extract_strided_slice %select_n3A {offsets = [7], sizes = [1], strides = [1]} : vector<16xi32> to vector<1xi32>
      %squeeze3A_308 = vector.extract %slice3A_307[0] : i32 from vector<1xi32>
      %mul3A_309 = arith.constant 16 : i32
      %mul3A_310 = arith.muli %squeeze3A_308, %mul3A_309 : i32
      %get3A_311 = arith.index_cast %mul3A_310 : i32 to index
      %get3A_312 = tpu.vector_load %arg14[%get3A_311] {strides = array<i32>} : memref<27648xf32, #tpu.memory_space<vmem>>, vector<16xf32>,
      %slice3A_313 = vector.extract_strided_slice %convert_element_type3A {offsets = [7], sizes = [1], strides = [1]} : vector<16xi32> to vector<1xi32>
      %squeeze3A_314 = vector.extract %slice3A_313[0] : i32 from vector<1xi32>
      %ne3A_315 = arith.constant 0 : i32
      %ne3A_316 = arith.cmpi ne, %squeeze3A_314, %ne3A_315 : i32
      %jit3A_317 = arith.constant 0.000000e+00 : f32
      %broadcast_in_dim3A_318 = vector.broadcast %jit3A_317 : f32 to vector<16xf32>
      %select_n3A_319 = arith.select %ne3A_316, %get3A_312, %broadcast_in_dim3A_318 : vector<16xf32>
      %mul3A_320 = arith.constant 16 : i32
      %mul3A_321 = arith.muli %scan3A_143, %mul3A_320 : i32
      %add3A_322 = arith.constant 7 : i32
      %add3A_323 = arith.addi %mul3A_321, %add3A_322 : i32
      %mul3A_324 = arith.constant 16 : i32
      %mul3A_325 = arith.muli %add3A_323, %mul3A_324 : i32
      %swap3A_326 = arith.index_cast %mul3A_325 : i32 to index
      %swap3A_327 = tpu.vector_load %arg19[%swap3A_326] {strides = array<i32>} : memref<2048xf32, #tpu.memory_space<vmem>>, vector<16xf32>,
      tpu.vector_store %arg19[%swap3A_326], %select_n3A_319 {strides = array<i32>} : memref<2048xf32, #tpu.memory_space<vmem>>, vector<16xf32>,
      %slice3A_328 = vector.extract_strided_slice %select_n3A {offsets = [8], sizes = [1], strides = [1]} : vector<16xi32> to vector<1xi32>
      %squeeze3A_329 = vector.extract %slice3A_328[0] : i32 from vector<1xi32>
      %mul3A_330 = arith.constant 16 : i32
      %mul3A_331 = arith.muli %squeeze3A_329, %mul3A_330 : i32
      %get3A_332 = arith.index_cast %mul3A_331 : i32 to index
      %get3A_333 = tpu.vector_load %arg14[%get3A_332] {strides = array<i32>} : memref<27648xf32, #tpu.memory_space<vmem>>, vector<16xf32>,
      %slice3A_334 = vector.extract_strided_slice %convert_element_type3A {offsets = [8], sizes = [1], strides = [1]} : vector<16xi32> to vector<1xi32>
      %squeeze3A_335 = vector.extract %slice3A_334[0] : i32 from vector<1xi32>
      %ne3A_336 = arith.constant 0 : i32
      %ne3A_337 = arith.cmpi ne, %squeeze3A_335, %ne3A_336 : i32
      %jit3A_338 = arith.constant 0.000000e+00 : f32
      %broadcast_in_dim3A_339 = vector.broadcast %jit3A_338 : f32 to vector<16xf32>
      %select_n3A_340 = arith.select %ne3A_337, %get3A_333, %broadcast_in_dim3A_339 : vector<16xf32>
      %mul3A_341 = arith.constant 16 : i32
      %mul3A_342 = arith.muli %scan3A_143, %mul3A_341 : i32
      %add3A_343 = arith.constant 8 : i32
      %add3A_344 = arith.addi %mul3A_342, %add3A_343 : i32
      %mul3A_345 = arith.constant 16 : i32
      %mul3A_346 = arith.muli %add3A_344, %mul3A_345 : i32
      %swap3A_347 = arith.index_cast %mul3A_346 : i32 to index
      %swap3A_348 = tpu.vector_load %arg19[%swap3A_347] {strides = array<i32>} : memref<2048xf32, #tpu.memory_space<vmem>>, vector<16xf32>,
      tpu.vector_store %arg19[%swap3A_347], %select_n3A_340 {strides = array<i32>} : memref<2048xf32, #tpu.memory_space<vmem>>, vector<16xf32>,
      %slice3A_349 = vector.extract_strided_slice %select_n3A {offsets = [9], sizes = [1], strides = [1]} : vector<16xi32> to vector<1xi32>
      %squeeze3A_350 = vector.extract %slice3A_349[0] : i32 from vector<1xi32>
      %mul3A_351 = arith.constant 16 : i32
      %mul3A_352 = arith.muli %squeeze3A_350, %mul3A_351 : i32
      %get3A_353 = arith.index_cast %mul3A_352 : i32 to index
      %get3A_354 = tpu.vector_load %arg14[%get3A_353] {strides = array<i32>} : memref<27648xf32, #tpu.memory_space<vmem>>, vector<16xf32>,
      %slice3A_355 = vector.extract_strided_slice %convert_element_type3A {offsets = [9], sizes = [1], strides = [1]} : vector<16xi32> to vector<1xi32>
      %squeeze3A_356 = vector.extract %slice3A_355[0] : i32 from vector<1xi32>
      %ne3A_357 = arith.constant 0 : i32
      %ne3A_358 = arith.cmpi ne, %squeeze3A_356, %ne3A_357 : i32
      %jit3A_359 = arith.constant 0.000000e+00 : f32
      %broadcast_in_dim3A_360 = vector.broadcast %jit3A_359 : f32 to vector<16xf32>
      %select_n3A_361 = arith.select %ne3A_358, %get3A_354, %broadcast_in_dim3A_360 : vector<16xf32>
      %mul3A_362 = arith.constant 16 : i32
      %mul3A_363 = arith.muli %scan3A_143, %mul3A_362 : i32
      %add3A_364 = arith.constant 9 : i32
      %add3A_365 = arith.addi %mul3A_363, %add3A_364 : i32
      %mul3A_366 = arith.constant 16 : i32
      %mul3A_367 = arith.muli %add3A_365, %mul3A_366 : i32
      %swap3A_368 = arith.index_cast %mul3A_367 : i32 to index
      %swap3A_369 = tpu.vector_load %arg19[%swap3A_368] {strides = array<i32>} : memref<2048xf32, #tpu.memory_space<vmem>>, vector<16xf32>,
      tpu.vector_store %arg19[%swap3A_368], %select_n3A_361 {strides = array<i32>} : memref<2048xf32, #tpu.memory_space<vmem>>, vector<16xf32>,
      %slice3A_370 = vector.extract_strided_slice %select_n3A {offsets = [10], sizes = [1], strides = [1]} : vector<16xi32> to vector<1xi32>
      %squeeze3A_371 = vector.extract %slice3A_370[0] : i32 from vector<1xi32>
      %mul3A_372 = arith.constant 16 : i32
      %mul3A_373 = arith.muli %squeeze3A_371, %mul3A_372 : i32
      %get3A_374 = arith.index_cast %mul3A_373 : i32 to index
      %get3A_375 = tpu.vector_load %arg14[%get3A_374] {strides = array<i32>} : memref<27648xf32, #tpu.memory_space<vmem>>, vector<16xf32>,
      %slice3A_376 = vector.extract_strided_slice %convert_element_type3A {offsets = [10], sizes = [1], strides = [1]} : vector<16xi32> to vector<1xi32>
      %squeeze3A_377 = vector.extract %slice3A_376[0] : i32 from vector<1xi32>
      %ne3A_378 = arith.constant 0 : i32
      %ne3A_379 = arith.cmpi ne, %squeeze3A_377, %ne3A_378 : i32
      %jit3A_380 = arith.constant 0.000000e+00 : f32
      %broadcast_in_dim3A_381 = vector.broadcast %jit3A_380 : f32 to vector<16xf32>
      %select_n3A_382 = arith.select %ne3A_379, %get3A_375, %broadcast_in_dim3A_381 : vector<16xf32>
      %mul3A_383 = arith.constant 16 : i32
      %mul3A_384 = arith.muli %scan3A_143, %mul3A_383 : i32
      %add3A_385 = arith.constant 10 : i32
      %add3A_386 = arith.addi %mul3A_384, %add3A_385 : i32
      %mul3A_387 = arith.constant 16 : i32
      %mul3A_388 = arith.muli %add3A_386, %mul3A_387 : i32
      %swap3A_389 = arith.index_cast %mul3A_388 : i32 to index
      %swap3A_390 = tpu.vector_load %arg19[%swap3A_389] {strides = array<i32>} : memref<2048xf32, #tpu.memory_space<vmem>>, vector<16xf32>,
      tpu.vector_store %arg19[%swap3A_389], %select_n3A_382 {strides = array<i32>} : memref<2048xf32, #tpu.memory_space<vmem>>, vector<16xf32>,
      %slice3A_391 = vector.extract_strided_slice %select_n3A {offsets = [11], sizes = [1], strides = [1]} : vector<16xi32> to vector<1xi32>
      %squeeze3A_392 = vector.extract %slice3A_391[0] : i32 from vector<1xi32>
      %mul3A_393 = arith.constant 16 : i32
      %mul3A_394 = arith.muli %squeeze3A_392, %mul3A_393 : i32
      %get3A_395 = arith.index_cast %mul3A_394 : i32 to index
      %get3A_396 = tpu.vector_load %arg14[%get3A_395] {strides = array<i32>} : memref<27648xf32, #tpu.memory_space<vmem>>, vector<16xf32>,
      %slice3A_397 = vector.extract_strided_slice %convert_element_type3A {offsets = [11], sizes = [1], strides = [1]} : vector<16xi32> to vector<1xi32>
      %squeeze3A_398 = vector.extract %slice3A_397[0] : i32 from vector<1xi32>
      %ne3A_399 = arith.constant 0 : i32
      %ne3A_400 = arith.cmpi ne, %squeeze3A_398, %ne3A_399 : i32
      %jit3A_401 = arith.constant 0.000000e+00 : f32
      %broadcast_in_dim3A_402 = vector.broadcast %jit3A_401 : f32 to vector<16xf32>
      %select_n3A_403 = arith.select %ne3A_400, %get3A_396, %broadcast_in_dim3A_402 : vector<16xf32>
      %mul3A_404 = arith.constant 16 : i32
      %mul3A_405 = arith.muli %scan3A_143, %mul3A_404 : i32
      %add3A_406 = arith.constant 11 : i32
      %add3A_407 = arith.addi %mul3A_405, %add3A_406 : i32
      %mul3A_408 = arith.constant 16 : i32
      %mul3A_409 = arith.muli %add3A_407, %mul3A_408 : i32
      %swap3A_410 = arith.index_cast %mul3A_409 : i32 to index
      %swap3A_411 = tpu.vector_load %arg19[%swap3A_410] {strides = array<i32>} : memref<2048xf32, #tpu.memory_space<vmem>>, vector<16xf32>,
      tpu.vector_store %arg19[%swap3A_410], %select_n3A_403 {strides = array<i32>} : memref<2048xf32, #tpu.memory_space<vmem>>, vector<16xf32>,
      %slice3A_412 = vector.extract_strided_slice %select_n3A {offsets = [12], sizes = [1], strides = [1]} : vector<16xi32> to vector<1xi32>
      %squeeze3A_413 = vector.extract %slice3A_412[0] : i32 from vector<1xi32>
      %mul3A_414 = arith.constant 16 : i32
      %mul3A_415 = arith.muli %squeeze3A_413, %mul3A_414 : i32
      %get3A_416 = arith.index_cast %mul3A_415 : i32 to index
      %get3A_417 = tpu.vector_load %arg14[%get3A_416] {strides = array<i32>} : memref<27648xf32, #tpu.memory_space<vmem>>, vector<16xf32>,
      %slice3A_418 = vector.extract_strided_slice %convert_element_type3A {offsets = [12], sizes = [1], strides = [1]} : vector<16xi32> to vector<1xi32>
      %squeeze3A_419 = vector.extract %slice3A_418[0] : i32 from vector<1xi32>
      %ne3A_420 = arith.constant 0 : i32
      %ne3A_421 = arith.cmpi ne, %squeeze3A_419, %ne3A_420 : i32
      %jit3A_422 = arith.constant 0.000000e+00 : f32
      %broadcast_in_dim3A_423 = vector.broadcast %jit3A_422 : f32 to vector<16xf32>
      %select_n3A_424 = arith.select %ne3A_421, %get3A_417, %broadcast_in_dim3A_423 : vector<16xf32>
      %mul3A_425 = arith.constant 16 : i32
      %mul3A_426 = arith.muli %scan3A_143, %mul3A_425 : i32
      %add3A_427 = arith.constant 12 : i32
      %add3A_428 = arith.addi %mul3A_426, %add3A_427 : i32
      %mul3A_429 = arith.constant 16 : i32
      %mul3A_430 = arith.muli %add3A_428, %mul3A_429 : i32
      %swap3A_431 = arith.index_cast %mul3A_430 : i32 to index
      %swap3A_432 = tpu.vector_load %arg19[%swap3A_431] {strides = array<i32>} : memref<2048xf32, #tpu.memory_space<vmem>>, vector<16xf32>,
      tpu.vector_store %arg19[%swap3A_431], %select_n3A_424 {strides = array<i32>} : memref<2048xf32, #tpu.memory_space<vmem>>, vector<16xf32>,
      %slice3A_433 = vector.extract_strided_slice %select_n3A {offsets = [13], sizes = [1], strides = [1]} : vector<16xi32> to vector<1xi32>
      %squeeze3A_434 = vector.extract %slice3A_433[0] : i32 from vector<1xi32>
      %mul3A_435 = arith.constant 16 : i32
      %mul3A_436 = arith.muli %squeeze3A_434, %mul3A_435 : i32
      %get3A_437 = arith.index_cast %mul3A_436 : i32 to index
      %get3A_438 = tpu.vector_load %arg14[%get3A_437] {strides = array<i32>} : memref<27648xf32, #tpu.memory_space<vmem>>, vector<16xf32>,
      %slice3A_439 = vector.extract_strided_slice %convert_element_type3A {offsets = [13], sizes = [1], strides = [1]} : vector<16xi32> to vector<1xi32>
      %squeeze3A_440 = vector.extract %slice3A_439[0] : i32 from vector<1xi32>
      %ne3A_441 = arith.constant 0 : i32
      %ne3A_442 = arith.cmpi ne, %squeeze3A_440, %ne3A_441 : i32
      %jit3A_443 = arith.constant 0.000000e+00 : f32
      %broadcast_in_dim3A_444 = vector.broadcast %jit3A_443 : f32 to vector<16xf32>
      %select_n3A_445 = arith.select %ne3A_442, %get3A_438, %broadcast_in_dim3A_444 : vector<16xf32>
      %mul3A_446 = arith.constant 16 : i32
      %mul3A_447 = arith.muli %scan3A_143, %mul3A_446 : i32
      %add3A_448 = arith.constant 13 : i32
      %add3A_449 = arith.addi %mul3A_447, %add3A_448 : i32
      %mul3A_450 = arith.constant 16 : i32
      %mul3A_451 = arith.muli %add3A_449, %mul3A_450 : i32
      %swap3A_452 = arith.index_cast %mul3A_451 : i32 to index
      %swap3A_453 = tpu.vector_load %arg19[%swap3A_452] {strides = array<i32>} : memref<2048xf32, #tpu.memory_space<vmem>>, vector<16xf32>,
      tpu.vector_store %arg19[%swap3A_452], %select_n3A_445 {strides = array<i32>} : memref<2048xf32, #tpu.memory_space<vmem>>, vector<16xf32>,
      %slice3A_454 = vector.extract_strided_slice %select_n3A {offsets = [14], sizes = [1], strides = [1]} : vector<16xi32> to vector<1xi32>
      %squeeze3A_455 = vector.extract %slice3A_454[0] : i32 from vector<1xi32>
      %mul3A_456 = arith.constant 16 : i32
      %mul3A_457 = arith.muli %squeeze3A_455, %mul3A_456 : i32
      %get3A_458 = arith.index_cast %mul3A_457 : i32 to index
      %get3A_459 = tpu.vector_load %arg14[%get3A_458] {strides = array<i32>} : memref<27648xf32, #tpu.memory_space<vmem>>, vector<16xf32>,
      %slice3A_460 = vector.extract_strided_slice %convert_element_type3A {offsets = [14], sizes = [1], strides = [1]} : vector<16xi32> to vector<1xi32>
      %squeeze3A_461 = vector.extract %slice3A_460[0] : i32 from vector<1xi32>
      %ne3A_462 = arith.constant 0 : i32
      %ne3A_463 = arith.cmpi ne, %squeeze3A_461, %ne3A_462 : i32
      %jit3A_464 = arith.constant 0.000000e+00 : f32
      %broadcast_in_dim3A_465 = vector.broadcast %jit3A_464 : f32 to vector<16xf32>
      %select_n3A_466 = arith.select %ne3A_463, %get3A_459, %broadcast_in_dim3A_465 : vector<16xf32>
      %mul3A_467 = arith.constant 16 : i32
      %mul3A_468 = arith.muli %scan3A_143, %mul3A_467 : i32
      %add3A_469 = arith.constant 14 : i32
      %add3A_470 = arith.addi %mul3A_468, %add3A_469 : i32
      %mul3A_471 = arith.constant 16 : i32
      %mul3A_472 = arith.muli %add3A_470, %mul3A_471 : i32
      %swap3A_473 = arith.index_cast %mul3A_472 : i32 to index
      %swap3A_474 = tpu.vector_load %arg19[%swap3A_473] {strides = array<i32>} : memref<2048xf32, #tpu.memory_space<vmem>>, vector<16xf32>,
      tpu.vector_store %arg19[%swap3A_473], %select_n3A_466 {strides = array<i32>} : memref<2048xf32, #tpu.memory_space<vmem>>, vector<16xf32>,
      %slice3A_475 = vector.extract_strided_slice %select_n3A {offsets = [15], sizes = [1], strides = [1]} : vector<16xi32> to vector<1xi32>
      %squeeze3A_476 = vector.extract %slice3A_475[0] : i32 from vector<1xi32>
      %mul3A_477 = arith.constant 16 : i32
      %mul3A_478 = arith.muli %squeeze3A_476, %mul3A_477 : i32
      %get3A_479 = arith.index_cast %mul3A_478 : i32 to index
      %get3A_480 = tpu.vector_load %arg14[%get3A_479] {strides = array<i32>} : memref<27648xf32, #tpu.memory_space<vmem>>, vector<16xf32>,
      %slice3A_481 = vector.extract_strided_slice %convert_element_type3A {offsets = [15], sizes = [1], strides = [1]} : vector<16xi32> to vector<1xi32>
      %squeeze3A_482 = vector.extract %slice3A_481[0] : i32 from vector<1xi32>
      %ne3A_483 = arith.constant 0 : i32
      %ne3A_484 = arith.cmpi ne, %squeeze3A_482, %ne3A_483 : i32
      %jit3A_485 = arith.constant 0.000000e+00 : f32
      %broadcast_in_dim3A_486 = vector.broadcast %jit3A_485 : f32 to vector<16xf32>
      %select_n3A_487 = arith.select %ne3A_484, %get3A_480, %broadcast_in_dim3A_486 : vector<16xf32>
      %mul3A_488 = arith.constant 16 : i32
      %mul3A_489 = arith.muli %scan3A_143, %mul3A_488 : i32
      %add3A_490 = arith.constant 15 : i32
      %add3A_491 = arith.addi %mul3A_489, %add3A_490 : i32
      %mul3A_492 = arith.constant 16 : i32
      %mul3A_493 = arith.muli %add3A_491, %mul3A_492 : i32
      %swap3A_494 = arith.index_cast %mul3A_493 : i32 to index
      %swap3A_495 = tpu.vector_load %arg19[%swap3A_494] {strides = array<i32>} : memref<2048xf32, #tpu.memory_space<vmem>>, vector<16xf32>,
      tpu.vector_store %arg19[%swap3A_494], %select_n3A_487 {strides = array<i32>} : memref<2048xf32, #tpu.memory_space<vmem>>, vector<16xf32>,
      %scan3A_496 = arith.constant 0 : i32
      scf.yield %scan3A_496 : i32
    }
    %scan3A_142 = arith.constant 8 : i32
    "tpu.region"() ({
      %run_scoped3A = tpu.sem_alloc : memref<!tpu.dma_semaphore, #tpu.memory_space<semaphore_mem>>
      %dma_start3A = arith.constant 0 : i32
      %dma_start3A_143 = tpu.memref_slice %arg7[%add3A_4, %dma_start3A] : memref<64x2048xf32, #tpu.memory_space<hbm>> -> memref<1x2048xf32, #tpu.memory_space<hbm>>
      %dma_start3A_144 = tpu.memref_squeeze %dma_start3A_143 : memref<1x2048xf32, #tpu.memory_space<hbm>> -> memref<2048xf32, #tpu.memory_space<hbm>>
      %dma_start3A_145 = arith.constant 0 : i32
      %dma_start3A_146 = tpu.memref_slice %arg7[%add3A_4, %dma_start3A_145] : memref<64x2048xf32, #tpu.memory_space<hbm>> -> memref<1x2048xf32, #tpu.memory_space<hbm>>
      %dma_start3A_147 = tpu.memref_squeeze %dma_start3A_146 : memref<1x2048xf32, #tpu.memory_space<hbm>> -> memref<2048xf32, #tpu.memory_space<hbm>>
      tpu.enqueue_dma source(%arg19 : memref<2048xf32, #tpu.memory_space<vmem>>) target(%dma_start3A_147 : memref<2048xf32, #tpu.memory_space<hbm>>) target_semaphore(%run_scoped3A : memref<!tpu.dma_semaphore, #tpu.memory_space<semaphore_mem>>)
      %dma_wait3A = arith.constant 0 : i32
      %dma_wait3A_148 = tpu.memref_slice %arg7[%add3A_4, %dma_wait3A] : memref<64x2048xf32, #tpu.memory_space<hbm>> -> memref<1x2048xf32, #tpu.memory_space<hbm>>
      %dma_wait3A_149 = tpu.memref_squeeze %dma_wait3A_148 : memref<1x2048xf32, #tpu.memory_space<hbm>> -> memref<2048xf32, #tpu.memory_space<hbm>>
      %dma_wait3A_150 = arith.constant 0 : i32
      %dma_wait3A_151 = tpu.memref_slice %arg7[%add3A_4, %dma_wait3A_150] : memref<64x2048xf32, #tpu.memory_space<hbm>> -> memref<1x2048xf32, #tpu.memory_space<hbm>>
      %dma_wait3A_152 = tpu.memref_squeeze %dma_wait3A_151 : memref<1x2048xf32, #tpu.memory_space<hbm>> -> memref<2048xf32, #tpu.memory_space<hbm>>
      tpu.wait_dma2 semaphore(%run_scoped3A : memref<!tpu.dma_semaphore, #tpu.memory_space<semaphore_mem>>) src(%arg19 : memref<2048xf32, #tpu.memory_space<vmem>>) dst(%dma_wait3A_152 : memref<2048xf32, #tpu.memory_space<hbm>>)
      tpu.yield
    }) : () -> ()
    "tpu.region"() ({
      %run_scoped3A = tpu.sem_alloc : memref<!tpu.dma_semaphore, #tpu.memory_space<semaphore_mem>>
      %dma_start3A = arith.constant 0 : i32
      %dma_start3A_143 = tpu.memref_slice %arg8[%add3A_4, %dma_start3A] : memref<64x128xi32, #tpu.memory_space<hbm>> -> memref<1x128xi32, #tpu.memory_space<hbm>>
      %dma_start3A_144 = tpu.memref_squeeze %dma_start3A_143 : memref<1x128xi32, #tpu.memory_space<hbm>> -> memref<128xi32, #tpu.memory_space<hbm>>
      %dma_start3A_145 = arith.constant 0 : i32
      %dma_start3A_146 = tpu.memref_slice %arg8[%add3A_4, %dma_start3A_145] : memref<64x128xi32, #tpu.memory_space<hbm>> -> memref<1x128xi32, #tpu.memory_space<hbm>>
      %dma_start3A_147 = tpu.memref_squeeze %dma_start3A_146 : memref<1x128xi32, #tpu.memory_space<hbm>> -> memref<128xi32, #tpu.memory_space<hbm>>
      tpu.enqueue_dma source(%arg20 : memref<128xi32, #tpu.memory_space<vmem>>) target(%dma_start3A_147 : memref<128xi32, #tpu.memory_space<hbm>>) target_semaphore(%run_scoped3A : memref<!tpu.dma_semaphore, #tpu.memory_space<semaphore_mem>>)
      %dma_wait3A = arith.constant 0 : i32
      %dma_wait3A_148 = tpu.memref_slice %arg8[%add3A_4, %dma_wait3A] : memref<64x128xi32, #tpu.memory_space<hbm>> -> memref<1x128xi32, #tpu.memory_space<hbm>>
      %dma_wait3A_149 = tpu.memref_squeeze %dma_wait3A_148 : memref<1x128xi32, #tpu.memory_space<hbm>> -> memref<128xi32, #tpu.memory_space<hbm>>
      %dma_wait3A_150 = arith.constant 0 : i32
      %dma_wait3A_151 = tpu.memref_slice %arg8[%add3A_4, %dma_wait3A_150] : memref<64x128xi32, #tpu.memory_space<hbm>> -> memref<1x128xi32, #tpu.memory_space<hbm>>
      %dma_wait3A_152 = tpu.memref_squeeze %dma_wait3A_151 : memref<1x128xi32, #tpu.memory_space<hbm>> -> memref<128xi32, #tpu.memory_space<hbm>>
      tpu.wait_dma2 semaphore(%run_scoped3A : memref<!tpu.dma_semaphore, #tpu.memory_space<semaphore_mem>>) src(%arg20 : memref<128xi32, #tpu.memory_space<vmem>>) dst(%dma_wait3A_152 : memref<128xi32, #tpu.memory_space<hbm>>)
      tpu.yield
    }) : () -> ()
    return
  }
}

</mosaic_0001>

<sc_bundles>
// kernel: _run.3.cloned.1.call-start
scs
__scs_entry_jumppad:
0x0: {  	(pc) =	sbr.rel $0x88, $3  }
0x1: {  	(tag) =	ssettag $0x0;
	lr =	simm.s32 $0x1  }
0x2: {  	[smem:$0x3F9C] =	sst lr;
	_ =	strace $0xD0000000  }
0x3: {  	_ = 	snop  }
0x4: {  	_ = 	snop  }
0x5: {  	_ = 	snop  }
0x6: {  	_ = 	snop  }
0x7: {  	_ = 	snop  }
__scs_overlays_trampoline_lowered:
0x8: {  	[smem:$0x3FAB] =	sst s0  }
0x9: {  	[smem:$0x3FAC] =	sst s1  }
0xa: {  	[smem:$0x3FAD] =	sst s2  }
0xb: {  	[smem:$0x3FAE] =	sst s3  }
0xc: {  	[smem:$0x3FAF] =	sst s4  }
0xd: {  	[smem:$0x3FB0] =	sst s5  }
0xe: {  	[smem:$0x3FB1] =	sst s6  }
0xf: {  	[smem:$0x3FB2] =	sst s7  }
0x10: {  	[smem:$0x3FB3] =	sst s8  }
0x11: {  	[smem:$0x3FB4] =	sst s9;
	s0 =	simm.s32 @!p0 $0x0  }
0x12: {  	s1 =	sld [smem:$0x3F9A];
	s0 =	simm.s32 @p0 $0x1  }
0x13: {  	[smem:$0x3FB5] =	sst s0;
	s0 =	simm.s32 @!p1 $0x0  }
0x14: {  	s2 =	sld [smem:$0x3F99];
	s0 =	simm.s32 @p1 $0x1  }
0x15: {  	[smem:$0x3FB6] =	sst s0;
	s0 =	simm.s32 @!p2 $0x0  }
0x16: {  	s3 =	sld [smem:$0x3FDB];
	s0 =	simm.s32 @p2 $0x1  }
0x17: {  	s4 =	simm.s32 $0x1BF5;
	[smem:$0x3FB8] =	sst s0  }
0x18: {  	s0 =	sld [smem:$0x3F9B];
	_ =	swait.ge [sflag:s4], $0x0  }
0x19: {  	s7 =	sld [smem:$0x3F9C]  }
0x1a: {  	s8 =	sadd.s32 $0xFFFFE003, lr  }
0x1b: {  	s9 =	sadd.s32 $0xFFFFFEF7, lr;
	s5 =	simm.s32 $0xFFFFFFFF;
	p2 =	slt.u32 s8, $0xFFFFF086  }
0x1c: {  	p1 =	slt.u32 s9, $0xF7A;
	s5 =	simm.s32 @!p2 $0x0  }
0x1d: {  	s5 =	simm.s32 @p1 $0x1;
	p0 =	seq.s32 s7, s2  }
0x1e: {  	s7 =	smul.u32 @!p0 $0xF7A, s2;
	p2 =	seq.s32 @!p0 s5, $0x0  }
0x1f: {  	s9 =	smul.u32 $0xF7A, s1;
	s8 =	simm.s32 @!p0 $0x1BF5;
	p2 =	por !p2, p0  }
0x20: {  	[sflag:s8] =	ssyncset.s32 @!p0 $0xFFFFF086;
	s6 =	sadd.s32 @!p0 s3, s7;
	s7 =	simm.s32 @!p0 $0x108  }
0x21: {  	s3 =	sadd.s32 s3, s9;
	s6 =	sadd.s32 @!p0 $0x88, s6;
	s7 =	simm.s32 @p2 $0x1082  }
0x22: {  	[simem:s7], [sflag:s8] =	dma.local @!p0 [hbm:s6], $0xF7A  }
0x23: {  	s9 =	sor.u32 $0xD0000000, s2;
	s6 =	simm.s32 $0x108;
	_ =	swait.ge @!p0 [sflag:s8], $0x0  }
0x24: {  	s3 =	sadd.s32 $0x88, s3;
	s6 =	simm.s32 @!p1 $0x1082;
	[sflag:s4] =	ssyncset.s32 $0xFFFFF086  }
0x25: {  	[simem:s6], [sflag:s4] =	dma.local [hbm:s3], $0xF7A  }
0x26: {  	[smem:$0x3F9C] =	sst s1;
	(tag) =	ssettag s2;
	_ =	strace s9  }
0x27: {  	s1 =	sld [smem:$0x3FAC]  }
0x28: {  	s2 =	sld [smem:$0x3FAD]  }
0x29: {  	s4 =	sld [smem:$0x3FAF]  }
0x2a: {  	p0 =	seq.s32 s5, $0x0;
	s5 =	sld [smem:$0x3FB0]  }
0x2b: {  	s6 =	sld [smem:$0x3FB1]  }
0x2c: {  	s7 =	sld [smem:$0x3FB2]  }
0x2d: {  	s3 =	simm.s32 $0x108;
	s8 =	sld [smem:$0x3FB3]  }
0x2e: {  	s3 =	simm.s32 @!p0 $0x1082;
	s9 =	sld [smem:$0x3FB4]  }
0x2f: {  	lr =	sadd.s32 s0, s3;
	s0 =	sld [smem:$0x3FAB]  }
0x30: {  	s3 =	sld [smem:$0x3FAE]  }
0x31: {  	[smem:$0x3FB7] =	sst s10  }
0x32: {  	s10 =	sld [smem:$0x3FB5];
	_ =	sdelay $0x3  }
0x33: {  	p0 =	seq.s32 s10, $0x1;
	s10 =	sld [smem:$0x3FB7];
	_ =	sdelay $0x3  }
0x34: {  	[smem:$0x3FB7] =	sst s10  }
0x35: {  	s10 =	sld [smem:$0x3FB6];
	_ =	sdelay $0x3  }
0x36: {  	p1 =	seq.s32 s10, $0x1;
	s10 =	sld [smem:$0x3FB7];
	_ =	sdelay $0x3  }
0x37: {  	[smem:$0x3FB7] =	sst s10  }
0x38: {  	s10 =	sld [smem:$0x3FB8]  }
0x39: {  	_ = 	snop;
	(pc) =	sbr.ind lr, $3  }
0x3a: {  	_ = 	snop  }
0x3b: {  	_ = 	snop  }
0x3c: {  	p2 =	seq.s32 s10, $0x1;
	s10 =	sld [smem:$0x3FB7]  }
0x3d: {  	_ =	shalt  }
0x3e: {  	_ =	shalt  }
0x3f: {  	_ =	shalt  }
0x40: {  	_ =	shalt  }
0x41: {  	_ =	shalt  }
0x42: {  	_ =	shalt  }
0x43: {  	_ =	shalt  }
0x44: {  	_ =	shalt  }
0x45: {  	_ =	shalt  }
0x46: {  	_ =	shalt  }
0x47: {  	_ =	shalt  }
0x48: {  	_ =	shalt  }
0x49: {  	_ =	shalt  }
0x4a: {  	_ =	shalt  }
0x4b: {  	_ =	shalt  }
0x4c: {  	_ =	shalt  }
0x4d: {  	_ =	shalt  }
0x4e: {  	_ =	shalt  }
0x4f: {  	_ =	shalt  }
0x50: {  	_ =	shalt  }
0x51: {  	_ =	shalt  }
0x52: {  	_ =	shalt  }
0x53: {  	_ =	shalt  }
0x54: {  	_ =	shalt  }
0x55: {  	_ =	shalt  }
0x56: {  	_ =	shalt  }
0x57: {  	_ =	shalt  }
0x58: {  	_ =	shalt  }
0x59: {  	_ =	shalt  }
0x5a: {  	_ =	shalt  }
0x5b: {  	_ =	shalt  }
0x5c: {  	_ =	shalt  }
0x5d: {  	_ =	shalt  }
0x5e: {  	_ =	shalt  }
0x5f: {  	_ =	shalt  }
0x60: {  	_ =	shalt  }
0x61: {  	_ =	shalt  }
0x62: {  	_ =	shalt  }
0x63: {  	_ =	shalt  }
0x64: {  	_ =	shalt  }
0x65: {  	_ =	shalt  }
0x66: {  	_ =	shalt  }
0x67: {  	_ =	shalt  }
0x68: {  	_ =	shalt  }
0x69: {  	_ =	shalt  }
0x6a: {  	_ =	shalt  }
0x6b: {  	_ =	shalt  }
0x6c: {  	_ =	shalt  }
0x6d: {  	_ =	shalt  }
0x6e: {  	_ =	shalt  }
0x6f: {  	_ =	shalt  }
0x70: {  	_ =	shalt  }
0x71: {  	_ =	shalt  }
0x72: {  	_ =	shalt  }
0x73: {  	_ =	shalt  }
0x74: {  	_ =	shalt  }
0x75: {  	_ =	shalt  }
0x76: {  	_ =	shalt  }
0x77: {  	_ =	shalt  }
0x78: {  	_ =	shalt  }
0x79: {  	_ =	shalt  }
0x7a: {  	_ =	shalt  }
0x7b: {  	_ =	shalt  }
0x7c: {  	_ =	shalt  }
0x7d: {  	_ =	shalt  }
0x7e: {  	_ =	shalt  }
0x7f: {  	_ =	shalt  }
0x80: {  	_ =	shalt  }
0x81: {  	_ =	shalt  }
0x82: {  	_ =	shalt  }
0x83: {  	_ =	shalt  }
0x84: {  	_ =	shalt  }
0x85: {  	_ =	shalt  }
0x86: {  	_ =	shalt  }
0x87: {  	_ =	shalt  }
.Lfunc_end0:
.L_simem_size_0:
called_computation_lowered:
.L_overlay_start_0:
0x88: {  	s2 =	sld [smem:$0x3FD9]  }
0x89: {  	s3 =	sld [smem:$0x3FFE];
	_ =	sdelay $0x1  }
0x8a: {  	s1 =	srdreg.scid  }
0x8b: {  	s0 =	sand.u32 $0x1, s1  }
0x8c: {  	s15 =	sshll.u32 s0, $0xA;
	s2 =	sadd.s32 s3, s2  }
0x8d: {  	s2 =	sadd.s32 s2, s15  }
0x8e: {  	[smem:$0x3FC3] =	sst s2  }
0x8f: {  	_ = 	snop  }
0x90: {  	s2 =	sld [smem:$0x3FC9]  }
0x91: {  	s16 =	sld [smem:$0x3FC8]  }
0x92: {  	s4 =	sld [smem:$0x3FD0]  }
0x93: {  	s5 =	sld [smem:$0x3FC7]  }
0x94: {  	s6 =	sld [smem:$0x3FC6]  }
0x95: {  	s8 =	simm.s32 $0xA;
	s9 =	simm.s32 $0x10;
	s7 =	sld [smem:$0x3FC5]  }
0x96: {  	[smem:s9], [sflag:s8] =	dma.local [hbm:s4], $0x1  }
0x97: {  	_ =	swait.eq [sflag:s8], $0x1  }
0x98: {  	[sflag:s8] =	ssyncset.done $0x0  }
0x99: {  	s17 =	sld [smem:$0x10];
	[sflag:s8] =	ssyncadd.s32 $0xFFFFFFFF  }
0x9a: {  	s18 =	sld [smem:$0x11];
	(tm) =	ssettm $0x1  }
0x9b: {  	s19 =	sld [smem:$0x3FFB];
	_ =	sdelay $0x3  }
0x9c: {  	_ =	strace s19  }
0x9d: {  	s9 =	sld [smem:$0x3FFC];
	_ =	sdelay $0x3  }
0x9e: {  	_ =	strace s9  }
0x9f: {  	s9 =	sld [smem:$0x3FFD];
	_ =	sdelay $0x3  }
0xa0: {  	_ =	strace s9  }
0xa1: {  	_ =	strace $0x8FFFFFFF  }
0xa2: {  	s20 =	sld [smem:$0x3FDB];
	_ =	sdelay $0x1  }
0xa3: {  	s10 =	simm.s32 $_scs_section_size  }
0xa4: {  	s11 =	simm.s32 $_size__tile_overlayer_lowered;
	s12 =	simm.s32 $_tile_overlayer_lowered  }
0xa5: {  	s23 =	simm.s32 $0x1BFF;
	s22 =	sshll.u32 s12, $0x1;
	s9 =	sadd.s32 s10, s20  }
0xa6: {  	s13 =	simm.s32 $0x0;
	s21 =	sshll.u32 s11, $0x1;
	s11 =	sadd.s32 s22, s9  }
0xa7: {  	[timem:s13], [sflag:s23] =	dma.local [hbm:s11], s21  }
0xa8: {  	_ =	swait.ge [sflag:s23], s21  }
0xa9: {  	s10 =	ssub.s32 $0x0, s21;
	[sflag:s23] =	ssyncset.done $0x0  }
0xaa: {  	[sflag:s23] =	ssyncadd.s32 s10;
	_ =	sdelay $0x1  }
0xab: {  	s24 =	simm.s32 $0x1B8B  }
0xac: {  	_ =	swait.ge [sflag:s24], $0x1  }
0xad: {  	[sflag:s24] =	ssyncset.done $0x0  }
0xae: {  	s25 =	simm.s32 $0x1B8E;
	[sflag:s24] =	ssyncadd.s32 $0xFFFFFFFF  }
0xaf: {  	s26 =	simm.s32 $execute0_lowered;
	[smem:$0x3FD2] =	sst s25  }
0xb0: {  	s10 =	sshll.u32 s26, $0x1;
	_ =	strace $0x80000046;
	[dreg:$0x1] =	wrdreg $0xFFFFFFFF  }
0xb1: {  	s28 =	simm.s32 $_size_execute0_lowered;
	s9 =	sadd.s32 s9, s10;
	[dreg:$0x0] =	wrdreg $0x0  }
0xb2: {  	s10 =	sshll.u32 s28, $0x1;
	[dreg:$0x2] =	wrdreg s9  }
0xb3: {  	[dreg:$0x3] =	wrdreg s10  }
0xb4: {  	[dreg:$0x4] =	wrdreg $0xC0  }
0xb5: {  	_ =	task [dreg:s13], $0x5FFFF  }
0xb6: {  	[dreg:$0x1] =	wrdreg $0xFFFFFFFF  }
0xb7: {  	[dreg:$0x0] =	wrdreg $0x60  }
0xb8: {  	[dreg:$0x2] =	wrdreg s2  }
0xb9: {  	[dreg:$0x3] =	wrdreg s16  }
0xba: {  	[dreg:$0x4] =	wrdreg s5  }
0xbb: {  	[dreg:$0x5] =	wrdreg s6  }
0xbc: {  	[dreg:$0x6] =	wrdreg s7  }
0xbd: {  	[dreg:$0x7] =	wrdreg s17  }
0xbe: {  	[dreg:$0x8] =	wrdreg s18  }
0xbf: {  	[dreg:$0x9] =	wrdreg $0x9  }
0xc0: {  	_ =	task.clear_ibuf [dreg:s13], $0xAFFFF;
	_ =	strace $0x90000046  }
0xc1: {  	s29 =	simm.s32 $0x9;
	_ =	strace $0x80000048  }
0xc2: {  	_ =	swait.ge [sflag:s29], $0x1  }
0xc3: {  	[sflag:s29] =	ssyncadd.s32 $0xFFFFFFFF  }
0xc4: {  	_ =	strace $0x90000048  }
0xc5: {  	_ =	sfence  }
0xc6: {  	s30 =	sld [smem:$0x0];
	_ =	sdelay $0x2  }
0xc7: {  	s31 =	sshll.u32 s1, $0xD;
	s1 =	sshrl.u32 s1, $0x2  }
0xc8: {  	s3 =	sand.u32 $0x4000, s31;
	s1 =	sadd.s32 s1, s30  }
0xc9: {  	s0 =	sor.u32 s3, s0;
	s1 =	sshll.u32 s1, $0x11  }
0xca: {  	s0 =	sor.u32 s1, s0  }
0xcb: {  	s0 =	sadd.s32 $0x8F2B, s0  }
0xcc: {  	[sflag:s0] =	ssyncadd.remote.s32 $0x1  }
0xcd: {  	_ =	sfence.sel $0xFFFF  }
0xce: {  	[dreg:$0x0] =	wrdreg $0xFFFFFFFF;
	(pc) =	sbr.abs _section_cstart, $3  }
0xcf: {  	[dreg:$0x1] =	wrdreg $0xFFFFFFFF  }
0xd0: {  	_ =	task.clear_ibuf [dreg:s13], $0x2FFFF;
	_ =	strace $0x9FFFFFFF  }
0xd1: {  	(tm) =	ssettm $0x7FFFFFFF  }
tec
execute0_lowered:
.L_overlay_start_1:
0x0: {  	(tag) =	ssettag $0x1  }
0x1: {  	s5 =	rddreg [dreg:$0x4]  }
0x2: {  	s0 =	rddreg [dreg:$0x5]  }
0x3: {  	s1 =	rddreg [dreg:$0x6]  }
0x4: {  	s7 =	simm.s32 $0x0;
	s2 =	srdreg.scid;
	s6 =	stileid.u32  }
0x5: {  	s13 =	simm.s32 $0x1;
	s19 =	simm.s32 $0x1C780;
	s20 =	simm.s32 $0x1CE80  }
0x6: {  	s21 =	simm.s32 $0x1D580;
	[smem:$0x7FF] =	sst s7;
	s2 =	sand.u32 $0x1, s2  }
0x7: {  	s3 =	sshll.u32 s6, $0x1;
	s6 =	sshrl.u32 s6, $0x1;
	_ =	strace $0x80000047  }
0x8: {  	s4 =	ssub.s32 $0x2, s2;
	s2 =	sor.u32 s2, s3;
	s28 =	sshll.u32 s6, $0xE  }
0x9: {  	s6 =	sshll.u32 s6, $0xA;
	s26 =	sshrl.u32 s4, $0x1;
	s8 =	sshll.u32 s2, $0x8  }
0xa: {  	s29 =	sshllo.u32 s2, $0x1;
	s2 =	sshll.u32 s2, $0x7;
	s3 =	ssub.s32 s4, s26  }
0xb: {  	s9 =	sand.u32 $0x300, s8;
	s14 =	sshll.u32 s29, $0x6;
	s11 =	sshll.u32 s29, $0x7  }
0xc: {  	s17 =	sshrl.u32 s2, $0x2;
	s26 =	simm.s32 $0x0;
	s10 =	sor.u32 s28, s9  }
0xd: {  	s31 =	sand.u32 $0x380, s11;
	s9 =	sor.u32 s6, s9;
	s12 =	smax.u32 s3, $0x1  }
0xe: {  	s18 =	sshrl.u32 s14, $0x2;
	s10 =	sshrl.u32 s10, $0x3;
	s4 =	sor.u32 s28, s31  }
0xf: {  	s6 =	sor.u32 s6, s31;
	s9 =	sshrl.u32 s9, $0x3;
	s30 =	sadd.s32 s0, s10  }
0x10: {  	v0 =	vimm.s32 $0x0;
	s4 =	sshrl.u32 s4, $0x3;
	s6 =	sshrl.u32 s6, $0x3;
	s9 =	sadd.s32 s1, s9  }
0x11: {  	v1 =	vimm.f32 $-Inf;
	v2 =	vimm.s32 $0x1;
	v3 =	vlaneseq.u32;
	[dreg:$0x8] =	wrdreg s30;
	s10 =	sadd.s32 s0, s4;
	s11 =	sadd.s32 s1, s6  }
.LBB2_1:
0x12: {  	s0 =	rddreg [dreg:$0x0]  }
0x13: {  	[tilespmem:s7], [sflag:$0x1] =	stream.linear.gather [hbm4b:s0+s7], $0x4E80, $0x38;
	[tilespmem:$0x1E580] =	vst v63  }
0x14: {  	_ =	swait.ge [sflag:s13], $0x4E80  }
0x15: {  	[sflag:s13] =	ssyncset.done $0x0  }
0x16: {  	[sflag:s13] =	ssyncadd.s32 $0xFFFFB180  }
0x17: {  	s1 =	simm.s32 $0x4E80;
	s25 =	rddreg [dreg:$0x1]  }
0x18: {  	[tilespmem:s1], [sflag:$0x1] =	stream.linear.gather [hbm4b:s25+s7], $0x4E80, $0x38;
	[tilespmem:$0x1E580] =	vst v63  }
0x19: {  	_ =	swait.ge [sflag:s13], $0x4E80  }
0x1a: {  	[sflag:s13] =	ssyncset.done $0x0  }
0x1b: {  	[sflag:s13] =	ssyncadd.s32 $0xFFFFB180  }
0x1c: {  	s29 =	simm.s32 $0x9D00;
	s28 =	rddreg [dreg:$0x2]  }
0x1d: {  	[tilespmem:s29], [sflag:$0x1] =	stream.linear.gather [hbm4b:s28+s7], $0x4E80, $0x38;
	[tilespmem:$0x1E580] =	vst v63  }
0x1e: {  	_ =	swait.ge [sflag:s13], $0x4E80  }
0x1f: {  	[sflag:s13] =	ssyncset.done $0x0  }
0x20: {  	[sflag:s13] =	ssyncadd.s32 $0xFFFFB180  }
0x21: {  	s31 =	simm.s32 $0xEB80;
	s30 =	rddreg [dreg:$0x3]  }
0x22: {  	[tilespmem:s31], [sflag:$0x1] =	stream.linear.gather [hbm4b:s30+s7], $0x400, $0x38;
	[tilespmem:$0x1E580] =	vst v63  }
0x23: {  	_ =	swait.ge [sflag:s13], $0x400  }
0x24: {  	[sflag:s13] =	ssyncset.done $0x0  }
0x25: {  	[sflag:s13] =	ssyncadd.s32 $0xFFFFFC00  }
0x26: {  	v14 =	vld [tilespmem:s17+$0xEB80]  }
0x27: {  	s0 =	simm.s32 $0x0;
	v28 =	vld [tilespmem:s18+$0xEB80]  }
.LBB2_2:
0x28: {  	p0 =	seq.s32 s0, $0x1A80  }
.Ltmp0:
0x29: {  	s1 =	sshra.s32 s0, $0x2;
	(pc) =	sbr.rel @!p0 .LBB2_2-.Ltmp0, $4  }
0x2a: {  	[tilespmem:s1+$0x1C780] =	vst v0  }
0x2b: {  	[tilespmem:s1+$0x1CE80] =	vst v0  }
0x2c: {  	[tilespmem:s1+$0x1C790] =	vst v0  }
0x2d: {  	s0 =	sadd.s32 $0x80, s0;
	[tilespmem:s1+$0x1CE90] =	vst v0  }
0x2e: {  	s1 =	simm.s32 $0x80;
	s0 =	simm.s32 $0x0  }
.LBB2_4:
0x2f: {  	p0 =	seq.s32 s1, $0x1AF80;
	[tilespmem:s0+$0x15B90] =	vst v1;
	s2 =	smov.u32 s1;
	s1 =	sadd.s32 $0x80, s1  }
.Ltmp1:
0x30: {  	[tilespmem:s0+$0xEF90] =	vst v1;
	(pc) =	sbr.rel @!p0 .LBB2_4-.Ltmp1, $3  }
0x31: {  	[tilespmem:s0+$0xEF80] =	vst v1  }
0x32: {  	[tilespmem:s0+$0x15B80] =	vst v1;
	_ =	sdelay $0x1  }
0x33: {  	s0 =	sshra.s32 s2, $0x2  }
0x34: {  	v4 =	vbroadcast v14, $0x8  }
0x35: {  	v5 =	vbroadcast v14, $0x9  }
0x36: {  	v6 =	vbroadcast v14, $0xA;
	(erf) = vrcp.f32 v4  }
0x37: {  	v4 =	vbroadcast v28, $0x8;
	(erf) = vrcp.f32 v5  }
0x38: {  	v5 =	vbroadcast v28, $0x9;
	(erf) = vrcp.f32 v6  }
0x39: {  	v6 =	vbroadcast v28, $0xA;
	(erf) = vrcp.f32 v4  }
0x3a: {  	v7 =	vbroadcast v14, $0x3;
	(erf) = vrcp.f32 v5  }
0x3b: {  	v8 =	vbroadcast v14, $0x4;
	(erf) = vrcp.f32 v6  }
0x3c: {  	v9 =	vbroadcast v14, $0x5;
	v10 =	vbroadcast v14, $0x6  }
0x3d: {  	v11 =	vbroadcast v14, $0x7;
	v13 =	vbroadcast v14, $0xB  }
0x3e: {  	v16 =	vbroadcast v28, $0x0;
	v17 =	vbroadcast v28, $0x1  }
0x3f: {  	v19 =	vbroadcast v28, $0x2;
	v20 =	vbroadcast v28, $0x3;
	v12 =	vpop (erf)  }
.Ltmp2:
0x40: {  	v22 =	vbroadcast v28, $0x4;
	v23 =	vbroadcast v28, $0x5;
	v15 =	vpop (erf);
	(pc) =	sbr.rel .LBB2_6-.Ltmp2, $4  }
0x41: {  	[tilespmem:s0+$0x15B90] =	vst v1;
	v25 =	vbroadcast v28, $0x6;
	v26 =	vbroadcast v28, $0x7;
	v18 =	vpop (erf)  }
0x42: {  	[tilespmem:s0+$0xEF90] =	vst v1;
	v27 =	vbroadcast v28, $0xB;
	v28 =	vbroadcast v28, $0xC;
	v21 =	vpop (erf)  }
0x43: {  	[tilespmem:s0+$0xEF80] =	vst v1;
	s28 =	simm.s32 $0x0;
	v4 =	vbroadcast v14, $0x0;
	v5 =	vbroadcast v14, $0x1;
	v24 =	vpop (erf)  }
0x44: {  	[tilespmem:s0+$0x15B80] =	vst v1;
	s29 =	simm.s32 $0x4E80;
	s30 =	simm.s32 $0x9D00;
	s31 =	simm.s32 $0x0;
	v6 =	vbroadcast v14, $0x2;
	v14 =	vbroadcast v14, $0xC;
	v29 =	vpop (erf)  }
.LBB2_11:
0x45: {  	s31 =	sadd.s32 $0x20, s31  }
0x46: {  	p0 =	seq.s32 s31, $0x9C40  }
.Ltmp3:
0x47: {  	_ = 	snop;
	(pc) =	sbr.rel @p0 .LBB2_12-.Ltmp3, $2  }
0x48: {  	_ =	sdelay $0x2  }
0x49: {  	s28 =	sadd.s32 $0x10, s28;
	s29 =	sadd.s32 $0x10, s29;
	s30 =	sadd.s32 $0x10, s30  }
.LBB2_6:
0x4a: {  	v30 =	vld [tilespmem:s28+$0x0]  }
0x4b: {  	v31 =	vld [tilespmem:s29+$0x0];
	_ =	sdelay $0x4  }
0x4c: {  	v32 =	vsub.f32 v30, v4;
	v33 =	vsub.f32 v31, v5  }
0x4d: {  	v30 =	vsub.f32 v30, v16  }
0x4e: {  	v31 =	vsub.f32 v31, v17;
	v34 =	vmul.f32 v32, v7;
	v35 =	vmul.f32 v33, v8  }
0x4f: {  	v32 =	vmul.f32 v32, v8;
	v33 =	vmul.f32 v33, v7  }
0x50: {  	v37 =	vld [tilespmem:s30+$0x0];
	v61 =	vmul.f32 v30, v20;
	v62 =	vmul.f32 v31, v22  }
0x51: {  	v30 =	vmul.f32 v30, v22;
	v31 =	vmul.f32 v31, v20;
	v34 =	vsub.f32 v34, v35  }
0x52: {  	v32 =	vadd.f32 v33, v32  }
0x53: {  	v30 =	vadd.f32 v31, v30;
	v35 =	vadd.f32 v34, v13  }
0x54: {  	v36 =	vadd.f32 v32, v14;
	v32 =	vsub.f32 v61, v62  }
0x55: {  	v34 =	vsub.f32 v37, v6;
	vm0 =	vge.f32 v35, $0.0e+00;
	vm1 =	vlt.f32 v35, v9  }
0x56: {  	vm2 =	vge.f32 v36, $0.0e+00;
	vm3 =	vlt.f32 v36, v10;
	v31 =	vadd.f32 v32, v27  }
0x57: {  	v32 =	vadd.f32 v30, v28;
	vm0 =	vmand vm0, vm1;
	vm1 =	vmand vm2, vm3  }
0x58: {  	v30 =	vsub.f32 v37, v19;
	vm2 =	vlt.f32 v34, v11;
	vm0 =	vmand vm0, vm1  }
0x59: {  	vm1 =	vge.f32 v34, $0.0e+00;
	vm3 =	vge.f32 v31, $0.0e+00;
	vm4 =	vlt.f32 v31, v23  }
0x5a: {  	vm14 =	vge.f32 v32, $0.0e+00;
	vm5 =	vlt.f32 v32, v25;
	vm15 =	vge.f32 v30, $0.0e+00  }
0x5b: {  	vm6 =	vlt.f32 v30, v26;
	vm3 =	vmand vm3, vm4;
	vm4 =	vmand vm14, vm5  }
0x5c: {  	vm1 =	vmand vm1, vm2;
	vm2 =	vmand vm3, vm4;
	vm3 =	vmand vm15, vm6  }
0x5d: {  	vm1 =	vmand vm1, vm0;
	vm0 =	vmand vm3, vm2  }
0x5e: {  	vm2 =	vmor vm1, vm0  }
0x5f: {  	v63 =	vmpcnt.ones.xlane vm2;
	_ =	sdelay $0x1  }
0x60: {  	(v2sf) =	vpush v63, $0x0;
	_ =	sdelay $0xe  }
0x61: {  	s0 =	spop (v2sf)  }
0x62: {  	p0 =	slt.s32 s0, $0x1  }
.Ltmp4:
0x63: {  	_ = 	snop;
	(pc) =	sbr.rel @p0 .LBB2_11-.Ltmp4, $1  }
0x64: {  	_ =	sdelay $0x3  }
0x65: {  	v33 =	vmpcnt.ones.xlane vm1;
	_ =	sdelay $0x1  }
0x66: {  	(v2sf) =	vpush v33, $0x0;
	_ =	sdelay $0xe  }
0x67: {  	s0 =	spop (v2sf)  }
0x68: {  	p0 =	slt.s32 s0, $0x1  }
.Ltmp5:
0x69: {  	_ = 	snop;
	(pc) =	sbr.rel @p0 .LBB2_9-.Ltmp5, $1  }
0x6a: {  	_ =	sdelay $0x3  }
0x6b: {  	v33 =	vsel vm1, $0x1, v0  }
0x6c: {  	(v2sf) =	vpush v33, $0x0;
	_ =	sdelay $0x2  }
0x6d: {  	v35 =	vmul.f32 v35, v12;
	_ =	sdelay $0x1  }
0x6e: {  	v36 =	vmul.f32 v36, v15;
	v35 =	vtrunc.f32 v35  }
0x6f: {  	v35 =	vcvt.f32.s32 v35  }
0x70: {  	v36 =	vtrunc.f32 v36  }
0x71: {  	v34 =	vmul.f32 v34, v18;
	v36 =	vcvt.f32.s32 v36;
	vm2 =	vgt.s32 v35, $0x0  }
0x72: {  	v35 =	vnsel vm2, $0x0, v35  }
0x73: {  	v34 =	vtrunc.f32 v34;
	vm2 =	vgt.s32 v36, $0x0;
	v35 =	vmin.u32 v35, $0xB  }
0x74: {  	v34 =	vcvt.f32.s32 v34;
	v36 =	vnsel vm2, $0x0, v36;
	v35 =	vmul.u32 $0xC, v35  }
0x75: {  	v36 =	vmin.u32 v36, $0xB  }
0x76: {  	vm2 =	vgt.s32 v34, $0x0;
	v35 =	vadd.s32 v36, v35  }
0x77: {  	v34 =	vnsel vm2, $0x0, v34;
	v35 =	vmul.u32 $0xC, v35  }
0x78: {  	v34 =	vmin.u32 v34, $0xB;
	s0 =	spop (v2sf)  }
0x79: {  	v34 =	vadd.s32 v34, v35;
	p1 =	seq.s32 s0, $0x0  }
0x7a: {  	(v2sf) =	vpush @!p1 v34, $0x0;
	_ =	sdelay $0xc  }
0x7b: {  	[tilespmem:v34+s19+$0x0] =	vst.idx.msk vm1, v2;
	s0 =	sadd.s32 @!p1 s31, s5;
	s1 =	simm.s32 @!p1 $0x0;
	s2 =	simm.s32 @!p1 $0x1DC80  }
0x7c: {  	[tilespmem:s2], [sflag:$0x1] =	stream.linear.gather @!p1 [hbm4b:s0+s1], $0x10, $0x38;
	[tilespmem:$0x1E580] =	vst v63  }
0x7d: {  	s1 =	simm.s32 @!p1 $0x1;
	s0 =	spop @!p1 (v2sf)  }
0x7e: {  	_ =	swait.ge @!p1 [sflag:s1], $0x10  }
0x7f: {  	(v2sf) =	vpush v33, $0x1;
	_ =	sdelay $0xe  }
0x80: {  	s22 =	spop (v2sf)  }
0x81: {  	p0 =	seq.s32 s22, $0x0  }
0x82: {  	(v2sf) =	vpush @!p0 v34, $0x1;
	_ =	sdelay $0x3  }
0x83: {  	[sflag:s1] =	ssyncset.done @!p1 $0x0  }
0x84: {  	[sflag:s1] =	ssyncadd.s32 @!p1 $0xFFFFFFF0  }
0x85: {  	s0 =	sshll.u32 @!p1 s0, $0x4;
	v35 =	vld @!p1 [tilespmem:$0x1DC80]  }
0x86: {  	v36 =	vld @!p1 [tilespmem:s0+$0xEF80];
	_ =	sdelay $0x4  }
0x87: {  	v35 =	vmax.f32 @!p1 v36, v35;
	s1 =	sadd.s32 @!p0 s31, s5  }
0x88: {  	[tilespmem:s0+$0xEF80] =	vst @!p1 v35;
	s2 =	simm.s32 @!p0 $0x1DC80;
	s0 =	sadd.s32 @!p0 $0x2, s1;
	s1 =	simm.s32 @!p0 $0x0  }
0x89: {  	[tilespmem:s2], [sflag:$0x1] =	stream.linear.gather @!p0 [hbm4b:s0+s1], $0x10, $0x38;
	[tilespmem:$0x1E580] =	vst v63  }
0x8a: {  	s1 =	simm.s32 @!p0 $0x1;
	s0 =	spop @!p0 (v2sf)  }
0x8b: {  	_ =	swait.ge @!p0 [sflag:s1], $0x10  }
0x8c: {  	(v2sf) =	vpush v33, $0x2;
	_ =	sdelay $0xe  }
0x8d: {  	s23 =	spop (v2sf)  }
0x8e: {  	p1 =	seq.s32 s23, $0x0  }
0x8f: {  	(v2sf) =	vpush @!p1 v34, $0x2;
	_ =	sdelay $0x3  }
0x90: {  	[sflag:s1] =	ssyncset.done @!p0 $0x0  }
0x91: {  	[sflag:s1] =	ssyncadd.s32 @!p0 $0xFFFFFFF0  }
0x92: {  	s0 =	sshll.u32 @!p0 s0, $0x4;
	v35 =	vld @!p0 [tilespmem:$0x1DC80]  }
0x93: {  	v36 =	vld @!p0 [tilespmem:s0+$0xEF80];
	_ =	sdelay $0x4  }
0x94: {  	v35 =	vmax.f32 @!p0 v36, v35;
	s1 =	sadd.s32 @!p1 s31, s5  }
0x95: {  	[tilespmem:s0+$0xEF80] =	vst @!p0 v35;
	s2 =	simm.s32 @!p1 $0x1DC80;
	s0 =	sadd.s32 @!p1 $0x4, s1;
	s1 =	simm.s32 @!p1 $0x0  }
0x96: {  	[tilespmem:s2], [sflag:$0x1] =	stream.linear.gather @!p1 [hbm4b:s0+s1], $0x10, $0x38;
	[tilespmem:$0x1E580] =	vst v63  }
0x97: {  	s1 =	simm.s32 @!p1 $0x1;
	s0 =	spop @!p1 (v2sf)  }
0x98: {  	_ =	swait.ge @!p1 [sflag:s1], $0x10  }
0x99: {  	(v2sf) =	vpush v33, $0x3;
	_ =	sdelay $0xe  }
0x9a: {  	s24 =	spop (v2sf)  }
0x9b: {  	p0 =	seq.s32 s24, $0x0  }
0x9c: {  	(v2sf) =	vpush @!p0 v34, $0x3;
	_ =	sdelay $0x3  }
0x9d: {  	[sflag:s1] =	ssyncset.done @!p1 $0x0  }
0x9e: {  	[sflag:s1] =	ssyncadd.s32 @!p1 $0xFFFFFFF0  }
0x9f: {  	s0 =	sshll.u32 @!p1 s0, $0x4;
	v35 =	vld @!p1 [tilespmem:$0x1DC80]  }
0xa0: {  	v36 =	vld @!p1 [tilespmem:s0+$0xEF80];
	_ =	sdelay $0x4  }
0xa1: {  	v35 =	vmax.f32 @!p1 v36, v35;
	s1 =	sadd.s32 @!p0 s31, s5  }
0xa2: {  	[tilespmem:s0+$0xEF80] =	vst @!p1 v35;
	s2 =	simm.s32 @!p0 $0x1DC80;
	s0 =	sadd.s32 @!p0 $0x6, s1;
	s1 =	simm.s32 @!p0 $0x0  }
0xa3: {  	[tilespmem:s2], [sflag:$0x1] =	stream.linear.gather @!p0 [hbm4b:s0+s1], $0x10, $0x38;
	[tilespmem:$0x1E580] =	vst v63  }
0xa4: {  	s1 =	simm.s32 @!p0 $0x1;
	s0 =	spop @!p0 (v2sf)  }
0xa5: {  	_ =	swait.ge @!p0 [sflag:s1], $0x10  }
0xa6: {  	(v2sf) =	vpush v33, $0x4;
	_ =	sdelay $0xe  }
0xa7: {  	s25 =	spop (v2sf)  }
0xa8: {  	p1 =	seq.s32 s25, $0x0  }
0xa9: {  	(v2sf) =	vpush @!p1 v34, $0x4;
	_ =	sdelay $0x3  }
0xaa: {  	[sflag:s1] =	ssyncset.done @!p0 $0x0  }
0xab: {  	[sflag:s1] =	ssyncadd.s32 @!p0 $0xFFFFFFF0  }
0xac: {  	s0 =	sshll.u32 @!p0 s0, $0x4;
	v35 =	vld @!p0 [tilespmem:$0x1DC80]  }
0xad: {  	v36 =	vld @!p0 [tilespmem:s0+$0xEF80];
	_ =	sdelay $0x4  }
0xae: {  	v35 =	vmax.f32 @!p0 v36, v35;
	s1 =	sadd.s32 @!p1 s31, s5  }
0xaf: {  	[tilespmem:s0+$0xEF80] =	vst @!p0 v35;
	s2 =	simm.s32 @!p1 $0x1DC80;
	s0 =	sadd.s32 @!p1 $0x8, s1;
	s1 =	simm.s32 @!p1 $0x0  }
0xb0: {  	[tilespmem:s2], [sflag:$0x1] =	stream.linear.gather @!p1 [hbm4b:s0+s1], $0x10, $0x38;
	[tilespmem:$0x1E580] =	vst v63  }
0xb1: {  	s1 =	simm.s32 @!p1 $0x1;
	s0 =	spop @!p1 (v2sf)  }
0xb2: {  	_ =	swait.ge @!p1 [sflag:s1], $0x10  }
0xb3: {  	(v2sf) =	vpush v33, $0x5;
	_ =	sdelay $0xe  }
0xb4: {  	s3 =	spop (v2sf)  }
0xb5: {  	p0 =	seq.s32 s3, $0x0  }
0xb6: {  	(v2sf) =	vpush @!p0 v34, $0x5;
	_ =	sdelay $0x3  }
0xb7: {  	[sflag:s1] =	ssyncset.done @!p1 $0x0  }
0xb8: {  	[sflag:s1] =	ssyncadd.s32 @!p1 $0xFFFFFFF0  }
0xb9: {  	s0 =	sshll.u32 @!p1 s0, $0x4;
	v35 =	vld @!p1 [tilespmem:$0x1DC80]  }
0xba: {  	v36 =	vld @!p1 [tilespmem:s0+$0xEF80];
	_ =	sdelay $0x4  }
0xbb: {  	v35 =	vmax.f32 @!p1 v36, v35;
	s1 =	sadd.s32 @!p0 s31, s5  }
0xbc: {  	[tilespmem:s0+$0xEF80] =	vst @!p1 v35;
	s2 =	simm.s32 @!p0 $0x1DC80;
	s0 =	sadd.s32 @!p0 $0xA, s1;
	s1 =	simm.s32 @!p0 $0x0  }
0xbd: {  	[tilespmem:s2], [sflag:$0x1] =	stream.linear.gather @!p0 [hbm4b:s0+s1], $0x10, $0x38;
	[tilespmem:$0x1E580] =	vst v63  }
0xbe: {  	s1 =	simm.s32 @!p0 $0x1;
	s0 =	spop @!p0 (v2sf)  }
0xbf: {  	_ =	swait.ge @!p0 [sflag:s1], $0x10  }
0xc0: {  	(v2sf) =	vpush v33, $0x6;
	_ =	sdelay $0xe  }
0xc1: {  	s4 =	spop (v2sf)  }
0xc2: {  	p1 =	seq.s32 s4, $0x0  }
0xc3: {  	(v2sf) =	vpush @!p1 v34, $0x6;
	_ =	sdelay $0x3  }
0xc4: {  	[sflag:s1] =	ssyncset.done @!p0 $0x0  }
0xc5: {  	[sflag:s1] =	ssyncadd.s32 @!p0 $0xFFFFFFF0  }
0xc6: {  	s0 =	sshll.u32 @!p0 s0, $0x4;
	v35 =	vld @!p0 [tilespmem:$0x1DC80]  }
0xc7: {  	v36 =	vld @!p0 [tilespmem:s0+$0xEF80];
	_ =	sdelay $0x4  }
0xc8: {  	v35 =	vmax.f32 @!p0 v36, v35;
	s1 =	sadd.s32 @!p1 s31, s5  }
0xc9: {  	[tilespmem:s0+$0xEF80] =	vst @!p0 v35;
	s2 =	simm.s32 @!p1 $0x1DC80;
	s0 =	sadd.s32 @!p1 $0xC, s1;
	s1 =	simm.s32 @!p1 $0x0  }
0xca: {  	[tilespmem:s2], [sflag:$0x1] =	stream.linear.gather @!p1 [hbm4b:s0+s1], $0x10, $0x38;
	[tilespmem:$0x1E580] =	vst v63  }
0xcb: {  	s1 =	simm.s32 @!p1 $0x1;
	s0 =	spop @!p1 (v2sf)  }
0xcc: {  	_ =	swait.ge @!p1 [sflag:s1], $0x10  }
0xcd: {  	(v2sf) =	vpush v33, $0x7;
	_ =	sdelay $0xe  }
0xce: {  	s6 =	spop (v2sf)  }
0xcf: {  	p0 =	seq.s32 s6, $0x0  }
0xd0: {  	(v2sf) =	vpush @!p0 v34, $0x7;
	_ =	sdelay $0x3  }
0xd1: {  	[sflag:s1] =	ssyncset.done @!p1 $0x0  }
0xd2: {  	[sflag:s1] =	ssyncadd.s32 @!p1 $0xFFFFFFF0  }
0xd3: {  	s0 =	sshll.u32 @!p1 s0, $0x4;
	v35 =	vld @!p1 [tilespmem:$0x1DC80]  }
0xd4: {  	v36 =	vld @!p1 [tilespmem:s0+$0xEF80];
	_ =	sdelay $0x4  }
0xd5: {  	v35 =	vmax.f32 @!p1 v36, v35;
	s1 =	sadd.s32 @!p0 s31, s5  }
0xd6: {  	[tilespmem:s0+$0xEF80] =	vst @!p1 v35;
	s2 =	simm.s32 @!p0 $0x1DC80;
	s0 =	sadd.s32 @!p0 $0xE, s1;
	s1 =	simm.s32 @!p0 $0x0  }
0xd7: {  	[tilespmem:s2], [sflag:$0x1] =	stream.linear.gather @!p0 [hbm4b:s0+s1], $0x10, $0x38;
	[tilespmem:$0x1E580] =	vst v63  }
0xd8: {  	s1 =	simm.s32 @!p0 $0x1;
	s0 =	spop @!p0 (v2sf)  }
0xd9: {  	_ =	swait.ge @!p0 [sflag:s1], $0x10  }
0xda: {  	(v2sf) =	vpush v33, $0x8;
	_ =	sdelay $0xe  }
0xdb: {  	s8 =	spop (v2sf)  }
0xdc: {  	p1 =	seq.s32 s8, $0x0  }
0xdd: {  	(v2sf) =	vpush @!p1 v34, $0x8;
	_ =	sdelay $0x3  }
0xde: {  	[sflag:s1] =	ssyncset.done @!p0 $0x0  }
0xdf: {  	[sflag:s1] =	ssyncadd.s32 @!p0 $0xFFFFFFF0  }
0xe0: {  	s0 =	sshll.u32 @!p0 s0, $0x4;
	v35 =	vld @!p0 [tilespmem:$0x1DC80]  }
0xe1: {  	v36 =	vld @!p0 [tilespmem:s0+$0xEF80];
	_ =	sdelay $0x4  }
0xe2: {  	v35 =	vmax.f32 @!p0 v36, v35;
	s1 =	sadd.s32 @!p1 s31, s5  }
0xe3: {  	[tilespmem:s0+$0xEF80] =	vst @!p0 v35;
	s2 =	simm.s32 @!p1 $0x1DC80;
	s0 =	sadd.s32 @!p1 $0x10, s1;
	s1 =	simm.s32 @!p1 $0x0  }
0xe4: {  	[tilespmem:s2], [sflag:$0x1] =	stream.linear.gather @!p1 [hbm4b:s0+s1], $0x10, $0x38;
	[tilespmem:$0x1E580] =	vst v63  }
0xe5: {  	s1 =	simm.s32 @!p1 $0x1;
	s0 =	spop @!p1 (v2sf)  }
0xe6: {  	_ =	swait.ge @!p1 [sflag:s1], $0x10  }
0xe7: {  	(v2sf) =	vpush v33, $0x9;
	_ =	sdelay $0xe  }
0xe8: {  	s14 =	spop (v2sf)  }
0xe9: {  	p0 =	seq.s32 s14, $0x0  }
0xea: {  	(v2sf) =	vpush @!p0 v34, $0x9;
	_ =	sdelay $0x3  }
0xeb: {  	[sflag:s1] =	ssyncset.done @!p1 $0x0  }
0xec: {  	[sflag:s1] =	ssyncadd.s32 @!p1 $0xFFFFFFF0  }
0xed: {  	s0 =	sshll.u32 @!p1 s0, $0x4;
	v35 =	vld @!p1 [tilespmem:$0x1DC80]  }
0xee: {  	v36 =	vld @!p1 [tilespmem:s0+$0xEF80];
	_ =	sdelay $0x4  }
0xef: {  	v35 =	vmax.f32 @!p1 v36, v35;
	s1 =	sadd.s32 @!p0 s31, s5  }
0xf0: {  	[tilespmem:s0+$0xEF80] =	vst @!p1 v35;
	s2 =	simm.s32 @!p0 $0x1DC80;
	s0 =	sadd.s32 @!p0 $0x12, s1;
	s1 =	simm.s32 @!p0 $0x0  }
0xf1: {  	[tilespmem:s2], [sflag:$0x1] =	stream.linear.gather @!p0 [hbm4b:s0+s1], $0x10, $0x38;
	[tilespmem:$0x1E580] =	vst v63  }
0xf2: {  	s1 =	simm.s32 @!p0 $0x1;
	s0 =	spop @!p0 (v2sf)  }
0xf3: {  	_ =	swait.ge @!p0 [sflag:s1], $0x10  }
0xf4: {  	(v2sf) =	vpush v33, $0xA;
	_ =	sdelay $0xe  }
0xf5: {  	s15 =	spop (v2sf)  }
0xf6: {  	p1 =	seq.s32 s15, $0x0  }
0xf7: {  	(v2sf) =	vpush @!p1 v34, $0xA;
	_ =	sdelay $0x3  }
0xf8: {  	[sflag:s1] =	ssyncset.done @!p0 $0x0  }
0xf9: {  	[sflag:s1] =	ssyncadd.s32 @!p0 $0xFFFFFFF0  }
0xfa: {  	s0 =	sshll.u32 @!p0 s0, $0x4;
	v35 =	vld @!p0 [tilespmem:$0x1DC80]  }
0xfb: {  	v36 =	vld @!p0 [tilespmem:s0+$0xEF80];
	_ =	sdelay $0x4  }
0xfc: {  	v35 =	vmax.f32 @!p0 v36, v35;
	s1 =	sadd.s32 @!p1 s31, s5  }
0xfd: {  	[tilespmem:s0+$0xEF80] =	vst @!p0 v35;
	s2 =	simm.s32 @!p1 $0x1DC80;
	s0 =	sadd.s32 @!p1 $0x14, s1;
	s1 =	simm.s32 @!p1 $0x0  }
0xfe: {  	[tilespmem:s2], [sflag:$0x1] =	stream.linear.gather @!p1 [hbm4b:s0+s1], $0x10, $0x38;
	[tilespmem:$0x1E580] =	vst v63  }
0xff: {  	s1 =	simm.s32 @!p1 $0x1;
	s0 =	spop @!p1 (v2sf)  }
0x100: {  	_ =	swait.ge @!p1 [sflag:s1], $0x10  }
0x101: {  	(v2sf) =	vpush v33, $0xB;
	_ =	sdelay $0xe  }
0x102: {  	s16 =	spop (v2sf)  }
0x103: {  	p0 =	seq.s32 s16, $0x0  }
0x104: {  	(v2sf) =	vpush @!p0 v34, $0xB;
	_ =	sdelay $0x3  }
0x105: {  	[sflag:s1] =	ssyncset.done @!p1 $0x0  }
0x106: {  	[sflag:s1] =	ssyncadd.s32 @!p1 $0xFFFFFFF0  }
0x107: {  	s0 =	sshll.u32 @!p1 s0, $0x4;
	v35 =	vld @!p1 [tilespmem:$0x1DC80]  }
0x108: {  	v36 =	vld @!p1 [tilespmem:s0+$0xEF80];
	_ =	sdelay $0x4  }
0x109: {  	v35 =	vmax.f32 @!p1 v36, v35;
	s1 =	sadd.s32 @!p0 s31, s5  }
0x10a: {  	[tilespmem:s0+$0xEF80] =	vst @!p1 v35;
	s2 =	simm.s32 @!p0 $0x1DC80;
	s0 =	sadd.s32 @!p0 $0x16, s1;
	s1 =	simm.s32 @!p0 $0x0  }
0x10b: {  	[tilespmem:s2], [sflag:$0x1] =	stream.linear.gather @!p0 [hbm4b:s0+s1], $0x10, $0x38;
	[tilespmem:$0x1E580] =	vst v63  }
0x10c: {  	s1 =	simm.s32 @!p0 $0x1;
	s0 =	spop @!p0 (v2sf)  }
0x10d: {  	_ =	swait.ge @!p0 [sflag:s1], $0x10  }
0x10e: {  	(v2sf) =	vpush v33, $0xC;
	_ =	sdelay $0xe  }
0x10f: {  	s22 =	spop (v2sf)  }
0x110: {  	p1 =	seq.s32 s22, $0x0  }
0x111: {  	(v2sf) =	vpush @!p1 v34, $0xC;
	_ =	sdelay $0x3  }
0x112: {  	[sflag:s1] =	ssyncset.done @!p0 $0x0  }
0x113: {  	[sflag:s1] =	ssyncadd.s32 @!p0 $0xFFFFFFF0  }
0x114: {  	s0 =	sshll.u32 @!p0 s0, $0x4;
	v35 =	vld @!p0 [tilespmem:$0x1DC80]  }
0x115: {  	v36 =	vld @!p0 [tilespmem:s0+$0xEF80];
	_ =	sdelay $0x4  }
0x116: {  	v35 =	vmax.f32 @!p0 v36, v35;
	s1 =	sadd.s32 @!p1 s31, s5  }
0x117: {  	[tilespmem:s0+$0xEF80] =	vst @!p0 v35;
	s2 =	simm.s32 @!p1 $0x1DC80;
	s0 =	sadd.s32 @!p1 $0x18, s1;
	s1 =	simm.s32 @!p1 $0x0  }
0x118: {  	[tilespmem:s2], [sflag:$0x1] =	stream.linear.gather @!p1 [hbm4b:s0+s1], $0x10, $0x38;
	[tilespmem:$0x1E580] =	vst v63  }
0x119: {  	s1 =	simm.s32 @!p1 $0x1;
	s0 =	spop @!p1 (v2sf)  }
0x11a: {  	_ =	swait.ge @!p1 [sflag:s1], $0x10  }
0x11b: {  	(v2sf) =	vpush v33, $0xD;
	_ =	sdelay $0xe  }
0x11c: {  	s23 =	spop (v2sf)  }
0x11d: {  	p0 =	seq.s32 s23, $0x0  }
0x11e: {  	(v2sf) =	vpush @!p0 v34, $0xD;
	_ =	sdelay $0x3  }
0x11f: {  	[sflag:s1] =	ssyncset.done @!p1 $0x0  }
0x120: {  	[sflag:s1] =	ssyncadd.s32 @!p1 $0xFFFFFFF0  }
0x121: {  	s0 =	sshll.u32 @!p1 s0, $0x4;
	v35 =	vld @!p1 [tilespmem:$0x1DC80]  }
0x122: {  	v36 =	vld @!p1 [tilespmem:s0+$0xEF80];
	_ =	sdelay $0x4  }
0x123: {  	v35 =	vmax.f32 @!p1 v36, v35;
	s1 =	sadd.s32 @!p0 s31, s5  }
0x124: {  	[tilespmem:s0+$0xEF80] =	vst @!p1 v35;
	s2 =	simm.s32 @!p0 $0x1DC80;
	s0 =	sadd.s32 @!p0 $0x1A, s1;
	s1 =	simm.s32 @!p0 $0x0  }
0x125: {  	[tilespmem:s2], [sflag:$0x1] =	stream.linear.gather @!p0 [hbm4b:s0+s1], $0x10, $0x38;
	[tilespmem:$0x1E580] =	vst v63  }
0x126: {  	s1 =	simm.s32 @!p0 $0x1;
	s0 =	spop @!p0 (v2sf)  }
0x127: {  	_ =	swait.ge @!p0 [sflag:s1], $0x10  }
0x128: {  	(v2sf) =	vpush v33, $0xE;
	_ =	sdelay $0xe  }
0x129: {  	s24 =	spop (v2sf)  }
0x12a: {  	p1 =	seq.s32 s24, $0x0  }
0x12b: {  	(v2sf) =	vpush @!p1 v34, $0xE;
	_ =	sdelay $0x3  }
0x12c: {  	[sflag:s1] =	ssyncset.done @!p0 $0x0  }
0x12d: {  	[sflag:s1] =	ssyncadd.s32 @!p0 $0xFFFFFFF0  }
0x12e: {  	s0 =	sshll.u32 @!p0 s0, $0x4;
	v35 =	vld @!p0 [tilespmem:$0x1DC80]  }
0x12f: {  	v36 =	vld @!p0 [tilespmem:s0+$0xEF80];
	_ =	sdelay $0x4  }
0x130: {  	v35 =	vmax.f32 @!p0 v36, v35;
	s1 =	sadd.s32 @!p1 s31, s5  }
0x131: {  	[tilespmem:s0+$0xEF80] =	vst @!p0 v35;
	s2 =	simm.s32 @!p1 $0x1DC80;
	s0 =	sadd.s32 @!p1 $0x1C, s1;
	s1 =	simm.s32 @!p1 $0x0  }
0x132: {  	[tilespmem:s2], [sflag:$0x1] =	stream.linear.gather @!p1 [hbm4b:s0+s1], $0x10, $0x38;
	[tilespmem:$0x1E580] =	vst v63  }
0x133: {  	s1 =	simm.s32 @!p1 $0x1;
	s0 =	spop @!p1 (v2sf)  }
0x134: {  	_ =	swait.ge @!p1 [sflag:s1], $0x10  }
0x135: {  	(v2sf) =	vpush v33, $0xF;
	_ =	sdelay $0xe  }
0x136: {  	s25 =	spop (v2sf)  }
0x137: {  	p0 =	seq.s32 s25, $0x0  }
0x138: {  	(v2sf) =	vpush @!p0 v34, $0xF;
	_ =	sdelay $0x3  }
0x139: {  	[sflag:s1] =	ssyncset.done @!p1 $0x0  }
0x13a: {  	[sflag:s1] =	ssyncadd.s32 @!p1 $0xFFFFFFF0  }
0x13b: {  	s0 =	sshll.u32 @!p1 s0, $0x4;
	v33 =	vld @!p1 [tilespmem:$0x1DC80]  }
0x13c: {  	v34 =	vld @!p1 [tilespmem:s0+$0xEF80];
	_ =	sdelay $0x4  }
0x13d: {  	s1 =	sadd.s32 @!p0 s31, s5;
	v33 =	vmax.f32 @!p1 v34, v33  }
0x13e: {  	s2 =	simm.s32 @!p0 $0x1DC80;
	[tilespmem:s0+$0xEF80] =	vst @!p1 v33;
	s0 =	sadd.s32 @!p0 $0x1E, s1;
	s1 =	simm.s32 @!p0 $0x0  }
0x13f: {  	[tilespmem:s2], [sflag:$0x1] =	stream.linear.gather @!p0 [hbm4b:s0+s1], $0x10, $0x38;
	[tilespmem:$0x1E580] =	vst v63  }
0x140: {  	s1 =	simm.s32 @!p0 $0x1;
	s0 =	spop @!p0 (v2sf)  }
0x141: {  	_ =	swait.ge @!p0 [sflag:s1], $0x10  }
0x142: {  	[sflag:s1] =	ssyncset.done @!p0 $0x0  }
0x143: {  	[sflag:s1] =	ssyncadd.s32 @!p0 $0xFFFFFFF0  }
0x144: {  	s0 =	sshll.u32 @!p0 s0, $0x4;
	v33 =	vld @!p0 [tilespmem:$0x1DC80]  }
0x145: {  	v34 =	vld @!p0 [tilespmem:s0+$0xEF80];
	_ =	sdelay $0x4  }
0x146: {  	v33 =	vmax.f32 @!p0 v34, v33  }
0x147: {  	[tilespmem:s0+$0xEF80] =	vst @!p0 v33  }
.LBB2_9:
0x148: {  	v33 =	vmpcnt.ones.xlane vm0;
	_ =	sdelay $0x1  }
0x149: {  	(v2sf) =	vpush v33, $0x0;
	_ =	sdelay $0xe  }
0x14a: {  	s0 =	spop (v2sf)  }
0x14b: {  	p0 =	slt.s32 s0, $0x1  }
.Ltmp6:
0x14c: {  	_ = 	snop;
	(pc) =	sbr.rel @p0 .LBB2_11-.Ltmp6, $1  }
0x14d: {  	_ =	sdelay $0x3  }
0x14e: {  	v33 =	vsel vm0, $0x1, v0  }
0x14f: {  	(v2sf) =	vpush v33, $0x0;
	_ =	sdelay $0x2  }
0x150: {  	v31 =	vmul.f32 v31, v21;
	_ =	sdelay $0x1  }
0x151: {  	v32 =	vmul.f32 v32, v24;
	v31 =	vtrunc.f32 v31  }
0x152: {  	v31 =	vcvt.f32.s32 v31  }
0x153: {  	v32 =	vtrunc.f32 v32  }
0x154: {  	v30 =	vmul.f32 v30, v29;
	v32 =	vcvt.f32.s32 v32;
	vm1 =	vgt.s32 v31, $0x0  }
0x155: {  	v31 =	vnsel vm1, $0x0, v31  }
0x156: {  	v30 =	vtrunc.f32 v30;
	vm14 =	vgt.s32 v32, $0x0;
	v31 =	vmin.u32 v31, $0xB  }
0x157: {  	v30 =	vcvt.f32.s32 v30;
	v32 =	vnsel vm14, $0x0, v32;
	v31 =	vmul.u32 $0xC, v31  }
0x158: {  	v32 =	vmin.u32 v32, $0xB  }
0x159: {  	vm15 =	vgt.s32 v30, $0x0;
	v31 =	vadd.s32 v32, v31  }
0x15a: {  	v30 =	vnsel vm15, $0x0, v30;
	v31 =	vmul.u32 $0xC, v31  }
0x15b: {  	v30 =	vmin.u32 v30, $0xB;
	s0 =	spop (v2sf)  }
0x15c: {  	v30 =	vadd.s32 v30, v31;
	p1 =	seq.s32 s0, $0x0  }
0x15d: {  	(v2sf) =	vpush @!p1 v30, $0x0;
	_ =	sdelay $0xc  }
0x15e: {  	[tilespmem:v30+s20+$0x0] =	vst.idx.msk vm0, v2;
	s0 =	sadd.s32 @!p1 s31, s5;
	s1 =	simm.s32 @!p1 $0x0;
	s2 =	simm.s32 @!p1 $0x1DC80  }
0x15f: {  	[tilespmem:s2], [sflag:$0x1] =	stream.linear.gather @!p1 [hbm4b:s0+s1], $0x10, $0x38;
	[tilespmem:$0x1E580] =	vst v63  }
0x160: {  	s1 =	simm.s32 @!p1 $0x1;
	s0 =	spop @!p1 (v2sf)  }
0x161: {  	_ =	swait.ge @!p1 [sflag:s1], $0x10  }
0x162: {  	(v2sf) =	vpush v33, $0x1;
	_ =	sdelay $0xe  }
0x163: {  	s22 =	spop (v2sf)  }
0x164: {  	p0 =	seq.s32 s22, $0x0  }
0x165: {  	(v2sf) =	vpush @!p0 v30, $0x1;
	_ =	sdelay $0x3  }
0x166: {  	[sflag:s1] =	ssyncset.done @!p1 $0x0  }
0x167: {  	[sflag:s1] =	ssyncadd.s32 @!p1 $0xFFFFFFF0  }
0x168: {  	s0 =	sshll.u32 @!p1 s0, $0x4;
	v31 =	vld @!p1 [tilespmem:$0x1DC80]  }
0x169: {  	v32 =	vld @!p1 [tilespmem:s0+$0x15B80];
	_ =	sdelay $0x4  }
0x16a: {  	v31 =	vmax.f32 @!p1 v32, v31;
	s1 =	sadd.s32 @!p0 s31, s5  }
0x16b: {  	[tilespmem:s0+$0x15B80] =	vst @!p1 v31;
	s2 =	simm.s32 @!p0 $0x1DC80;
	s0 =	sadd.s32 @!p0 $0x2, s1;
	s1 =	simm.s32 @!p0 $0x0  }
0x16c: {  	[tilespmem:s2], [sflag:$0x1] =	stream.linear.gather @!p0 [hbm4b:s0+s1], $0x10, $0x38;
	[tilespmem:$0x1E580] =	vst v63  }
0x16d: {  	s1 =	simm.s32 @!p0 $0x1;
	s0 =	spop @!p0 (v2sf)  }
0x16e: {  	_ =	swait.ge @!p0 [sflag:s1], $0x10  }
0x16f: {  	(v2sf) =	vpush v33, $0x2;
	_ =	sdelay $0xe  }
0x170: {  	s23 =	spop (v2sf)  }
0x171: {  	p1 =	seq.s32 s23, $0x0  }
0x172: {  	(v2sf) =	vpush @!p1 v30, $0x2;
	_ =	sdelay $0x3  }
0x173: {  	[sflag:s1] =	ssyncset.done @!p0 $0x0  }
0x174: {  	[sflag:s1] =	ssyncadd.s32 @!p0 $0xFFFFFFF0  }
0x175: {  	s0 =	sshll.u32 @!p0 s0, $0x4;
	v31 =	vld @!p0 [tilespmem:$0x1DC80]  }
0x176: {  	v32 =	vld @!p0 [tilespmem:s0+$0x15B80];
	_ =	sdelay $0x4  }
0x177: {  	v31 =	vmax.f32 @!p0 v32, v31;
	s1 =	sadd.s32 @!p1 s31, s5  }
0x178: {  	[tilespmem:s0+$0x15B80] =	vst @!p0 v31;
	s2 =	simm.s32 @!p1 $0x1DC80;
	s0 =	sadd.s32 @!p1 $0x4, s1;
	s1 =	simm.s32 @!p1 $0x0  }
0x179: {  	[tilespmem:s2], [sflag:$0x1] =	stream.linear.gather @!p1 [hbm4b:s0+s1], $0x10, $0x38;
	[tilespmem:$0x1E580] =	vst v63  }
0x17a: {  	s1 =	simm.s32 @!p1 $0x1;
	s0 =	spop @!p1 (v2sf)  }
0x17b: {  	_ =	swait.ge @!p1 [sflag:s1], $0x10  }
0x17c: {  	(v2sf) =	vpush v33, $0x3;
	_ =	sdelay $0xe  }
0x17d: {  	s24 =	spop (v2sf)  }
0x17e: {  	p0 =	seq.s32 s24, $0x0  }
0x17f: {  	(v2sf) =	vpush @!p0 v30, $0x3;
	_ =	sdelay $0x3  }
0x180: {  	[sflag:s1] =	ssyncset.done @!p1 $0x0  }
0x181: {  	[sflag:s1] =	ssyncadd.s32 @!p1 $0xFFFFFFF0  }
0x182: {  	s0 =	sshll.u32 @!p1 s0, $0x4;
	v31 =	vld @!p1 [tilespmem:$0x1DC80]  }
0x183: {  	v32 =	vld @!p1 [tilespmem:s0+$0x15B80];
	_ =	sdelay $0x4  }
0x184: {  	v31 =	vmax.f32 @!p1 v32, v31;
	s1 =	sadd.s32 @!p0 s31, s5  }
0x185: {  	[tilespmem:s0+$0x15B80] =	vst @!p1 v31;
	s2 =	simm.s32 @!p0 $0x1DC80;
	s0 =	sadd.s32 @!p0 $0x6, s1;
	s1 =	simm.s32 @!p0 $0x0  }
0x186: {  	[tilespmem:s2], [sflag:$0x1] =	stream.linear.gather @!p0 [hbm4b:s0+s1], $0x10, $0x38;
	[tilespmem:$0x1E580] =	vst v63  }
0x187: {  	s1 =	simm.s32 @!p0 $0x1;
	s0 =	spop @!p0 (v2sf)  }
0x188: {  	_ =	swait.ge @!p0 [sflag:s1], $0x10  }
0x189: {  	(v2sf) =	vpush v33, $0x4;
	_ =	sdelay $0xe  }
0x18a: {  	s25 =	spop (v2sf)  }
0x18b: {  	p1 =	seq.s32 s25, $0x0  }
0x18c: {  	(v2sf) =	vpush @!p1 v30, $0x4;
	_ =	sdelay $0x3  }
0x18d: {  	[sflag:s1] =	ssyncset.done @!p0 $0x0  }
0x18e: {  	[sflag:s1] =	ssyncadd.s32 @!p0 $0xFFFFFFF0  }
0x18f: {  	s0 =	sshll.u32 @!p0 s0, $0x4;
	v31 =	vld @!p0 [tilespmem:$0x1DC80]  }
0x190: {  	v32 =	vld @!p0 [tilespmem:s0+$0x15B80];
	_ =	sdelay $0x4  }
0x191: {  	v31 =	vmax.f32 @!p0 v32, v31;
	s1 =	sadd.s32 @!p1 s31, s5  }
0x192: {  	[tilespmem:s0+$0x15B80] =	vst @!p0 v31;
	s2 =	simm.s32 @!p1 $0x1DC80;
	s0 =	sadd.s32 @!p1 $0x8, s1;
	s1 =	simm.s32 @!p1 $0x0  }
0x193: {  	[tilespmem:s2], [sflag:$0x1] =	stream.linear.gather @!p1 [hbm4b:s0+s1], $0x10, $0x38;
	[tilespmem:$0x1E580] =	vst v63  }
0x194: {  	s1 =	simm.s32 @!p1 $0x1;
	s0 =	spop @!p1 (v2sf)  }
0x195: {  	_ =	swait.ge @!p1 [sflag:s1], $0x10  }
0x196: {  	(v2sf) =	vpush v33, $0x5;
	_ =	sdelay $0xe  }
0x197: {  	s3 =	spop (v2sf)  }
0x198: {  	p0 =	seq.s32 s3, $0x0  }
0x199: {  	(v2sf) =	vpush @!p0 v30, $0x5;
	_ =	sdelay $0x3  }
0x19a: {  	[sflag:s1] =	ssyncset.done @!p1 $0x0  }
0x19b: {  	[sflag:s1] =	ssyncadd.s32 @!p1 $0xFFFFFFF0  }
0x19c: {  	s0 =	sshll.u32 @!p1 s0, $0x4;
	v31 =	vld @!p1 [tilespmem:$0x1DC80]  }
0x19d: {  	v32 =	vld @!p1 [tilespmem:s0+$0x15B80];
	_ =	sdelay $0x4  }
0x19e: {  	v31 =	vmax.f32 @!p1 v32, v31;
	s1 =	sadd.s32 @!p0 s31, s5  }
0x19f: {  	[tilespmem:s0+$0x15B80] =	vst @!p1 v31;
	s2 =	simm.s32 @!p0 $0x1DC80;
	s0 =	sadd.s32 @!p0 $0xA, s1;
	s1 =	simm.s32 @!p0 $0x0  }
0x1a0: {  	[tilespmem:s2], [sflag:$0x1] =	stream.linear.gather @!p0 [hbm4b:s0+s1], $0x10, $0x38;
	[tilespmem:$0x1E580] =	vst v63  }
0x1a1: {  	s1 =	simm.s32 @!p0 $0x1;
	s0 =	spop @!p0 (v2sf)  }
0x1a2: {  	_ =	swait.ge @!p0 [sflag:s1], $0x10  }
0x1a3: {  	(v2sf) =	vpush v33, $0x6;
	_ =	sdelay $0xe  }
0x1a4: {  	s4 =	spop (v2sf)  }
0x1a5: {  	p1 =	seq.s32 s4, $0x0  }
0x1a6: {  	(v2sf) =	vpush @!p1 v30, $0x6;
	_ =	sdelay $0x3  }
0x1a7: {  	[sflag:s1] =	ssyncset.done @!p0 $0x0  }
0x1a8: {  	[sflag:s1] =	ssyncadd.s32 @!p0 $0xFFFFFFF0  }
0x1a9: {  	s0 =	sshll.u32 @!p0 s0, $0x4;
	v31 =	vld @!p0 [tilespmem:$0x1DC80]  }
0x1aa: {  	v32 =	vld @!p0 [tilespmem:s0+$0x15B80];
	_ =	sdelay $0x4  }
0x1ab: {  	v31 =	vmax.f32 @!p0 v32, v31;
	s1 =	sadd.s32 @!p1 s31, s5  }
0x1ac: {  	[tilespmem:s0+$0x15B80] =	vst @!p0 v31;
	s2 =	simm.s32 @!p1 $0x1DC80;
	s0 =	sadd.s32 @!p1 $0xC, s1;
	s1 =	simm.s32 @!p1 $0x0  }
0x1ad: {  	[tilespmem:s2], [sflag:$0x1] =	stream.linear.gather @!p1 [hbm4b:s0+s1], $0x10, $0x38;
	[tilespmem:$0x1E580] =	vst v63  }
0x1ae: {  	s1 =	simm.s32 @!p1 $0x1;
	s0 =	spop @!p1 (v2sf)  }
0x1af: {  	_ =	swait.ge @!p1 [sflag:s1], $0x10  }
0x1b0: {  	(v2sf) =	vpush v33, $0x7;
	_ =	sdelay $0xe  }
0x1b1: {  	s6 =	spop (v2sf)  }
0x1b2: {  	p0 =	seq.s32 s6, $0x0  }
0x1b3: {  	(v2sf) =	vpush @!p0 v30, $0x7;
	_ =	sdelay $0x3  }
0x1b4: {  	[sflag:s1] =	ssyncset.done @!p1 $0x0  }
0x1b5: {  	[sflag:s1] =	ssyncadd.s32 @!p1 $0xFFFFFFF0  }
0x1b6: {  	s0 =	sshll.u32 @!p1 s0, $0x4;
	v31 =	vld @!p1 [tilespmem:$0x1DC80]  }
0x1b7: {  	v32 =	vld @!p1 [tilespmem:s0+$0x15B80];
	_ =	sdelay $0x4  }
0x1b8: {  	v31 =	vmax.f32 @!p1 v32, v31;
	s1 =	sadd.s32 @!p0 s31, s5  }
0x1b9: {  	[tilespmem:s0+$0x15B80] =	vst @!p1 v31;
	s2 =	simm.s32 @!p0 $0x1DC80;
	s0 =	sadd.s32 @!p0 $0xE, s1;
	s1 =	simm.s32 @!p0 $0x0  }
0x1ba: {  	[tilespmem:s2], [sflag:$0x1] =	stream.linear.gather @!p0 [hbm4b:s0+s1], $0x10, $0x38;
	[tilespmem:$0x1E580] =	vst v63  }
0x1bb: {  	s1 =	simm.s32 @!p0 $0x1;
	s0 =	spop @!p0 (v2sf)  }
0x1bc: {  	_ =	swait.ge @!p0 [sflag:s1], $0x10  }
0x1bd: {  	(v2sf) =	vpush v33, $0x8;
	_ =	sdelay $0xe  }
0x1be: {  	s8 =	spop (v2sf)  }
0x1bf: {  	p1 =	seq.s32 s8, $0x0  }
0x1c0: {  	(v2sf) =	vpush @!p1 v30, $0x8;
	_ =	sdelay $0x3  }
0x1c1: {  	[sflag:s1] =	ssyncset.done @!p0 $0x0  }
0x1c2: {  	[sflag:s1] =	ssyncadd.s32 @!p0 $0xFFFFFFF0  }
0x1c3: {  	s0 =	sshll.u32 @!p0 s0, $0x4;
	v31 =	vld @!p0 [tilespmem:$0x1DC80]  }
0x1c4: {  	v32 =	vld @!p0 [tilespmem:s0+$0x15B80];
	_ =	sdelay $0x4  }
0x1c5: {  	v31 =	vmax.f32 @!p0 v32, v31;
	s1 =	sadd.s32 @!p1 s31, s5  }
0x1c6: {  	[tilespmem:s0+$0x15B80] =	vst @!p0 v31;
	s2 =	simm.s32 @!p1 $0x1DC80;
	s0 =	sadd.s32 @!p1 $0x10, s1;
	s1 =	simm.s32 @!p1 $0x0  }
0x1c7: {  	[tilespmem:s2], [sflag:$0x1] =	stream.linear.gather @!p1 [hbm4b:s0+s1], $0x10, $0x38;
	[tilespmem:$0x1E580] =	vst v63  }
0x1c8: {  	s1 =	simm.s32 @!p1 $0x1;
	s0 =	spop @!p1 (v2sf)  }
0x1c9: {  	_ =	swait.ge @!p1 [sflag:s1], $0x10  }
0x1ca: {  	(v2sf) =	vpush v33, $0x9;
	_ =	sdelay $0xe  }
0x1cb: {  	s14 =	spop (v2sf)  }
0x1cc: {  	p0 =	seq.s32 s14, $0x0  }
0x1cd: {  	(v2sf) =	vpush @!p0 v30, $0x9;
	_ =	sdelay $0x3  }
0x1ce: {  	[sflag:s1] =	ssyncset.done @!p1 $0x0  }
0x1cf: {  	[sflag:s1] =	ssyncadd.s32 @!p1 $0xFFFFFFF0  }
0x1d0: {  	s0 =	sshll.u32 @!p1 s0, $0x4;
	v31 =	vld @!p1 [tilespmem:$0x1DC80]  }
0x1d1: {  	v32 =	vld @!p1 [tilespmem:s0+$0x15B80];
	_ =	sdelay $0x4  }
0x1d2: {  	v31 =	vmax.f32 @!p1 v32, v31;
	s1 =	sadd.s32 @!p0 s31, s5  }
0x1d3: {  	[tilespmem:s0+$0x15B80] =	vst @!p1 v31;
	s2 =	simm.s32 @!p0 $0x1DC80;
	s0 =	sadd.s32 @!p0 $0x12, s1;
	s1 =	simm.s32 @!p0 $0x0  }
0x1d4: {  	[tilespmem:s2], [sflag:$0x1] =	stream.linear.gather @!p0 [hbm4b:s0+s1], $0x10, $0x38;
	[tilespmem:$0x1E580] =	vst v63  }
0x1d5: {  	s1 =	simm.s32 @!p0 $0x1;
	s0 =	spop @!p0 (v2sf)  }
0x1d6: {  	_ =	swait.ge @!p0 [sflag:s1], $0x10  }
0x1d7: {  	(v2sf) =	vpush v33, $0xA;
	_ =	sdelay $0xe  }
0x1d8: {  	s15 =	spop (v2sf)  }
0x1d9: {  	p1 =	seq.s32 s15, $0x0  }
0x1da: {  	(v2sf) =	vpush @!p1 v30, $0xA;
	_ =	sdelay $0x3  }
0x1db: {  	[sflag:s1] =	ssyncset.done @!p0 $0x0  }
0x1dc: {  	[sflag:s1] =	ssyncadd.s32 @!p0 $0xFFFFFFF0  }
0x1dd: {  	s0 =	sshll.u32 @!p0 s0, $0x4;
	v31 =	vld @!p0 [tilespmem:$0x1DC80]  }
0x1de: {  	v32 =	vld @!p0 [tilespmem:s0+$0x15B80];
	_ =	sdelay $0x4  }
0x1df: {  	v31 =	vmax.f32 @!p0 v32, v31;
	s1 =	sadd.s32 @!p1 s31, s5  }
0x1e0: {  	[tilespmem:s0+$0x15B80] =	vst @!p0 v31;
	s2 =	simm.s32 @!p1 $0x1DC80;
	s0 =	sadd.s32 @!p1 $0x14, s1;
	s1 =	simm.s32 @!p1 $0x0  }
0x1e1: {  	[tilespmem:s2], [sflag:$0x1] =	stream.linear.gather @!p1 [hbm4b:s0+s1], $0x10, $0x38;
	[tilespmem:$0x1E580] =	vst v63  }
0x1e2: {  	s1 =	simm.s32 @!p1 $0x1;
	s0 =	spop @!p1 (v2sf)  }
0x1e3: {  	_ =	swait.ge @!p1 [sflag:s1], $0x10  }
0x1e4: {  	(v2sf) =	vpush v33, $0xB;
	_ =	sdelay $0xe  }
0x1e5: {  	s16 =	spop (v2sf)  }
0x1e6: {  	p0 =	seq.s32 s16, $0x0  }
0x1e7: {  	(v2sf) =	vpush @!p0 v30, $0xB;
	_ =	sdelay $0x3  }
0x1e8: {  	[sflag:s1] =	ssyncset.done @!p1 $0x0  }
0x1e9: {  	[sflag:s1] =	ssyncadd.s32 @!p1 $0xFFFFFFF0  }
0x1ea: {  	s0 =	sshll.u32 @!p1 s0, $0x4;
	v31 =	vld @!p1 [tilespmem:$0x1DC80]  }
0x1eb: {  	v32 =	vld @!p1 [tilespmem:s0+$0x15B80];
	_ =	sdelay $0x4  }
0x1ec: {  	v31 =	vmax.f32 @!p1 v32, v31;
	s1 =	sadd.s32 @!p0 s31, s5  }
0x1ed: {  	[tilespmem:s0+$0x15B80] =	vst @!p1 v31;
	s2 =	simm.s32 @!p0 $0x1DC80;
	s0 =	sadd.s32 @!p0 $0x16, s1;
	s1 =	simm.s32 @!p0 $0x0  }
0x1ee: {  	[tilespmem:s2], [sflag:$0x1] =	stream.linear.gather @!p0 [hbm4b:s0+s1], $0x10, $0x38;
	[tilespmem:$0x1E580] =	vst v63  }
0x1ef: {  	s1 =	simm.s32 @!p0 $0x1;
	s0 =	spop @!p0 (v2sf)  }
0x1f0: {  	_ =	swait.ge @!p0 [sflag:s1], $0x10  }
0x1f1: {  	(v2sf) =	vpush v33, $0xC;
	_ =	sdelay $0xe  }
0x1f2: {  	s22 =	spop (v2sf)  }
0x1f3: {  	p1 =	seq.s32 s22, $0x0  }
0x1f4: {  	(v2sf) =	vpush @!p1 v30, $0xC;
	_ =	sdelay $0x3  }
0x1f5: {  	[sflag:s1] =	ssyncset.done @!p0 $0x0  }
0x1f6: {  	[sflag:s1] =	ssyncadd.s32 @!p0 $0xFFFFFFF0  }
0x1f7: {  	s0 =	sshll.u32 @!p0 s0, $0x4;
	v31 =	vld @!p0 [tilespmem:$0x1DC80]  }
0x1f8: {  	v32 =	vld @!p0 [tilespmem:s0+$0x15B80];
	_ =	sdelay $0x4  }
0x1f9: {  	v31 =	vmax.f32 @!p0 v32, v31;
	s1 =	sadd.s32 @!p1 s31, s5  }
0x1fa: {  	[tilespmem:s0+$0x15B80] =	vst @!p0 v31;
	s2 =	simm.s32 @!p1 $0x1DC80;
	s0 =	sadd.s32 @!p1 $0x18, s1;
	s1 =	simm.s32 @!p1 $0x0  }
0x1fb: {  	[tilespmem:s2], [sflag:$0x1] =	stream.linear.gather @!p1 [hbm4b:s0+s1], $0x10, $0x38;
	[tilespmem:$0x1E580] =	vst v63  }
0x1fc: {  	s1 =	simm.s32 @!p1 $0x1;
	s0 =	spop @!p1 (v2sf)  }
0x1fd: {  	_ =	swait.ge @!p1 [sflag:s1], $0x10  }
0x1fe: {  	(v2sf) =	vpush v33, $0xD;
	_ =	sdelay $0xe  }
0x1ff: {  	s23 =	spop (v2sf)  }
0x200: {  	p0 =	seq.s32 s23, $0x0  }
0x201: {  	(v2sf) =	vpush @!p0 v30, $0xD;
	_ =	sdelay $0x3  }
0x202: {  	[sflag:s1] =	ssyncset.done @!p1 $0x0  }
0x203: {  	[sflag:s1] =	ssyncadd.s32 @!p1 $0xFFFFFFF0  }
0x204: {  	s0 =	sshll.u32 @!p1 s0, $0x4;
	v31 =	vld @!p1 [tilespmem:$0x1DC80]  }
0x205: {  	v32 =	vld @!p1 [tilespmem:s0+$0x15B80];
	_ =	sdelay $0x4  }
0x206: {  	v31 =	vmax.f32 @!p1 v32, v31;
	s1 =	sadd.s32 @!p0 s31, s5  }
0x207: {  	[tilespmem:s0+$0x15B80] =	vst @!p1 v31;
	s2 =	simm.s32 @!p0 $0x1DC80;
	s0 =	sadd.s32 @!p0 $0x1A, s1;
	s1 =	simm.s32 @!p0 $0x0  }
0x208: {  	[tilespmem:s2], [sflag:$0x1] =	stream.linear.gather @!p0 [hbm4b:s0+s1], $0x10, $0x38;
	[tilespmem:$0x1E580] =	vst v63  }
0x209: {  	s1 =	simm.s32 @!p0 $0x1;
	s0 =	spop @!p0 (v2sf)  }
0x20a: {  	_ =	swait.ge @!p0 [sflag:s1], $0x10  }
0x20b: {  	(v2sf) =	vpush v33, $0xE;
	_ =	sdelay $0xe  }
0x20c: {  	s24 =	spop (v2sf)  }
0x20d: {  	p1 =	seq.s32 s24, $0x0  }
0x20e: {  	(v2sf) =	vpush @!p1 v30, $0xE;
	_ =	sdelay $0x3  }
0x20f: {  	[sflag:s1] =	ssyncset.done @!p0 $0x0  }
0x210: {  	[sflag:s1] =	ssyncadd.s32 @!p0 $0xFFFFFFF0  }
0x211: {  	s0 =	sshll.u32 @!p0 s0, $0x4;
	v31 =	vld @!p0 [tilespmem:$0x1DC80]  }
0x212: {  	v32 =	vld @!p0 [tilespmem:s0+$0x15B80];
	_ =	sdelay $0x4  }
0x213: {  	v31 =	vmax.f32 @!p0 v32, v31;
	s1 =	sadd.s32 @!p1 s31, s5  }
0x214: {  	[tilespmem:s0+$0x15B80] =	vst @!p0 v31;
	s2 =	simm.s32 @!p1 $0x1DC80;
	s0 =	sadd.s32 @!p1 $0x1C, s1;
	s1 =	simm.s32 @!p1 $0x0  }
0x215: {  	[tilespmem:s2], [sflag:$0x1] =	stream.linear.gather @!p1 [hbm4b:s0+s1], $0x10, $0x38;
	[tilespmem:$0x1E580] =	vst v63  }
0x216: {  	s1 =	simm.s32 @!p1 $0x1;
	s0 =	spop @!p1 (v2sf)  }
0x217: {  	_ =	swait.ge @!p1 [sflag:s1], $0x10  }
0x218: {  	(v2sf) =	vpush v33, $0xF;
	_ =	sdelay $0xe  }
0x219: {  	s25 =	spop (v2sf)  }
0x21a: {  	p0 =	seq.s32 s25, $0x0  }
0x21b: {  	(v2sf) =	vpush @!p0 v30, $0xF;
	_ =	sdelay $0x3  }
0x21c: {  	[sflag:s1] =	ssyncset.done @!p1 $0x0  }
0x21d: {  	s0 =	sshll.u32 @!p1 s0, $0x4;
	[sflag:s1] =	ssyncadd.s32 @!p1 $0xFFFFFFF0  }
0x21e: {  	v31 =	vld @!p1 [tilespmem:s0+$0x15B80]  }
0x21f: {  	v30 =	vld @!p1 [tilespmem:$0x1DC80];
	_ =	sdelay $0x4  }
0x220: {  	s1 =	sadd.s32 @!p0 s31, s5;
	v30 =	vmax.f32 @!p1 v31, v30  }
0x221: {  	s2 =	simm.s32 @!p0 $0x1DC80;
	[tilespmem:s0+$0x15B80] =	vst @!p1 v30;
	s0 =	sadd.s32 @!p0 $0x1E, s1;
	s1 =	simm.s32 @!p0 $0x0  }
0x222: {  	[tilespmem:s2], [sflag:$0x1] =	stream.linear.gather @!p0 [hbm4b:s0+s1], $0x10, $0x38;
	[tilespmem:$0x1E580] =	vst v63  }
0x223: {  	s1 =	simm.s32 @!p0 $0x1;
	s0 =	spop @!p0 (v2sf)  }
0x224: {  	_ =	swait.ge @!p0 [sflag:s1], $0x10  }
0x225: {  	[sflag:s1] =	ssyncset.done @!p0 $0x0  }
0x226: {  	[sflag:s1] =	ssyncadd.s32 @!p0 $0xFFFFFFF0  }
0x227: {  	s0 =	sshll.u32 @!p0 s0, $0x4;
	v30 =	vld @!p0 [tilespmem:$0x1DC80]  }
0x228: {  	v31 =	vld @!p0 [tilespmem:s0+$0x15B80];
	_ =	sdelay $0x1  }
.Ltmp7:
0x229: {  	_ = 	snop;
	(pc) =	sbr.rel .LBB2_11-.Ltmp7, $3  }
0x22a: {  	_ =	sdelay $0x1  }
0x22b: {  	v30 =	vmax.f32 @!p0 v31, v30  }
0x22c: {  	[tilespmem:s0+$0x15B80] =	vst @!p0 v30  }
.LBB2_12:
0x22d: {  	s1 =	simm.s32 $0x1C780  }
0x22e: {  	v4 =	vld [tilespmem:s1+$0x0];
	_ =	sdelay $0x4  }
0x22f: {  	vm0 =	vne.s32 v4, $0x0  }
0x230: {  	v4 =	vmpcnt.ones.xlane vm0;
	_ =	sdelay $0x1  }
0x231: {  	(v2sf) =	vpush v4, $0x0;
	v4 =	vsel vm0, $0x1, v0  }
0x232: {  	(xrf0) =	vadd.scan.msk.s32 $0xffff, v4;
	_ =	sdelay $0x4  }
0x233: {  	s0 =	simm.s32 $0x0;
	v4 =	vsel vm0, $0xFFFFFFFF, v0  }
0x234: {  	v4 =	vadd.s32 s0, v4;
	v5, _, _ =	vpop (xrf0)  }
0x235: {  	v4 =	vadd.s32 v5, v4;
	_ =	sdelay $0x3  }
0x236: {  	v5 =	vor.u32 s0, v3  }
0x237: {  	s2 =	simm.s32 $0x1C790;
	[tilespmem:v4+s21+$0x0] =	vst.idx.msk vm0, v5  }
0x238: {  	v4 =	vld [tilespmem:s2+$0x0];
	_ =	sdelay $0x1  }
0x239: {  	s3 =	simm.s32 $0x20;
	s1 =	simm.s32 $0x10;
	s4 =	spop (v2sf)  }
.LBB2_13:
0x23a: {  	p0 =	seq.s32 s3, $0x6B0  }
0x23b: {  	s0 =	sadd.s32 s0, s4;
	s4 =	smov.u32 s3;
	s3 =	sadd.s32 $0x10, s3  }
0x23c: {  	vm0 =	vne.s32 v4, $0x0  }
0x23d: {  	v4 =	vsel vm0, $0xFFFFFFFF, v0;
	v5 =	vsel vm0, $0x1, v0;
	v6 =	vmpcnt.ones.xlane vm0  }
0x23e: {  	(xrf0) =	vadd.scan.msk.s32 $0xffff, v5  }
0x23f: {  	(v2sf) =	vpush v6, $0x0;
	_ =	sdelay $0x4  }
0x240: {  	v4 =	vadd.s32 s0, v4;
	v5, _, _ =	vpop (xrf0)  }
0x241: {  	v4 =	vadd.s32 v5, v4;
	_ =	sdelay $0x3  }
0x242: {  	v5 =	vor.u32 s1, v3;
	s1 =	smov.u32 s4  }
.Ltmp8:
0x243: {  	s2 =	sadd.s32 $0x10, s2;
	[tilespmem:v4+s21+$0x0] =	vst.idx.msk vm0, v5;
	(pc) =	sbr.rel @!p0 .LBB2_13-.Ltmp8, $2  }
0x244: {  	v4 =	vld [tilespmem:s2+$0x0];
	_ =	sdelay $0x2  }
0x245: {  	s4 =	spop (v2sf)  }
0x246: {  	_ = 	snop  }
0x247: {  	vm0 =	vne.s32 v4, $0x0  }
0x248: {  	v4 =	vmpcnt.ones.xlane vm0;
	_ =	sdelay $0x1  }
0x249: {  	(v2sf) =	vpush v4, $0x0;
	v4 =	vsel vm0, $0x1, v0  }
0x24a: {  	(xrf0) =	vadd.scan.msk.s32 $0xffff, v4;
	_ =	sdelay $0x4  }
0x24b: {  	s0 =	sadd.s32 s0, s4;
	v4 =	vsel vm0, $0xFFFFFFFF, v0  }
0x24c: {  	v4 =	vadd.s32 s0, v4;
	v5, _, _ =	vpop (xrf0)  }
0x24d: {  	v4 =	vadd.s32 v5, v4;
	_ =	sdelay $0x3  }
0x24e: {  	v5 =	vor.u32 s1, v3  }
0x24f: {  	s30 =	simm.s32 $0x1D580;
	[tilespmem:v4+s21+$0x0] =	vst.idx.msk vm0, v5  }
0x250: {  	v5 =	vld [tilespmem:s30+$0x0]  }
0x251: {  	s2 =	spop (v2sf)  }
0x252: {  	s3 =	simm.s32 $0x0;
	s1 =	sadd.s32 s0, s2  }
0x253: {  	v6 =	vor.u32 s3, v3;
	v4 =	vmov s1  }
0x254: {  	vm15 =	vlt.s32 v6, v4  }
0x255: {  	v6 =	vsel vm15, $0x1, v0;
	v7 =	vnsel vm15, $0x0, v5  }
0x256: {  	v7 =	vshll.u32 v7, $0x6;
	(v2sf) =	vpush v6, $0x0  }
0x257: {  	v7 =	vshra.s32 v7, $0x2;
	(v2sf) =	vpush v6, $0x1  }
0x258: {  	v7 =	vadd.s32 $0xEF80, v7;
	(v2sf) =	vpush v6, $0x2  }
0x259: {  	(v2sf) =	vpush v7, $0x0  }
0x25a: {  	(v2sf) =	vpush v6, $0x3  }
0x25b: {  	(v2sf) =	vpush v6, $0x4  }
0x25c: {  	(v2sf) =	vpush v6, $0x5  }
0x25d: {  	(v2sf) =	vpush v6, $0x6  }
0x25e: {  	(v2sf) =	vpush v6, $0x7  }
0x25f: {  	(v2sf) =	vpush v6, $0x8  }
0x260: {  	(v2sf) =	vpush v7, $0x1  }
0x261: {  	(v2sf) =	vpush v6, $0x9  }
0x262: {  	(v2sf) =	vpush v6, $0xA  }
0x263: {  	(v2sf) =	vpush v6, $0xB  }
0x264: {  	(v2sf) =	vpush v6, $0xC  }
0x265: {  	s4 =	spop (v2sf);
	(v2sf) =	vpush v6, $0xD  }
0x266: {  	s8 =	spop (v2sf);
	(v2sf) =	vpush v6, $0xE  }
0x267: {  	s28 =	simm.s32 $0x1E500;
	v5 =	vnsel vm15, $0xFFFFFFFF, v5;
	(v2sf) =	vpush v7, $0x2;
	s6 =	spop (v2sf)  }
0x268: {  	[tilespmem:s28+$0x0] =	vst v5;
	s2 =	spop (v2sf)  }
0x269: {  	v5 =	vld [tilespmem:s2+$0x0];
	s14 =	spop (v2sf)  }
0x26a: {  	s15 =	spop (v2sf)  }
0x26b: {  	s16 =	spop (v2sf)  }
0x26c: {  	s22 =	spop (v2sf)  }
0x26d: {  	p0 =	seq.s32 s4, $0x0;
	(v2sf) =	vpush v6, $0xF;
	s23 =	spop (v2sf)  }
0x26e: {  	s29 =	simm.s32 $0x1DD80;
	(v2sf) =	vpush v7, $0x3;
	v5 =	vpsel p0, $0x0, v5;
	s24 =	spop (v2sf)  }
0x26f: {  	[tilespmem:s29+$0xFFFFFF80] =	vst v5;
	s4 =	spop (v2sf)  }
0x270: {  	v5 =	vld [tilespmem:s4+$0x0];
	s31 =	spop (v2sf)  }
0x271: {  	s25 =	spop (v2sf)  }
0x272: {  	s4 =	spop (v2sf)  }
0x273: {  	s3 =	spop (v2sf)  }
0x274: {  	p4 =	seq.s32 s8, $0x0;
	s2 =	spop (v2sf)  }
0x275: {  	(v2sf) =	vpush v7, $0x4;
	v5 =	vpsel p4, $0x0, v5;
	s0 =	spop (v2sf)  }
0x276: {  	[tilespmem:s29+$0xFFFFFF90] =	vst v5;
	s8 =	spop (v2sf)  }
0x277: {  	v5 =	vld [tilespmem:s8+$0x0];
	_ =	sdelay $0x3  }
0x278: {  	p5 =	seq.s32 s6, $0x0  }
0x279: {  	(v2sf) =	vpush v7, $0x5;
	s1 =	spop (v2sf);
	v5 =	vpsel p5, $0x0, v5  }
0x27a: {  	s8 =	spop (v2sf);
	[tilespmem:s29+$0xFFFFFFA0] =	vst v5  }
0x27b: {  	v5 =	vld [tilespmem:s8+$0x0];
	_ =	sdelay $0x3  }
0x27c: {  	p6 =	seq.s32 s14, $0x0  }
0x27d: {  	(v2sf) =	vpush v7, $0x6;
	v5 =	vpsel p6, $0x0, v5  }
0x27e: {  	s14 =	spop (v2sf);
	[tilespmem:s29+$0xFFFFFFB0] =	vst v5  }
0x27f: {  	v5 =	vld [tilespmem:s14+$0x0];
	_ =	sdelay $0x3  }
0x280: {  	p1 =	seq.s32 s15, $0x0  }
0x281: {  	(v2sf) =	vpush v7, $0x7;
	v5 =	vpsel p1, $0x0, v5  }
0x282: {  	s15 =	spop (v2sf);
	[tilespmem:s29+$0xFFFFFFC0] =	vst v5  }
0x283: {  	v5 =	vld [tilespmem:s15+$0x0];
	_ =	sdelay $0x3  }
0x284: {  	p2 =	seq.s32 s16, $0x0  }
0x285: {  	(v2sf) =	vpush v7, $0x8;
	v5 =	vpsel p2, $0x0, v5  }
0x286: {  	s16 =	spop (v2sf);
	[tilespmem:s29+$0xFFFFFFD0] =	vst v5  }
0x287: {  	v5 =	vld [tilespmem:s16+$0x0];
	_ =	sdelay $0x3  }
0x288: {  	p3 =	seq.s32 s22, $0x0  }
0x289: {  	(v2sf) =	vpush v7, $0x9;
	v5 =	vpsel p3, $0x0, v5  }
0x28a: {  	s22 =	spop (v2sf);
	[tilespmem:s29+$0xFFFFFFE0] =	vst v5  }
0x28b: {  	v5 =	vld [tilespmem:s22+$0x0];
	_ =	sdelay $0x3  }
0x28c: {  	p4 =	seq.s32 s23, $0x0  }
0x28d: {  	(v2sf) =	vpush v7, $0xA;
	v5 =	vpsel p4, $0x0, v5  }
0x28e: {  	s8 =	spop (v2sf);
	[tilespmem:s29+$0xFFFFFFF0] =	vst v5  }
0x28f: {  	v5 =	vld [tilespmem:s8+$0x0];
	_ =	sdelay $0x3  }
0x290: {  	p5 =	seq.s32 s24, $0x0  }
0x291: {  	(v2sf) =	vpush v7, $0xB;
	v5 =	vpsel p5, $0x0, v5  }
0x292: {  	s14 =	spop (v2sf);
	[tilespmem:s29+$0x0] =	vst v5  }
0x293: {  	v5 =	vld [tilespmem:s14+$0x0];
	_ =	sdelay $0x3  }
0x294: {  	p6 =	seq.s32 s31, $0x0  }
0x295: {  	(v2sf) =	vpush v7, $0xC;
	v5 =	vpsel p6, $0x0, v5  }
0x296: {  	s15 =	spop (v2sf);
	[tilespmem:s29+$0x10] =	vst v5  }
0x297: {  	v5 =	vld [tilespmem:s15+$0x0];
	_ =	sdelay $0x3  }
0x298: {  	p1 =	seq.s32 s25, $0x0  }
0x299: {  	(v2sf) =	vpush v7, $0xD;
	v5 =	vpsel p1, $0x0, v5  }
0x29a: {  	s16 =	spop (v2sf);
	[tilespmem:s29+$0x20] =	vst v5  }
0x29b: {  	v5 =	vld [tilespmem:s16+$0x0];
	_ =	sdelay $0x3  }
0x29c: {  	p2 =	seq.s32 s4, $0x0  }
0x29d: {  	(v2sf) =	vpush v7, $0xE;
	v5 =	vpsel p2, $0x0, v5  }
0x29e: {  	s22 =	spop (v2sf);
	[tilespmem:s29+$0x30] =	vst v5  }
0x29f: {  	v5 =	vld [tilespmem:s22+$0x0];
	_ =	sdelay $0x3  }
0x2a0: {  	p3 =	seq.s32 s3, $0x0  }
0x2a1: {  	(v2sf) =	vpush v7, $0xF;
	v5 =	vpsel p3, $0x0, v5  }
0x2a2: {  	s23 =	spop (v2sf);
	[tilespmem:s29+$0x40] =	vst v5  }
0x2a3: {  	v5 =	vld [tilespmem:s23+$0x0];
	_ =	sdelay $0x3  }
0x2a4: {  	p4 =	seq.s32 s2, $0x0  }
0x2a5: {  	v5 =	vpsel p4, $0x0, v5  }
0x2a6: {  	s24 =	spop (v2sf);
	[tilespmem:s29+$0x50] =	vst v5  }
0x2a7: {  	v5 =	vld [tilespmem:s24+$0x0];
	_ =	sdelay $0x3  }
0x2a8: {  	p5 =	seq.s32 s0, $0x0  }
0x2a9: {  	v5 =	vpsel p5, $0x0, v5  }
0x2aa: {  	s25 =	spop (v2sf);
	[tilespmem:s29+$0x60] =	vst v5  }
0x2ab: {  	v5 =	vld [tilespmem:s25+$0x0];
	_ =	sdelay $0x3  }
0x2ac: {  	p6 =	seq.s32 s1, $0x0  }
0x2ad: {  	s31 =	simm.s32 $0x10;
	v5 =	vpsel p6, $0x0, v5  }
.LBB2_15:
0x2ae: {  	[tilespmem:s29+$0x70] =	vst v5;
	s28 =	sadd.s32 $0x10, s28;
	s30 =	sadd.s32 $0x10, s30;
	s29 =	sadd.s32 $0x100, s29  }
0x2af: {  	p0 =	sne.s32 s31, $0x70;
	s0 =	smov.u32 s31;
	s31 =	sadd.s32 $0x10, s31;
	v5 =	vld [tilespmem:s30+$0x0]  }
0x2b0: {  	_ =	sdelay $0x1  }
0x2b1: {  	v6 =	vor.u32 s0, v3  }
0x2b2: {  	vm0 =	vlt.s32 v6, v4  }
0x2b3: {  	v6 =	vsel vm0, $0x1, v0;
	v7 =	vnsel vm0, $0x0, v5;
	v8 =	vnsel vm0, $0xFFFFFFFF, v5  }
0x2b4: {  	v5 =	vshll.u32 v7, $0x6;
	(v2sf) =	vpush v6, $0x0  }
0x2b5: {  	v5 =	vshra.s32 v5, $0x2;
	(v2sf) =	vpush v6, $0x1  }
0x2b6: {  	v5 =	vadd.s32 $0xEF80, v5;
	(v2sf) =	vpush v6, $0x2  }
0x2b7: {  	(v2sf) =	vpush v5, $0x0  }
0x2b8: {  	(v2sf) =	vpush v6, $0x3  }
0x2b9: {  	(v2sf) =	vpush v6, $0x4  }
0x2ba: {  	(v2sf) =	vpush v6, $0x5  }
0x2bb: {  	(v2sf) =	vpush v6, $0x6  }
0x2bc: {  	(v2sf) =	vpush v6, $0x7  }
0x2bd: {  	(v2sf) =	vpush v6, $0x8  }
0x2be: {  	(v2sf) =	vpush v5, $0x1  }
0x2bf: {  	(v2sf) =	vpush v6, $0x9  }
0x2c0: {  	(v2sf) =	vpush v6, $0xA  }
0x2c1: {  	(v2sf) =	vpush v6, $0xB  }
0x2c2: {  	(v2sf) =	vpush v6, $0xC  }
0x2c3: {  	s0 =	spop (v2sf);
	(v2sf) =	vpush v6, $0xD  }
0x2c4: {  	s1 =	spop (v2sf);
	(v2sf) =	vpush v6, $0xE  }
0x2c5: {  	(v2sf) =	vpush v5, $0x2;
	s25 =	spop (v2sf)  }
0x2c6: {  	[tilespmem:s28+$0x0] =	vst v8;
	s2 =	spop (v2sf);
	(v2sf) =	vpush v6, $0xF  }
0x2c7: {  	v6 =	vld [tilespmem:s2+$0x0];
	s8 =	spop (v2sf)  }
0x2c8: {  	s24 =	spop (v2sf)  }
0x2c9: {  	s23 =	spop (v2sf)  }
0x2ca: {  	s22 =	spop (v2sf)  }
0x2cb: {  	p1 =	seq.s32 s0, $0x0;
	s16 =	spop (v2sf)  }
0x2cc: {  	v6 =	vpsel p1, $0x0, v6;
	(v2sf) =	vpush v5, $0x3;
	s15 =	spop (v2sf)  }
0x2cd: {  	[tilespmem:s29+$0xFFFFFF80] =	vst v6;
	s0 =	spop (v2sf)  }
0x2ce: {  	v6 =	vld [tilespmem:s0+$0x0];
	s14 =	spop (v2sf)  }
0x2cf: {  	s4 =	spop (v2sf)  }
0x2d0: {  	s3 =	spop (v2sf)  }
0x2d1: {  	s2 =	spop (v2sf)  }
0x2d2: {  	p1 =	seq.s32 s1, $0x0;
	s0 =	spop (v2sf)  }
0x2d3: {  	v6 =	vpsel p1, $0x0, v6;
	(v2sf) =	vpush v5, $0x4;
	s6 =	spop (v2sf)  }
0x2d4: {  	[tilespmem:s29+$0xFFFFFF90] =	vst v6;
	s1 =	spop (v2sf)  }
0x2d5: {  	v6 =	vld [tilespmem:s1+$0x0];
	s1 =	spop (v2sf);
	_ =	sdelay $0x3  }
0x2d6: {  	p1 =	seq.s32 s25, $0x0  }
0x2d7: {  	v6 =	vpsel p1, $0x0, v6;
	(v2sf) =	vpush v5, $0x5  }
0x2d8: {  	[tilespmem:s29+$0xFFFFFFA0] =	vst v6;
	s25 =	spop (v2sf)  }
0x2d9: {  	v6 =	vld [tilespmem:s25+$0x0];
	_ =	sdelay $0x3  }
0x2da: {  	p1 =	seq.s32 s8, $0x0  }
0x2db: {  	v6 =	vpsel p1, $0x0, v6;
	(v2sf) =	vpush v5, $0x6  }
0x2dc: {  	[tilespmem:s29+$0xFFFFFFB0] =	vst v6;
	s8 =	spop (v2sf)  }
0x2dd: {  	v6 =	vld [tilespmem:s8+$0x0];
	_ =	sdelay $0x3  }
0x2de: {  	p1 =	seq.s32 s24, $0x0  }
0x2df: {  	v6 =	vpsel p1, $0x0, v6;
	(v2sf) =	vpush v5, $0x7  }
0x2e0: {  	[tilespmem:s29+$0xFFFFFFC0] =	vst v6;
	s8 =	spop (v2sf)  }
0x2e1: {  	v6 =	vld [tilespmem:s8+$0x0];
	_ =	sdelay $0x3  }
0x2e2: {  	p1 =	seq.s32 s23, $0x0  }
0x2e3: {  	v6 =	vpsel p1, $0x0, v6;
	(v2sf) =	vpush v5, $0x8  }
0x2e4: {  	[tilespmem:s29+$0xFFFFFFD0] =	vst v6;
	s8 =	spop (v2sf)  }
0x2e5: {  	v6 =	vld [tilespmem:s8+$0x0];
	_ =	sdelay $0x3  }
0x2e6: {  	p1 =	seq.s32 s22, $0x0  }
0x2e7: {  	v6 =	vpsel p1, $0x0, v6;
	(v2sf) =	vpush v5, $0x9  }
0x2e8: {  	[tilespmem:s29+$0xFFFFFFE0] =	vst v6;
	s8 =	spop (v2sf)  }
0x2e9: {  	v6 =	vld [tilespmem:s8+$0x0];
	_ =	sdelay $0x3  }
0x2ea: {  	p1 =	seq.s32 s16, $0x0  }
0x2eb: {  	v6 =	vpsel p1, $0x0, v6;
	(v2sf) =	vpush v5, $0xA  }
0x2ec: {  	[tilespmem:s29+$0xFFFFFFF0] =	vst v6;
	s8 =	spop (v2sf)  }
0x2ed: {  	v6 =	vld [tilespmem:s8+$0x0];
	_ =	sdelay $0x3  }
0x2ee: {  	p1 =	seq.s32 s15, $0x0  }
0x2ef: {  	v6 =	vpsel p1, $0x0, v6;
	(v2sf) =	vpush v5, $0xB  }
0x2f0: {  	[tilespmem:s29+$0x0] =	vst v6;
	s8 =	spop (v2sf)  }
0x2f1: {  	v6 =	vld [tilespmem:s8+$0x0];
	_ =	sdelay $0x3  }
0x2f2: {  	p1 =	seq.s32 s14, $0x0  }
0x2f3: {  	v6 =	vpsel p1, $0x0, v6;
	(v2sf) =	vpush v5, $0xC  }
0x2f4: {  	[tilespmem:s29+$0x10] =	vst v6;
	s8 =	spop (v2sf)  }
0x2f5: {  	v6 =	vld [tilespmem:s8+$0x0];
	_ =	sdelay $0x3  }
0x2f6: {  	p1 =	seq.s32 s4, $0x0  }
0x2f7: {  	v6 =	vpsel p1, $0x0, v6;
	(v2sf) =	vpush v5, $0xD  }
0x2f8: {  	[tilespmem:s29+$0x20] =	vst v6;
	s4 =	spop (v2sf)  }
0x2f9: {  	v6 =	vld [tilespmem:s4+$0x0];
	_ =	sdelay $0x3  }
0x2fa: {  	p1 =	seq.s32 s3, $0x0  }
0x2fb: {  	v6 =	vpsel p1, $0x0, v6;
	(v2sf) =	vpush v5, $0xE  }
0x2fc: {  	[tilespmem:s29+$0x30] =	vst v6;
	s3 =	spop (v2sf)  }
0x2fd: {  	v6 =	vld [tilespmem:s3+$0x0];
	_ =	sdelay $0x3  }
0x2fe: {  	p1 =	seq.s32 s2, $0x0  }
0x2ff: {  	v6 =	vpsel p1, $0x0, v6;
	(v2sf) =	vpush v5, $0xF  }
0x300: {  	[tilespmem:s29+$0x40] =	vst v6;
	s2 =	spop (v2sf)  }
0x301: {  	v5 =	vld [tilespmem:s2+$0x0];
	_ =	sdelay $0x3  }
0x302: {  	p1 =	seq.s32 s0, $0x0  }
0x303: {  	v5 =	vpsel p1, $0x0, v5  }
0x304: {  	[tilespmem:s29+$0x50] =	vst v5;
	s0 =	spop (v2sf)  }
0x305: {  	v5 =	vld [tilespmem:s0+$0x0];
	_ =	sdelay $0x3  }
0x306: {  	p1 =	seq.s32 s6, $0x0  }
0x307: {  	v5 =	vpsel p1, $0x0, v5  }
0x308: {  	[tilespmem:s29+$0x60] =	vst v5;
	s0 =	spop (v2sf)  }
0x309: {  	v5 =	vld [tilespmem:s0+$0x0]  }
.Ltmp9:
0x30a: {  	(pc) =	sbr.rel @p0 .LBB2_15-.Ltmp9, $3  }
0x30b: {  	_ =	sdelay $0x1  }
0x30c: {  	p1 =	seq.s32 s1, $0x0  }
0x30d: {  	v5 =	vpsel p1, $0x0, v5  }
0x30e: {  	s0 =	rddreg [dreg:$0x8]  }
0x30f: {  	[tilespmem:s29+$0x70] =	vst v5;
	s1 =	simm.s32 $0x80;
	s2 =	simm.s32 $0x400;
	s3 =	simm.s32 $0x1DD00  }
0x310: {  	[hbm4b:s0+s1] =	stream.strided.scatter [tilespmem:s3], [sflag:$0x1], $0x800, s2, s1, $0x38;
	[tilespmem:$0x1E580] =	vst v63  }
0x311: {  	_ =	swait.ge [sflag:s13], $0x800  }
0x312: {  	[sflag:s13] =	ssyncset.done $0x0  }
0x313: {  	s30 =	simm.s32 $0x1E500;
	s0 =	simm.s32 $0x0;
	[sflag:s13] =	ssyncadd.s32 $0xFFFFF800  }
0x314: {  	[hbm4b:s9+s0] =	stream.linear.scatter [tilespmem:s30], [sflag:$0x1], $0x80, $0x38;
	[tilespmem:$0x1E580] =	vst v63  }
0x315: {  	_ =	swait.ge [sflag:s13], $0x80  }
0x316: {  	[sflag:s13] =	ssyncset.done $0x0  }
0x317: {  	s31 =	simm.s32 $0x1CE80;
	[sflag:s13] =	ssyncadd.s32 $0xFFFFFF80  }
0x318: {  	v4 =	vld [tilespmem:s31+$0x0];
	_ =	sdelay $0x4  }
0x319: {  	vm0 =	vne.s32 v4, $0x0  }
0x31a: {  	v4 =	vmpcnt.ones.xlane vm0;
	_ =	sdelay $0x1  }
0x31b: {  	(v2sf) =	vpush v4, $0x0;
	v4 =	vsel vm0, $0x1, v0  }
0x31c: {  	(xrf0) =	vadd.scan.msk.s32 $0xffff, v4;
	_ =	sdelay $0x4  }
0x31d: {  	v4 =	vsel vm0, $0xFFFFFFFF, v0  }
0x31e: {  	v4 =	vadd.s32 s0, v4;
	v5, _, _ =	vpop (xrf0)  }
0x31f: {  	v4 =	vadd.s32 v5, v4;
	_ =	sdelay $0x3  }
0x320: {  	v5 =	vor.u32 s0, v3  }
0x321: {  	s2 =	simm.s32 $0x1CE90;
	[tilespmem:v4+s21+$0x0] =	vst.idx.msk vm0, v5  }
0x322: {  	v4 =	vld [tilespmem:s2+$0x0];
	_ =	sdelay $0x1  }
0x323: {  	s1 =	simm.s32 $0x10;
	s3 =	simm.s32 $0x20;
	s4 =	spop (v2sf)  }
.LBB2_17:
0x324: {  	p0 =	seq.s32 s3, $0x6B0  }
0x325: {  	s0 =	sadd.s32 s0, s4;
	s4 =	smov.u32 s3;
	s3 =	sadd.s32 $0x10, s3  }
0x326: {  	vm0 =	vne.s32 v4, $0x0  }
0x327: {  	v4 =	vsel vm0, $0xFFFFFFFF, v0;
	v5 =	vsel vm0, $0x1, v0;
	v6 =	vmpcnt.ones.xlane vm0  }
0x328: {  	(xrf0) =	vadd.scan.msk.s32 $0xffff, v5  }
0x329: {  	(v2sf) =	vpush v6, $0x0;
	_ =	sdelay $0x4  }
0x32a: {  	v4 =	vadd.s32 s0, v4;
	v5, _, _ =	vpop (xrf0)  }
0x32b: {  	v4 =	vadd.s32 v5, v4;
	_ =	sdelay $0x3  }
0x32c: {  	v5 =	vor.u32 s1, v3;
	s1 =	smov.u32 s4  }
.Ltmp10:
0x32d: {  	s2 =	sadd.s32 $0x10, s2;
	[tilespmem:v4+s21+$0x0] =	vst.idx.msk vm0, v5;
	(pc) =	sbr.rel @!p0 .LBB2_17-.Ltmp10, $2  }
0x32e: {  	v4 =	vld [tilespmem:s2+$0x0];
	_ =	sdelay $0x2  }
0x32f: {  	s4 =	spop (v2sf)  }
0x330: {  	_ = 	snop  }
0x331: {  	vm0 =	vne.s32 v4, $0x0  }
0x332: {  	v4 =	vmpcnt.ones.xlane vm0;
	_ =	sdelay $0x1  }
0x333: {  	(v2sf) =	vpush v4, $0x0;
	v4 =	vsel vm0, $0x1, v0  }
0x334: {  	(xrf0) =	vadd.scan.msk.s32 $0xffff, v4;
	_ =	sdelay $0x4  }
0x335: {  	s0 =	sadd.s32 s0, s4;
	v4 =	vsel vm0, $0xFFFFFFFF, v0  }
0x336: {  	v4 =	vadd.s32 s0, v4;
	v5, _, _ =	vpop (xrf0)  }
0x337: {  	v4 =	vadd.s32 v5, v4;
	_ =	sdelay $0x3  }
0x338: {  	v5 =	vor.u32 s1, v3  }
0x339: {  	s30 =	simm.s32 $0x1D580;
	[tilespmem:v4+s21+$0x0] =	vst.idx.msk vm0, v5  }
0x33a: {  	v5 =	vld [tilespmem:s30+$0x0]  }
0x33b: {  	s25 =	spop (v2sf)  }
0x33c: {  	s2 =	simm.s32 $0x0;
	s1 =	sadd.s32 s0, s25  }
0x33d: {  	v6 =	vor.u32 s2, v3;
	v4 =	vmov s1  }
0x33e: {  	vm15 =	vlt.s32 v6, v4  }
0x33f: {  	v6 =	vsel vm15, $0x1, v0;
	v7 =	vnsel vm15, $0x0, v5  }
0x340: {  	v7 =	vshll.u32 v7, $0x6;
	(v2sf) =	vpush v6, $0x0  }
0x341: {  	v7 =	vshra.s32 v7, $0x2;
	(v2sf) =	vpush v6, $0x1  }
0x342: {  	v7 =	vadd.s32 $0x15B80, v7;
	(v2sf) =	vpush v6, $0x2  }
0x343: {  	(v2sf) =	vpush v7, $0x0  }
0x344: {  	(v2sf) =	vpush v6, $0x3  }
0x345: {  	(v2sf) =	vpush v6, $0x4  }
0x346: {  	(v2sf) =	vpush v6, $0x5  }
0x347: {  	(v2sf) =	vpush v6, $0x6  }
0x348: {  	(v2sf) =	vpush v6, $0x7  }
0x349: {  	(v2sf) =	vpush v6, $0x8  }
0x34a: {  	(v2sf) =	vpush v7, $0x1  }
0x34b: {  	(v2sf) =	vpush v6, $0x9  }
0x34c: {  	(v2sf) =	vpush v6, $0xA  }
0x34d: {  	(v2sf) =	vpush v6, $0xB  }
0x34e: {  	(v2sf) =	vpush v6, $0xC  }
0x34f: {  	s3 =	spop (v2sf);
	(v2sf) =	vpush v6, $0xD  }
0x350: {  	s1 =	spop (v2sf);
	(v2sf) =	vpush v6, $0xE  }
0x351: {  	s28 =	simm.s32 $0x1E500;
	v5 =	vnsel vm15, $0xFFFFFFFF, v5;
	(v2sf) =	vpush v7, $0x2;
	s6 =	spop (v2sf)  }
0x352: {  	[tilespmem:s28+$0x0] =	vst v5;
	s2 =	spop (v2sf)  }
0x353: {  	v5 =	vld [tilespmem:s2+$0x0];
	s8 =	spop (v2sf)  }
0x354: {  	s14 =	spop (v2sf)  }
0x355: {  	s15 =	spop (v2sf)  }
0x356: {  	s16 =	spop (v2sf)  }
0x357: {  	p0 =	seq.s32 s3, $0x0;
	(v2sf) =	vpush v6, $0xF;
	s22 =	spop (v2sf)  }
0x358: {  	s29 =	simm.s32 $0x1DD80;
	(v2sf) =	vpush v7, $0x3;
	v5 =	vpsel p0, $0x0, v5;
	s23 =	spop (v2sf)  }
0x359: {  	[tilespmem:s29+$0xFFFFFF80] =	vst v5;
	s4 =	spop (v2sf)  }
0x35a: {  	v5 =	vld [tilespmem:s4+$0x0];
	s24 =	spop (v2sf)  }
0x35b: {  	s25 =	spop (v2sf)  }
0x35c: {  	s4 =	spop (v2sf)  }
0x35d: {  	s3 =	spop (v2sf)  }
0x35e: {  	p4 =	seq.s32 s1, $0x0;
	s2 =	spop (v2sf)  }
0x35f: {  	(v2sf) =	vpush v7, $0x4;
	v5 =	vpsel p4, $0x0, v5;
	s0 =	spop (v2sf)  }
0x360: {  	[tilespmem:s29+$0xFFFFFF90] =	vst v5;
	s1 =	spop (v2sf)  }
0x361: {  	v5 =	vld [tilespmem:s1+$0x0];
	_ =	sdelay $0x3  }
0x362: {  	p5 =	seq.s32 s6, $0x0  }
0x363: {  	(v2sf) =	vpush v7, $0x5;
	s1 =	spop (v2sf);
	v5 =	vpsel p5, $0x0, v5  }
0x364: {  	s6 =	spop (v2sf);
	[tilespmem:s29+$0xFFFFFFA0] =	vst v5  }
0x365: {  	v5 =	vld [tilespmem:s6+$0x0];
	_ =	sdelay $0x3  }
0x366: {  	p6 =	seq.s32 s8, $0x0  }
0x367: {  	(v2sf) =	vpush v7, $0x6;
	v5 =	vpsel p6, $0x0, v5  }
0x368: {  	s8 =	spop (v2sf);
	[tilespmem:s29+$0xFFFFFFB0] =	vst v5  }
0x369: {  	v5 =	vld [tilespmem:s8+$0x0];
	_ =	sdelay $0x3  }
0x36a: {  	p1 =	seq.s32 s14, $0x0  }
0x36b: {  	(v2sf) =	vpush v7, $0x7;
	v5 =	vpsel p1, $0x0, v5  }
0x36c: {  	s14 =	spop (v2sf);
	[tilespmem:s29+$0xFFFFFFC0] =	vst v5  }
0x36d: {  	v5 =	vld [tilespmem:s14+$0x0];
	_ =	sdelay $0x3  }
0x36e: {  	p2 =	seq.s32 s15, $0x0  }
0x36f: {  	(v2sf) =	vpush v7, $0x8;
	v5 =	vpsel p2, $0x0, v5  }
0x370: {  	s15 =	spop (v2sf);
	[tilespmem:s29+$0xFFFFFFD0] =	vst v5  }
0x371: {  	v5 =	vld [tilespmem:s15+$0x0];
	_ =	sdelay $0x3  }
0x372: {  	p3 =	seq.s32 s16, $0x0  }
0x373: {  	(v2sf) =	vpush v7, $0x9;
	v5 =	vpsel p3, $0x0, v5  }
0x374: {  	s16 =	spop (v2sf);
	[tilespmem:s29+$0xFFFFFFE0] =	vst v5  }
0x375: {  	v5 =	vld [tilespmem:s16+$0x0];
	_ =	sdelay $0x3  }
0x376: {  	p4 =	seq.s32 s22, $0x0  }
0x377: {  	(v2sf) =	vpush v7, $0xA;
	v5 =	vpsel p4, $0x0, v5  }
0x378: {  	s8 =	spop (v2sf);
	[tilespmem:s29+$0xFFFFFFF0] =	vst v5  }
0x379: {  	v5 =	vld [tilespmem:s8+$0x0];
	_ =	sdelay $0x3  }
0x37a: {  	p5 =	seq.s32 s23, $0x0  }
0x37b: {  	(v2sf) =	vpush v7, $0xB;
	v5 =	vpsel p5, $0x0, v5  }
0x37c: {  	s14 =	spop (v2sf);
	[tilespmem:s29+$0x0] =	vst v5  }
0x37d: {  	v5 =	vld [tilespmem:s14+$0x0];
	_ =	sdelay $0x3  }
0x37e: {  	p6 =	seq.s32 s24, $0x0  }
0x37f: {  	(v2sf) =	vpush v7, $0xC;
	v5 =	vpsel p6, $0x0, v5  }
0x380: {  	s15 =	spop (v2sf);
	[tilespmem:s29+$0x10] =	vst v5  }
0x381: {  	v5 =	vld [tilespmem:s15+$0x0];
	_ =	sdelay $0x3  }
0x382: {  	p1 =	seq.s32 s25, $0x0  }
0x383: {  	(v2sf) =	vpush v7, $0xD;
	v5 =	vpsel p1, $0x0, v5  }
0x384: {  	s16 =	spop (v2sf);
	[tilespmem:s29+$0x20] =	vst v5  }
0x385: {  	v5 =	vld [tilespmem:s16+$0x0];
	_ =	sdelay $0x3  }
0x386: {  	p2 =	seq.s32 s4, $0x0  }
0x387: {  	(v2sf) =	vpush v7, $0xE;
	v5 =	vpsel p2, $0x0, v5  }
0x388: {  	s22 =	spop (v2sf);
	[tilespmem:s29+$0x30] =	vst v5  }
0x389: {  	v5 =	vld [tilespmem:s22+$0x0];
	_ =	sdelay $0x3  }
0x38a: {  	p3 =	seq.s32 s3, $0x0  }
0x38b: {  	(v2sf) =	vpush v7, $0xF;
	v5 =	vpsel p3, $0x0, v5  }
0x38c: {  	s23 =	spop (v2sf);
	[tilespmem:s29+$0x40] =	vst v5  }
0x38d: {  	v5 =	vld [tilespmem:s23+$0x0];
	_ =	sdelay $0x3  }
0x38e: {  	p4 =	seq.s32 s2, $0x0  }
0x38f: {  	v5 =	vpsel p4, $0x0, v5  }
0x390: {  	s24 =	spop (v2sf);
	[tilespmem:s29+$0x50] =	vst v5  }
0x391: {  	v5 =	vld [tilespmem:s24+$0x0];
	_ =	sdelay $0x3  }
0x392: {  	p5 =	seq.s32 s0, $0x0  }
0x393: {  	v5 =	vpsel p5, $0x0, v5  }
0x394: {  	s25 =	spop (v2sf);
	[tilespmem:s29+$0x60] =	vst v5  }
0x395: {  	v5 =	vld [tilespmem:s25+$0x0];
	_ =	sdelay $0x3  }
0x396: {  	p6 =	seq.s32 s1, $0x0  }
0x397: {  	s31 =	simm.s32 $0x10;
	v5 =	vpsel p6, $0x0, v5  }
.LBB2_19:
0x398: {  	[tilespmem:s29+$0x70] =	vst v5;
	s28 =	sadd.s32 $0x10, s28;
	s30 =	sadd.s32 $0x10, s30;
	s29 =	sadd.s32 $0x100, s29  }
0x399: {  	p0 =	sne.s32 s31, $0x70;
	s0 =	smov.u32 s31;
	s31 =	sadd.s32 $0x10, s31;
	v5 =	vld [tilespmem:s30+$0x0]  }
0x39a: {  	_ =	sdelay $0x1  }
0x39b: {  	v6 =	vor.u32 s0, v3  }
0x39c: {  	vm0 =	vlt.s32 v6, v4  }
0x39d: {  	v6 =	vsel vm0, $0x1, v0;
	v7 =	vnsel vm0, $0x0, v5;
	v8 =	vnsel vm0, $0xFFFFFFFF, v5  }
0x39e: {  	v5 =	vshll.u32 v7, $0x6;
	(v2sf) =	vpush v6, $0x0  }
0x39f: {  	v5 =	vshra.s32 v5, $0x2;
	(v2sf) =	vpush v6, $0x1  }
0x3a0: {  	v5 =	vadd.s32 $0x15B80, v5;
	(v2sf) =	vpush v6, $0x2  }
0x3a1: {  	(v2sf) =	vpush v5, $0x0  }
0x3a2: {  	(v2sf) =	vpush v6, $0x3  }
0x3a3: {  	(v2sf) =	vpush v6, $0x4  }
0x3a4: {  	(v2sf) =	vpush v6, $0x5  }
0x3a5: {  	(v2sf) =	vpush v6, $0x6  }
0x3a6: {  	(v2sf) =	vpush v6, $0x7  }
0x3a7: {  	(v2sf) =	vpush v6, $0x8  }
0x3a8: {  	(v2sf) =	vpush v5, $0x1  }
0x3a9: {  	(v2sf) =	vpush v6, $0x9  }
0x3aa: {  	(v2sf) =	vpush v6, $0xA  }
0x3ab: {  	(v2sf) =	vpush v6, $0xB  }
0x3ac: {  	(v2sf) =	vpush v6, $0xC  }
0x3ad: {  	s0 =	spop (v2sf);
	(v2sf) =	vpush v6, $0xD  }
0x3ae: {  	s1 =	spop (v2sf);
	(v2sf) =	vpush v6, $0xE  }
0x3af: {  	(v2sf) =	vpush v5, $0x2;
	s8 =	spop (v2sf)  }
0x3b0: {  	[tilespmem:s28+$0x0] =	vst v8;
	s2 =	spop (v2sf);
	(v2sf) =	vpush v6, $0xF  }
0x3b1: {  	v6 =	vld [tilespmem:s2+$0x0];
	s25 =	spop (v2sf)  }
0x3b2: {  	s24 =	spop (v2sf)  }
0x3b3: {  	s23 =	spop (v2sf)  }
0x3b4: {  	s22 =	spop (v2sf)  }
0x3b5: {  	p1 =	seq.s32 s0, $0x0;
	s16 =	spop (v2sf)  }
0x3b6: {  	v6 =	vpsel p1, $0x0, v6;
	(v2sf) =	vpush v5, $0x3;
	s15 =	spop (v2sf)  }
0x3b7: {  	[tilespmem:s29+$0xFFFFFF80] =	vst v6;
	s0 =	spop (v2sf)  }
0x3b8: {  	v6 =	vld [tilespmem:s0+$0x0];
	s14 =	spop (v2sf)  }
0x3b9: {  	s4 =	spop (v2sf)  }
0x3ba: {  	s3 =	spop (v2sf)  }
0x3bb: {  	s2 =	spop (v2sf)  }
0x3bc: {  	p1 =	seq.s32 s1, $0x0;
	s0 =	spop (v2sf)  }
0x3bd: {  	v6 =	vpsel p1, $0x0, v6;
	(v2sf) =	vpush v5, $0x4;
	s6 =	spop (v2sf)  }
0x3be: {  	[tilespmem:s29+$0xFFFFFF90] =	vst v6;
	s1 =	spop (v2sf)  }
0x3bf: {  	v6 =	vld [tilespmem:s1+$0x0];
	s1 =	spop (v2sf);
	_ =	sdelay $0x3  }
0x3c0: {  	p1 =	seq.s32 s8, $0x0  }
0x3c1: {  	v6 =	vpsel p1, $0x0, v6;
	(v2sf) =	vpush v5, $0x5  }
0x3c2: {  	[tilespmem:s29+$0xFFFFFFA0] =	vst v6;
	s8 =	spop (v2sf)  }
0x3c3: {  	v6 =	vld [tilespmem:s8+$0x0];
	_ =	sdelay $0x3  }
0x3c4: {  	p1 =	seq.s32 s25, $0x0  }
0x3c5: {  	v6 =	vpsel p1, $0x0, v6;
	(v2sf) =	vpush v5, $0x6  }
0x3c6: {  	[tilespmem:s29+$0xFFFFFFB0] =	vst v6;
	s8 =	spop (v2sf)  }
0x3c7: {  	v6 =	vld [tilespmem:s8+$0x0];
	_ =	sdelay $0x3  }
0x3c8: {  	p1 =	seq.s32 s24, $0x0  }
0x3c9: {  	v6 =	vpsel p1, $0x0, v6;
	(v2sf) =	vpush v5, $0x7  }
0x3ca: {  	[tilespmem:s29+$0xFFFFFFC0] =	vst v6;
	s8 =	spop (v2sf)  }
0x3cb: {  	v6 =	vld [tilespmem:s8+$0x0];
	_ =	sdelay $0x3  }
0x3cc: {  	p1 =	seq.s32 s23, $0x0  }
0x3cd: {  	v6 =	vpsel p1, $0x0, v6;
	(v2sf) =	vpush v5, $0x8  }
0x3ce: {  	[tilespmem:s29+$0xFFFFFFD0] =	vst v6;
	s8 =	spop (v2sf)  }
0x3cf: {  	v6 =	vld [tilespmem:s8+$0x0];
	_ =	sdelay $0x3  }
0x3d0: {  	p1 =	seq.s32 s22, $0x0  }
0x3d1: {  	v6 =	vpsel p1, $0x0, v6;
	(v2sf) =	vpush v5, $0x9  }
0x3d2: {  	[tilespmem:s29+$0xFFFFFFE0] =	vst v6;
	s8 =	spop (v2sf)  }
0x3d3: {  	v6 =	vld [tilespmem:s8+$0x0];
	_ =	sdelay $0x3  }
0x3d4: {  	p1 =	seq.s32 s16, $0x0  }
0x3d5: {  	v6 =	vpsel p1, $0x0, v6;
	(v2sf) =	vpush v5, $0xA  }
0x3d6: {  	[tilespmem:s29+$0xFFFFFFF0] =	vst v6;
	s8 =	spop (v2sf)  }
0x3d7: {  	v6 =	vld [tilespmem:s8+$0x0];
	_ =	sdelay $0x3  }
0x3d8: {  	p1 =	seq.s32 s15, $0x0  }
0x3d9: {  	v6 =	vpsel p1, $0x0, v6;
	(v2sf) =	vpush v5, $0xB  }
0x3da: {  	[tilespmem:s29+$0x0] =	vst v6;
	s8 =	spop (v2sf)  }
0x3db: {  	v6 =	vld [tilespmem:s8+$0x0];
	_ =	sdelay $0x3  }
0x3dc: {  	p1 =	seq.s32 s14, $0x0  }
0x3dd: {  	v6 =	vpsel p1, $0x0, v6;
	(v2sf) =	vpush v5, $0xC  }
0x3de: {  	[tilespmem:s29+$0x10] =	vst v6;
	s8 =	spop (v2sf)  }
0x3df: {  	v6 =	vld [tilespmem:s8+$0x0];
	_ =	sdelay $0x3  }
0x3e0: {  	p1 =	seq.s32 s4, $0x0  }
0x3e1: {  	v6 =	vpsel p1, $0x0, v6;
	(v2sf) =	vpush v5, $0xD  }
0x3e2: {  	[tilespmem:s29+$0x20] =	vst v6;
	s4 =	spop (v2sf)  }
0x3e3: {  	v6 =	vld [tilespmem:s4+$0x0];
	_ =	sdelay $0x3  }
0x3e4: {  	p1 =	seq.s32 s3, $0x0  }
0x3e5: {  	v6 =	vpsel p1, $0x0, v6;
	(v2sf) =	vpush v5, $0xE  }
0x3e6: {  	[tilespmem:s29+$0x30] =	vst v6;
	s3 =	spop (v2sf)  }
0x3e7: {  	v6 =	vld [tilespmem:s3+$0x0];
	_ =	sdelay $0x3  }
0x3e8: {  	p1 =	seq.s32 s2, $0x0  }
0x3e9: {  	v6 =	vpsel p1, $0x0, v6;
	(v2sf) =	vpush v5, $0xF  }
0x3ea: {  	[tilespmem:s29+$0x40] =	vst v6;
	s2 =	spop (v2sf)  }
0x3eb: {  	v5 =	vld [tilespmem:s2+$0x0];
	_ =	sdelay $0x3  }
0x3ec: {  	p1 =	seq.s32 s0, $0x0  }
0x3ed: {  	v5 =	vpsel p1, $0x0, v5  }
0x3ee: {  	[tilespmem:s29+$0x50] =	vst v5;
	s0 =	spop (v2sf)  }
0x3ef: {  	v5 =	vld [tilespmem:s0+$0x0];
	_ =	sdelay $0x3  }
0x3f0: {  	p1 =	seq.s32 s6, $0x0  }
0x3f1: {  	v5 =	vpsel p1, $0x0, v5  }
0x3f2: {  	[tilespmem:s29+$0x60] =	vst v5;
	s0 =	spop (v2sf)  }
0x3f3: {  	v5 =	vld [tilespmem:s0+$0x0]  }
.Ltmp11:
0x3f4: {  	(pc) =	sbr.rel @p0 .LBB2_19-.Ltmp11, $3  }
0x3f5: {  	_ =	sdelay $0x1  }
0x3f6: {  	p1 =	seq.s32 s1, $0x0  }
0x3f7: {  	v5 =	vpsel p1, $0x0, v5  }
0x3f8: {  	[tilespmem:s29+$0x70] =	vst v5;
	s0 =	simm.s32 $0x80;
	s1 =	simm.s32 $0x400;
	s2 =	simm.s32 $0x1DD00  }
0x3f9: {  	[hbm4b:s10+s0] =	stream.strided.scatter [tilespmem:s2], [sflag:$0x1], $0x800, s1, s0, $0x38;
	[tilespmem:$0x1E580] =	vst v63  }
0x3fa: {  	s26 =	sadd.s32 $0x1, s26;
	_ =	swait.ge [sflag:s13], $0x800  }
0x3fb: {  	p0 =	sne.s32 s26, s12;
	[sflag:s13] =	ssyncset.done $0x0  }
.Ltmp12:
0x3fc: {  	s31 =	simm.s32 $0x1E500;
	[sflag:s13] =	ssyncadd.s32 $0xFFFFF800;
	(pc) =	sbr.rel @p0 .LBB2_1-.Ltmp12, $4  }
0x3fd: {  	[hbm4b:s11+s7] =	stream.linear.scatter [tilespmem:s31], [sflag:$0x1], $0x80, $0x38;
	[tilespmem:$0x1E580] =	vst v63  }
0x3fe: {  	_ =	swait.ge [sflag:s13], $0x80  }
0x3ff: {  	[sflag:s13] =	ssyncset.done $0x0  }
0x400: {  	[sflag:s13] =	ssyncadd.s32 $0xFFFFFF80  }
0x401: {  	_ =	sfence.sel $0x180000  }
0x402: {  	[bflag:$0x0] =	sbarrier.arrive $0xFFFF  }
0x403: {  	_ =	strace $0x90000047  }
0x404: {  	s0 =	stileid.u32;
	[bflag:$0x2] =	sbarrier.arrive $0xFFFF  }
0x405: {  	p0 =	sne.s32 s0, $0x0;
	s0 =	rddreg [dreg:$0x7]  }
0x406: {  	s0 =	sadd.s32 @!p0 $0x100000, s0  }
0x407: {  	[sflag:s0] =	ssyncadd.tile.s32 @!p0 $0x1;
	_ =	shalt  }
.Lfunc_end2:
_tile_overlayer_lowered:
.L_overlay_start_2:
0x408: {  	(tag) =	ssettag $0x2  }
0x409: {  	s0 =	rddreg [dreg:$0x0];
	s2 =	stileid.u32  }
0x40a: {  	s1 =	rddreg [dreg:$0x1];
	p0 =	sne.s32 s2, $0x0  }
0x40b: {  	s3 =	rddreg [dreg:$0x2];
	[bflag:$0x3] =	sbarrier.arrive $0xFFFF;
	s2 =	simm.s32 @!p0 $0x1C01  }
0x40c: {  	[timem:s3], [sflag:s2] =	dma.local @!p0 [hbm:s0], s1  }
0x40d: {  	s0 =	simm.s32 @!p0 $0x1  }
0x40e: {  	_ =	swait.ge @!p0 [sflag:s0], s1  }
0x40f: {  	s1 =	ssub.s32 @!p0 $0x0, s1;
	[sflag:s0] =	ssyncset.done @!p0 $0x0  }
0x410: {  	[sflag:s0] =	ssyncadd.s32 @!p0 s1  }
0x411: {  	[bflag:$0x3] =	sbarrier.arrive $0xFFFF  }
0x412: {  	_ =	shalt  }

</sc_bundles>
